<compile_context>
chip_gen: v7x
topology: tpu7x:2x2x1
jax: 0.10.2.dev20260603
libtpu: 0.0.44.dev20260713+nightly
codegen_flags: <defaults>
</compile_context>

<pallas_src>
import jax
import jax.numpy as jnp
from jax import lax
from jax.experimental import pallas as pl
from jax.experimental.pallas import tpu as pltpu
from jax.experimental.pallas import tpu_sc as plsc

BATCH = 16384
USER_D = 32
ITEM_D = 10
TEST_D = 10
TAG_D = 12

NUM_CORES = 2
NUM_SUBCORES = 16
NUM_WORKERS = NUM_CORES * NUM_SUBCORES
B_PER_W = BATCH // NUM_WORKERS
CHUNK = 128
GROUPS = B_PER_W // 16


def _body(u_idx, i_idx, te_idx, ta_idx, user_W, item_W, test_W, tag_W,
          out_hbm, u_idx_v, i_idx_v, te_idx_v, ta_idx_v,
          u_rows, i_rows, te_rows, ta_rows, out_v,
          sem_u, sem_i, sem_te, sem_ta):
    wid = lax.axis_index("s") * NUM_CORES + lax.axis_index("c")
    base = wid * B_PER_W

    pltpu.sync_copy(u_idx.at[pl.ds(base, B_PER_W)], u_idx_v)
    pltpu.sync_copy(i_idx.at[pl.ds(base, B_PER_W)], i_idx_v)
    pltpu.sync_copy(te_idx.at[pl.ds(base, B_PER_W)], te_idx_v)
    pltpu.sync_copy(ta_idx.at[pl.ds(base, B_PER_W)], ta_idx_v)

    def chunk_body(ch, _):
        ch0 = ch * CHUNK

        @plsc.parallel_loop(0, CHUNK // 16)
        def fetch_body(g):
            g16 = ch0 + g * 16
            uvec = u_idx_v[pl.ds(g16, 16)]
            ivec = i_idx_v[pl.ds(g16, 16)]
            tevec = te_idx_v[pl.ds(g16, 16)]
            tavec = ta_idx_v[pl.ds(g16, 16)]
            for l in range(16):
                rr = g * 16 + l
                pltpu.make_async_copy(user_W.at[pl.ds(uvec[l], 1), :],
                                      u_rows.at[pl.ds(rr, 1), :],
                                      sem_u).start()
                pltpu.make_async_copy(item_W.at[pl.ds(ivec[l], 1), :],
                                      i_rows.at[pl.ds(rr, 1), :],
                                      sem_i).start()
                pltpu.make_async_copy(test_W.at[pl.ds(tevec[l], 1), :],
                                      te_rows.at[pl.ds(rr, 1), :],
                                      sem_te).start()
                pltpu.make_async_copy(tag_W.at[pl.ds(tavec[l], 1), :],
                                      ta_rows.at[pl.ds(rr, 1), :],
                                      sem_ta).start()

        pltpu.make_async_copy(user_W.at[pl.ds(0, CHUNK), :], u_rows,
                              sem_u).wait()
        pltpu.make_async_copy(item_W.at[pl.ds(0, CHUNK), :], i_rows,
                              sem_i).wait()
        pltpu.make_async_copy(test_W.at[pl.ds(0, CHUNK), :], te_rows,
                              sem_te).wait()
        pltpu.make_async_copy(tag_W.at[pl.ds(0, CHUNK), :], ta_rows,
                              sem_ta).wait()

        def group_body(g, _):
            rows = g * 16 + lax.broadcasted_iota(jnp.int32, (16,), 0)
            acc = jnp.zeros((16,), jnp.float32)
            for d in range(USER_D):
                dvec = jnp.full((16,), d, jnp.int32)
                u = plsc.load_gather(u_rows, [rows, dvec])
                if d < ITEM_D:
                    c = plsc.load_gather(i_rows, [rows, dvec])
                elif d < ITEM_D + TEST_D:
                    c = plsc.load_gather(
                        te_rows,
                        [rows, jnp.full((16,), d - ITEM_D, jnp.int32)])
                else:
                    c = plsc.load_gather(
                        ta_rows,
                        [rows, jnp.full((16,), d - ITEM_D - TEST_D,
                                        jnp.int32)])
                acc = acc + u * c
            res = 1.0 / (1.0 + jnp.exp(-acc))
            out_v[pl.ds(ch0 + g * 16, 16)] = res
            return ()

        lax.fori_loop(0, CHUNK // 16, group_body, (), unroll=False)
        return ()

    lax.fori_loop(0, B_PER_W // CHUNK, chunk_body, (), unroll=False)

    pltpu.sync_copy(out_v, out_hbm.at[pl.ds(base, B_PER_W)])


@jax.jit
def _run(u_idx, i_idx, te_idx, ta_idx, user_W, item_W, test_W, tag_W):
    mesh = plsc.VectorSubcoreMesh(core_axis_name="c", subcore_axis_name="s",
                                  num_cores=NUM_CORES,
                                  num_subcores=NUM_SUBCORES)
    idx1 = pltpu.VMEM((B_PER_W,), jnp.int32)
    return pl.kernel(
        _body,
        out_type=jax.ShapeDtypeStruct((BATCH,), jnp.float32),
        mesh=mesh,
        scratch_types=[
            idx1, idx1, idx1, idx1,
            pltpu.VMEM((CHUNK, USER_D), jnp.float32),
            pltpu.VMEM((CHUNK, ITEM_D), jnp.float32),
            pltpu.VMEM((CHUNK, TEST_D), jnp.float32),
            pltpu.VMEM((CHUNK, TAG_D), jnp.float32),
            pltpu.VMEM((B_PER_W,), jnp.float32),
            pltpu.SemaphoreType.DMA,
            pltpu.SemaphoreType.DMA,
            pltpu.SemaphoreType.DMA,
            pltpu.SemaphoreType.DMA,
        ],
        compiler_params=pltpu.CompilerParams(
            use_tc_tiling_on_sc=True,
            needs_layout_passes=False,
        ),
    )(u_idx, i_idx, te_idx, ta_idx, user_W, item_W, test_W, tag_W)


def kernel(data, user_W, item_W, test_W, tag_W):
    u_idx = data[:, 0]
    i_idx = data[:, 1]
    te_idx = data[:, 2]
    ta_idx = data[:, 3]
    return _run(u_idx, i_idx, te_idx, ta_idx, user_W, item_W, test_W, tag_W)

# --- scband reference (transcript-rebuilt; emitter-appended) ---
"""Pipeline reference for scband-ultra-gcn-27848567947757 (READ-ONLY COPY).

The authoritative reference and input builder live on the scoring server;
editing this copy changes nothing except your own understanding.
"""

import jax, jax.numpy as jnp
import numpy as np

USER_NUM = 1000000
ITEM_NUM = 1000000
TEST_NUM = 1000000
TAG_NUM = 1000000
EMBED_DIM = 64
BATCH = 16384

USER_D = EMBED_DIM // 2            # 32
ITEM_D = EMBED_DIM // 6            # 10
TEST_D = EMBED_DIM // 6            # 10
TAG_D = EMBED_DIM // 2 - (EMBED_DIM // 6) * 2  # 12


def setup_inputs(seed: int = 0) -> dict:
    key = jax.random.key(seed)
    k_data, k_u, k_i, k_te, k_ta = jax.random.split(key, 5)
    data = jax.random.randint(k_data, (BATCH, 4), 0, USER_NUM, dtype=jnp.int32)
    # learned parameters (xavier-like init approximated by scaled normal)
    user_W = jax.random.normal(k_u, (USER_NUM, USER_D), dtype=jnp.float32) * 0.02
    item_W = jax.random.normal(k_i, (ITEM_NUM, ITEM_D), dtype=jnp.float32) * 0.02
    test_W = jax.random.normal(k_te, (TEST_NUM, TEST_D), dtype=jnp.float32) * 0.02
    tag_W = jax.random.normal(k_ta, (TAG_NUM, TAG_D), dtype=jnp.float32) * 0.02
    return {"data": data, "user_W": user_W, "item_W": item_W, "test_W": test_W, "tag_W": tag_W}


def reference(data, user_W, item_W, test_W, tag_W):
    users = data[:, 0]
    items = data[:, 1]
    tests = data[:, 2]
    tags = data[:, 3]
    user_embeds = jnp.take(user_W, users, axis=0)
    item_embeds = jnp.take(item_W, items, axis=0)
    test_embeds = jnp.take(test_W, tests, axis=0)
    tag_embeds = jnp.take(tag_W, tags, axis=0)
    item_embeds_concat = jnp.concatenate((item_embeds, test_embeds, tag_embeds), axis=1)
    return jax.nn.sigmoid((user_embeds * item_embeds_concat).sum(axis=-1))

if __name__ == "__main__":
    import jax
    _d = setup_inputs()
    print(jax.jit(kernel)(*tuple(_d.values())))

</pallas_src>

<mosaic_0001>
#map = affine_map<(d0, d1) -> (0)>
#map1 = affine_map<(d0, d1) -> (0, 0)>
module attributes {stable_mosaic.version = 14 : i64} {
  func.func @_body(%arg0: i32, %arg1: i32, %arg2: memref<16384xi32, #tpu.memory_space<hbm>>, %arg3: memref<16384xi32, #tpu.memory_space<hbm>>, %arg4: memref<16384xi32, #tpu.memory_space<hbm>>, %arg5: memref<16384xi32, #tpu.memory_space<hbm>>, %arg6: memref<1000000x32xf32, #tpu.memory_space<hbm>>, %arg7: memref<1000000x10xf32, #tpu.memory_space<hbm>>, %arg8: memref<1000000x10xf32, #tpu.memory_space<hbm>>, %arg9: memref<1000000x12xf32, #tpu.memory_space<hbm>>, %arg10: memref<16384xf32, #tpu.memory_space<hbm>>, %arg11: memref<512xi32, #tpu.memory_space<vmem>>, %arg12: memref<512xi32, #tpu.memory_space<vmem>>, %arg13: memref<512xi32, #tpu.memory_space<vmem>>, %arg14: memref<512xi32, #tpu.memory_space<vmem>>, %arg15: memref<128x32xf32, #tpu.memory_space<vmem>>, %arg16: memref<128x10xf32, #tpu.memory_space<vmem>>, %arg17: memref<128x10xf32, #tpu.memory_space<vmem>>, %arg18: memref<128x12xf32, #tpu.memory_space<vmem>>, %arg19: memref<512xf32, #tpu.memory_space<vmem>>, %arg20: memref<!tpu.dma_semaphore, #tpu.memory_space<semaphore_mem>>, %arg21: memref<!tpu.dma_semaphore, #tpu.memory_space<semaphore_mem>>, %arg22: memref<!tpu.dma_semaphore, #tpu.memory_space<semaphore_mem>>, %arg23: memref<!tpu.dma_semaphore, #tpu.memory_space<semaphore_mem>>) attributes {dimension_semantics = [#tpu.dimension_semantics<core_parallel>, #tpu.dimension_semantics<subcore_parallel>], iteration_bounds = array<i64: 2, 16>, scalar_prefetch = 0 : i64, scratch_operands = 13 : i64, tpu.core_type = #tpu.core_type<sc_vector_subcore>, window_params = [{transform_indices = #map}, {transform_indices = #map}, {transform_indices = #map}, {transform_indices = #map}, {transform_indices = #map1}, {transform_indices = #map1}, {transform_indices = #map1}, {transform_indices = #map1}, {transform_indices = #map}]} {
    %mul3A = arith.constant 2 : i32
    %mul3A_0 = arith.muli %arg1, %mul3A : i32
    %add3A = arith.addi %mul3A_0, %arg0 : i32
    %mul3A_1 = arith.constant 512 : i32
    %mul3A_2 = arith.muli %add3A, %mul3A_1 : i32
    "tpu.region"() ({
      %run_scoped3A = tpu.sem_alloc : memref<!tpu.dma_semaphore, #tpu.memory_space<semaphore_mem>>
      %dma_start3A = tpu.memref_slice %arg2[%mul3A_2] : memref<16384xi32, #tpu.memory_space<hbm>> -> memref<512xi32, #tpu.memory_space<hbm>>
      %dma_start3A_7 = tpu.memref_slice %arg2[%mul3A_2] : memref<16384xi32, #tpu.memory_space<hbm>> -> memref<512xi32, #tpu.memory_space<hbm>>
      tpu.enqueue_dma source(%dma_start3A_7 : memref<512xi32, #tpu.memory_space<hbm>>) target(%arg11 : memref<512xi32, #tpu.memory_space<vmem>>) target_semaphore(%run_scoped3A : memref<!tpu.dma_semaphore, #tpu.memory_space<semaphore_mem>>)
      %dma_wait3A = tpu.memref_slice %arg2[%mul3A_2] : memref<16384xi32, #tpu.memory_space<hbm>> -> memref<512xi32, #tpu.memory_space<hbm>>
      %dma_wait3A_8 = tpu.memref_slice %arg2[%mul3A_2] : memref<16384xi32, #tpu.memory_space<hbm>> -> memref<512xi32, #tpu.memory_space<hbm>>
      tpu.wait_dma2 semaphore(%run_scoped3A : memref<!tpu.dma_semaphore, #tpu.memory_space<semaphore_mem>>) src(%dma_wait3A_8 : memref<512xi32, #tpu.memory_space<hbm>>) dst(%arg11 : memref<512xi32, #tpu.memory_space<vmem>>)
      tpu.yield
    }) : () -> ()
    "tpu.region"() ({
      %run_scoped3A = tpu.sem_alloc : memref<!tpu.dma_semaphore, #tpu.memory_space<semaphore_mem>>
      %dma_start3A = tpu.memref_slice %arg3[%mul3A_2] : memref<16384xi32, #tpu.memory_space<hbm>> -> memref<512xi32, #tpu.memory_space<hbm>>
      %dma_start3A_7 = tpu.memref_slice %arg3[%mul3A_2] : memref<16384xi32, #tpu.memory_space<hbm>> -> memref<512xi32, #tpu.memory_space<hbm>>
      tpu.enqueue_dma source(%dma_start3A_7 : memref<512xi32, #tpu.memory_space<hbm>>) target(%arg12 : memref<512xi32, #tpu.memory_space<vmem>>) target_semaphore(%run_scoped3A : memref<!tpu.dma_semaphore, #tpu.memory_space<semaphore_mem>>)
      %dma_wait3A = tpu.memref_slice %arg3[%mul3A_2] : memref<16384xi32, #tpu.memory_space<hbm>> -> memref<512xi32, #tpu.memory_space<hbm>>
      %dma_wait3A_8 = tpu.memref_slice %arg3[%mul3A_2] : memref<16384xi32, #tpu.memory_space<hbm>> -> memref<512xi32, #tpu.memory_space<hbm>>
      tpu.wait_dma2 semaphore(%run_scoped3A : memref<!tpu.dma_semaphore, #tpu.memory_space<semaphore_mem>>) src(%dma_wait3A_8 : memref<512xi32, #tpu.memory_space<hbm>>) dst(%arg12 : memref<512xi32, #tpu.memory_space<vmem>>)
      tpu.yield
    }) : () -> ()
    "tpu.region"() ({
      %run_scoped3A = tpu.sem_alloc : memref<!tpu.dma_semaphore, #tpu.memory_space<semaphore_mem>>
      %dma_start3A = tpu.memref_slice %arg4[%mul3A_2] : memref<16384xi32, #tpu.memory_space<hbm>> -> memref<512xi32, #tpu.memory_space<hbm>>
      %dma_start3A_7 = tpu.memref_slice %arg4[%mul3A_2] : memref<16384xi32, #tpu.memory_space<hbm>> -> memref<512xi32, #tpu.memory_space<hbm>>
      tpu.enqueue_dma source(%dma_start3A_7 : memref<512xi32, #tpu.memory_space<hbm>>) target(%arg13 : memref<512xi32, #tpu.memory_space<vmem>>) target_semaphore(%run_scoped3A : memref<!tpu.dma_semaphore, #tpu.memory_space<semaphore_mem>>)
      %dma_wait3A = tpu.memref_slice %arg4[%mul3A_2] : memref<16384xi32, #tpu.memory_space<hbm>> -> memref<512xi32, #tpu.memory_space<hbm>>
      %dma_wait3A_8 = tpu.memref_slice %arg4[%mul3A_2] : memref<16384xi32, #tpu.memory_space<hbm>> -> memref<512xi32, #tpu.memory_space<hbm>>
      tpu.wait_dma2 semaphore(%run_scoped3A : memref<!tpu.dma_semaphore, #tpu.memory_space<semaphore_mem>>) src(%dma_wait3A_8 : memref<512xi32, #tpu.memory_space<hbm>>) dst(%arg13 : memref<512xi32, #tpu.memory_space<vmem>>)
      tpu.yield
    }) : () -> ()
    "tpu.region"() ({
      %run_scoped3A = tpu.sem_alloc : memref<!tpu.dma_semaphore, #tpu.memory_space<semaphore_mem>>
      %dma_start3A = tpu.memref_slice %arg5[%mul3A_2] : memref<16384xi32, #tpu.memory_space<hbm>> -> memref<512xi32, #tpu.memory_space<hbm>>
      %dma_start3A_7 = tpu.memref_slice %arg5[%mul3A_2] : memref<16384xi32, #tpu.memory_space<hbm>> -> memref<512xi32, #tpu.memory_space<hbm>>
      tpu.enqueue_dma source(%dma_start3A_7 : memref<512xi32, #tpu.memory_space<hbm>>) target(%arg14 : memref<512xi32, #tpu.memory_space<vmem>>) target_semaphore(%run_scoped3A : memref<!tpu.dma_semaphore, #tpu.memory_space<semaphore_mem>>)
      %dma_wait3A = tpu.memref_slice %arg5[%mul3A_2] : memref<16384xi32, #tpu.memory_space<hbm>> -> memref<512xi32, #tpu.memory_space<hbm>>
      %dma_wait3A_8 = tpu.memref_slice %arg5[%mul3A_2] : memref<16384xi32, #tpu.memory_space<hbm>> -> memref<512xi32, #tpu.memory_space<hbm>>
      tpu.wait_dma2 semaphore(%run_scoped3A : memref<!tpu.dma_semaphore, #tpu.memory_space<semaphore_mem>>) src(%dma_wait3A_8 : memref<512xi32, #tpu.memory_space<hbm>>) dst(%arg14 : memref<512xi32, #tpu.memory_space<vmem>>)
      tpu.yield
    }) : () -> ()
    %scan3A = arith.constant 0 : i32
    %scan3A_3 = arith.constant 4 : i32
    %scan3A_4 = arith.addi %scan3A, %scan3A_3 : i32
    %scan3A_5 = arith.constant 1 : i32
    scf.for %scan3A_7 = %scan3A to %scan3A_4 step %scan3A_5  : i32 {
      %mul3A_8 = arith.constant 128 : i32
      %mul3A_9 = arith.muli %scan3A_7, %mul3A_8 : i32
      %parallel_loop3A = arith.constant 0 : i32
      %parallel_loop3A_10 = arith.constant 8 : i32
      %parallel_loop3A_11 = arith.constant 1 : i32
      scf.for %parallel_loop3A_40 = %parallel_loop3A to %parallel_loop3A_10 step %parallel_loop3A_11  : i32 {
        %parallel_loop3A_41 = arith.constant 16 : i32
        %parallel_loop3A_42 = arith.muli %parallel_loop3A_40, %parallel_loop3A_41 : i32
        %parallel_loop3A_43 = arith.addi %mul3A_9, %parallel_loop3A_42 : i32
        %parallel_loop3A_44 = arith.index_cast %parallel_loop3A_43 : i32 to index
        %parallel_loop3A_45 = tpu.vector_load %arg11[%parallel_loop3A_44] {strides = array<i32>} : memref<512xi32, #tpu.memory_space<vmem>>, vector<16xi32>,
        %parallel_loop3A_46 = arith.index_cast %parallel_loop3A_43 : i32 to index
        %parallel_loop3A_47 = tpu.vector_load %arg12[%parallel_loop3A_46] {strides = array<i32>} : memref<512xi32, #tpu.memory_space<vmem>>, vector<16xi32>,
        %parallel_loop3A_48 = arith.index_cast %parallel_loop3A_43 : i32 to index
        %parallel_loop3A_49 = tpu.vector_load %arg13[%parallel_loop3A_48] {strides = array<i32>} : memref<512xi32, #tpu.memory_space<vmem>>, vector<16xi32>,
        %parallel_loop3A_50 = arith.index_cast %parallel_loop3A_43 : i32 to index
        %parallel_loop3A_51 = tpu.vector_load %arg14[%parallel_loop3A_50] {strides = array<i32>} : memref<512xi32, #tpu.memory_space<vmem>>, vector<16xi32>,
        %parallel_loop3A_52 = arith.constant 16 : i32
        %parallel_loop3A_53 = arith.muli %parallel_loop3A_40, %parallel_loop3A_52 : i32
        %parallel_loop3A_54 = arith.constant 0 : i32
        %parallel_loop3A_55 = arith.addi %parallel_loop3A_53, %parallel_loop3A_54 : i32
        %parallel_loop3A_56 = vector.extract_strided_slice %parallel_loop3A_45 {offsets = [0], sizes = [1], strides = [1]} : vector<16xi32> to vector<1xi32>
        %parallel_loop3A_57 = vector.extract %parallel_loop3A_56[0] : i32 from vector<1xi32>
        %parallel_loop3A_58 = arith.constant 0 : i32
        %parallel_loop3A_59 = tpu.memref_slice %arg15[%parallel_loop3A_55, %parallel_loop3A_58] : memref<128x32xf32, #tpu.memory_space<vmem>> -> memref<1x32xf32, #tpu.memory_space<vmem>>
        %parallel_loop3A_60 = arith.constant 0 : i32
        %parallel_loop3A_61 = tpu.memref_slice %arg6[%parallel_loop3A_57, %parallel_loop3A_60] : memref<1000000x32xf32, #tpu.memory_space<hbm>> -> memref<1x32xf32, #tpu.memory_space<hbm>>
        %parallel_loop3A_62 = arith.constant 0 : i32
        %parallel_loop3A_63 = tpu.memref_slice %arg15[%parallel_loop3A_55, %parallel_loop3A_62] : memref<128x32xf32, #tpu.memory_space<vmem>> -> memref<1x32xf32, #tpu.memory_space<vmem>>
        %parallel_loop3A_64 = arith.constant 0 : i32
        %parallel_loop3A_65 = tpu.memref_slice %arg6[%parallel_loop3A_57, %parallel_loop3A_64] : memref<1000000x32xf32, #tpu.memory_space<hbm>> -> memref<1x32xf32, #tpu.memory_space<hbm>>
        tpu.enqueue_dma source(%parallel_loop3A_65 : memref<1x32xf32, #tpu.memory_space<hbm>>) target(%parallel_loop3A_63 : memref<1x32xf32, #tpu.memory_space<vmem>>) target_semaphore(%arg20 : memref<!tpu.dma_semaphore, #tpu.memory_space<semaphore_mem>>)
        %parallel_loop3A_66 = vector.extract_strided_slice %parallel_loop3A_47 {offsets = [0], sizes = [1], strides = [1]} : vector<16xi32> to vector<1xi32>
        %parallel_loop3A_67 = vector.extract %parallel_loop3A_66[0] : i32 from vector<1xi32>
        %parallel_loop3A_68 = arith.constant 0 : i32
        %parallel_loop3A_69 = tpu.memref_slice %arg16[%parallel_loop3A_55, %parallel_loop3A_68] : memref<128x10xf32, #tpu.memory_space<vmem>> -> memref<1x10xf32, #tpu.memory_space<vmem>>
        %parallel_loop3A_70 = arith.constant 0 : i32
        %parallel_loop3A_71 = tpu.memref_slice %arg7[%parallel_loop3A_67, %parallel_loop3A_70] : memref<1000000x10xf32, #tpu.memory_space<hbm>> -> memref<1x10xf32, #tpu.memory_space<hbm>>
        %parallel_loop3A_72 = arith.constant 0 : i32
        %parallel_loop3A_73 = tpu.memref_slice %arg16[%parallel_loop3A_55, %parallel_loop3A_72] : memref<128x10xf32, #tpu.memory_space<vmem>> -> memref<1x10xf32, #tpu.memory_space<vmem>>
        %parallel_loop3A_74 = arith.constant 0 : i32
        %parallel_loop3A_75 = tpu.memref_slice %arg7[%parallel_loop3A_67, %parallel_loop3A_74] : memref<1000000x10xf32, #tpu.memory_space<hbm>> -> memref<1x10xf32, #tpu.memory_space<hbm>>
        tpu.enqueue_dma source(%parallel_loop3A_75 : memref<1x10xf32, #tpu.memory_space<hbm>>) target(%parallel_loop3A_73 : memref<1x10xf32, #tpu.memory_space<vmem>>) target_semaphore(%arg21 : memref<!tpu.dma_semaphore, #tpu.memory_space<semaphore_mem>>)
        %parallel_loop3A_76 = vector.extract_strided_slice %parallel_loop3A_49 {offsets = [0], sizes = [1], strides = [1]} : vector<16xi32> to vector<1xi32>
        %parallel_loop3A_77 = vector.extract %parallel_loop3A_76[0] : i32 from vector<1xi32>
        %parallel_loop3A_78 = arith.constant 0 : i32
        %parallel_loop3A_79 = tpu.memref_slice %arg17[%parallel_loop3A_55, %parallel_loop3A_78] : memref<128x10xf32, #tpu.memory_space<vmem>> -> memref<1x10xf32, #tpu.memory_space<vmem>>
        %parallel_loop3A_80 = arith.constant 0 : i32
        %parallel_loop3A_81 = tpu.memref_slice %arg8[%parallel_loop3A_77, %parallel_loop3A_80] : memref<1000000x10xf32, #tpu.memory_space<hbm>> -> memref<1x10xf32, #tpu.memory_space<hbm>>
        %parallel_loop3A_82 = arith.constant 0 : i32
        %parallel_loop3A_83 = tpu.memref_slice %arg17[%parallel_loop3A_55, %parallel_loop3A_82] : memref<128x10xf32, #tpu.memory_space<vmem>> -> memref<1x10xf32, #tpu.memory_space<vmem>>
        %parallel_loop3A_84 = arith.constant 0 : i32
        %parallel_loop3A_85 = tpu.memref_slice %arg8[%parallel_loop3A_77, %parallel_loop3A_84] : memref<1000000x10xf32, #tpu.memory_space<hbm>> -> memref<1x10xf32, #tpu.memory_space<hbm>>
        tpu.enqueue_dma source(%parallel_loop3A_85 : memref<1x10xf32, #tpu.memory_space<hbm>>) target(%parallel_loop3A_83 : memref<1x10xf32, #tpu.memory_space<vmem>>) target_semaphore(%arg22 : memref<!tpu.dma_semaphore, #tpu.memory_space<semaphore_mem>>)
        %parallel_loop3A_86 = vector.extract_strided_slice %parallel_loop3A_51 {offsets = [0], sizes = [1], strides = [1]} : vector<16xi32> to vector<1xi32>
        %parallel_loop3A_87 = vector.extract %parallel_loop3A_86[0] : i32 from vector<1xi32>
        %parallel_loop3A_88 = arith.constant 0 : i32
        %parallel_loop3A_89 = tpu.memref_slice %arg18[%parallel_loop3A_55, %parallel_loop3A_88] : memref<128x12xf32, #tpu.memory_space<vmem>> -> memref<1x12xf32, #tpu.memory_space<vmem>>
        %parallel_loop3A_90 = arith.constant 0 : i32
        %parallel_loop3A_91 = tpu.memref_slice %arg9[%parallel_loop3A_87, %parallel_loop3A_90] : memref<1000000x12xf32, #tpu.memory_space<hbm>> -> memref<1x12xf32, #tpu.memory_space<hbm>>
        %parallel_loop3A_92 = arith.constant 0 : i32
        %parallel_loop3A_93 = tpu.memref_slice %arg18[%parallel_loop3A_55, %parallel_loop3A_92] : memref<128x12xf32, #tpu.memory_space<vmem>> -> memref<1x12xf32, #tpu.memory_space<vmem>>
        %parallel_loop3A_94 = arith.constant 0 : i32
        %parallel_loop3A_95 = tpu.memref_slice %arg9[%parallel_loop3A_87, %parallel_loop3A_94] : memref<1000000x12xf32, #tpu.memory_space<hbm>> -> memref<1x12xf32, #tpu.memory_space<hbm>>
        tpu.enqueue_dma source(%parallel_loop3A_95 : memref<1x12xf32, #tpu.memory_space<hbm>>) target(%parallel_loop3A_93 : memref<1x12xf32, #tpu.memory_space<vmem>>) target_semaphore(%arg23 : memref<!tpu.dma_semaphore, #tpu.memory_space<semaphore_mem>>)
        %parallel_loop3A_96 = arith.constant 16 : i32
        %parallel_loop3A_97 = arith.muli %parallel_loop3A_40, %parallel_loop3A_96 : i32
        %parallel_loop3A_98 = arith.constant 1 : i32
        %parallel_loop3A_99 = arith.addi %parallel_loop3A_97, %parallel_loop3A_98 : i32
        %parallel_loop3A_100 = vector.extract_strided_slice %parallel_loop3A_45 {offsets = [1], sizes = [1], strides = [1]} : vector<16xi32> to vector<1xi32>
        %parallel_loop3A_101 = vector.extract %parallel_loop3A_100[0] : i32 from vector<1xi32>
        %parallel_loop3A_102 = arith.constant 0 : i32
        %parallel_loop3A_103 = tpu.memref_slice %arg15[%parallel_loop3A_99, %parallel_loop3A_102] : memref<128x32xf32, #tpu.memory_space<vmem>> -> memref<1x32xf32, #tpu.memory_space<vmem>>
        %parallel_loop3A_104 = arith.constant 0 : i32
        %parallel_loop3A_105 = tpu.memref_slice %arg6[%parallel_loop3A_101, %parallel_loop3A_104] : memref<1000000x32xf32, #tpu.memory_space<hbm>> -> memref<1x32xf32, #tpu.memory_space<hbm>>
        %parallel_loop3A_106 = arith.constant 0 : i32
        %parallel_loop3A_107 = tpu.memref_slice %arg15[%parallel_loop3A_99, %parallel_loop3A_106] : memref<128x32xf32, #tpu.memory_space<vmem>> -> memref<1x32xf32, #tpu.memory_space<vmem>>
        %parallel_loop3A_108 = arith.constant 0 : i32
        %parallel_loop3A_109 = tpu.memref_slice %arg6[%parallel_loop3A_101, %parallel_loop3A_108] : memref<1000000x32xf32, #tpu.memory_space<hbm>> -> memref<1x32xf32, #tpu.memory_space<hbm>>
        tpu.enqueue_dma source(%parallel_loop3A_109 : memref<1x32xf32, #tpu.memory_space<hbm>>) target(%parallel_loop3A_107 : memref<1x32xf32, #tpu.memory_space<vmem>>) target_semaphore(%arg20 : memref<!tpu.dma_semaphore, #tpu.memory_space<semaphore_mem>>)
        %parallel_loop3A_110 = vector.extract_strided_slice %parallel_loop3A_47 {offsets = [1], sizes = [1], strides = [1]} : vector<16xi32> to vector<1xi32>
        %parallel_loop3A_111 = vector.extract %parallel_loop3A_110[0] : i32 from vector<1xi32>
        %parallel_loop3A_112 = arith.constant 0 : i32
        %parallel_loop3A_113 = tpu.memref_slice %arg16[%parallel_loop3A_99, %parallel_loop3A_112] : memref<128x10xf32, #tpu.memory_space<vmem>> -> memref<1x10xf32, #tpu.memory_space<vmem>>
        %parallel_loop3A_114 = arith.constant 0 : i32
        %parallel_loop3A_115 = tpu.memref_slice %arg7[%parallel_loop3A_111, %parallel_loop3A_114] : memref<1000000x10xf32, #tpu.memory_space<hbm>> -> memref<1x10xf32, #tpu.memory_space<hbm>>
        %parallel_loop3A_116 = arith.constant 0 : i32
        %parallel_loop3A_117 = tpu.memref_slice %arg16[%parallel_loop3A_99, %parallel_loop3A_116] : memref<128x10xf32, #tpu.memory_space<vmem>> -> memref<1x10xf32, #tpu.memory_space<vmem>>
        %parallel_loop3A_118 = arith.constant 0 : i32
        %parallel_loop3A_119 = tpu.memref_slice %arg7[%parallel_loop3A_111, %parallel_loop3A_118] : memref<1000000x10xf32, #tpu.memory_space<hbm>> -> memref<1x10xf32, #tpu.memory_space<hbm>>
        tpu.enqueue_dma source(%parallel_loop3A_119 : memref<1x10xf32, #tpu.memory_space<hbm>>) target(%parallel_loop3A_117 : memref<1x10xf32, #tpu.memory_space<vmem>>) target_semaphore(%arg21 : memref<!tpu.dma_semaphore, #tpu.memory_space<semaphore_mem>>)
        %parallel_loop3A_120 = vector.extract_strided_slice %parallel_loop3A_49 {offsets = [1], sizes = [1], strides = [1]} : vector<16xi32> to vector<1xi32>
        %parallel_loop3A_121 = vector.extract %parallel_loop3A_120[0] : i32 from vector<1xi32>
        %parallel_loop3A_122 = arith.constant 0 : i32
        %parallel_loop3A_123 = tpu.memref_slice %arg17[%parallel_loop3A_99, %parallel_loop3A_122] : memref<128x10xf32, #tpu.memory_space<vmem>> -> memref<1x10xf32, #tpu.memory_space<vmem>>
        %parallel_loop3A_124 = arith.constant 0 : i32
        %parallel_loop3A_125 = tpu.memref_slice %arg8[%parallel_loop3A_121, %parallel_loop3A_124] : memref<1000000x10xf32, #tpu.memory_space<hbm>> -> memref<1x10xf32, #tpu.memory_space<hbm>>
        %parallel_loop3A_126 = arith.constant 0 : i32
        %parallel_loop3A_127 = tpu.memref_slice %arg17[%parallel_loop3A_99, %parallel_loop3A_126] : memref<128x10xf32, #tpu.memory_space<vmem>> -> memref<1x10xf32, #tpu.memory_space<vmem>>
        %parallel_loop3A_128 = arith.constant 0 : i32
        %parallel_loop3A_129 = tpu.memref_slice %arg8[%parallel_loop3A_121, %parallel_loop3A_128] : memref<1000000x10xf32, #tpu.memory_space<hbm>> -> memref<1x10xf32, #tpu.memory_space<hbm>>
        tpu.enqueue_dma source(%parallel_loop3A_129 : memref<1x10xf32, #tpu.memory_space<hbm>>) target(%parallel_loop3A_127 : memref<1x10xf32, #tpu.memory_space<vmem>>) target_semaphore(%arg22 : memref<!tpu.dma_semaphore, #tpu.memory_space<semaphore_mem>>)
        %parallel_loop3A_130 = vector.extract_strided_slice %parallel_loop3A_51 {offsets = [1], sizes = [1], strides = [1]} : vector<16xi32> to vector<1xi32>
        %parallel_loop3A_131 = vector.extract %parallel_loop3A_130[0] : i32 from vector<1xi32>
        %parallel_loop3A_132 = arith.constant 0 : i32
        %parallel_loop3A_133 = tpu.memref_slice %arg18[%parallel_loop3A_99, %parallel_loop3A_132] : memref<128x12xf32, #tpu.memory_space<vmem>> -> memref<1x12xf32, #tpu.memory_space<vmem>>
        %parallel_loop3A_134 = arith.constant 0 : i32
        %parallel_loop3A_135 = tpu.memref_slice %arg9[%parallel_loop3A_131, %parallel_loop3A_134] : memref<1000000x12xf32, #tpu.memory_space<hbm>> -> memref<1x12xf32, #tpu.memory_space<hbm>>
        %parallel_loop3A_136 = arith.constant 0 : i32
        %parallel_loop3A_137 = tpu.memref_slice %arg18[%parallel_loop3A_99, %parallel_loop3A_136] : memref<128x12xf32, #tpu.memory_space<vmem>> -> memref<1x12xf32, #tpu.memory_space<vmem>>
        %parallel_loop3A_138 = arith.constant 0 : i32
        %parallel_loop3A_139 = tpu.memref_slice %arg9[%parallel_loop3A_131, %parallel_loop3A_138] : memref<1000000x12xf32, #tpu.memory_space<hbm>> -> memref<1x12xf32, #tpu.memory_space<hbm>>
        tpu.enqueue_dma source(%parallel_loop3A_139 : memref<1x12xf32, #tpu.memory_space<hbm>>) target(%parallel_loop3A_137 : memref<1x12xf32, #tpu.memory_space<vmem>>) target_semaphore(%arg23 : memref<!tpu.dma_semaphore, #tpu.memory_space<semaphore_mem>>)
        %parallel_loop3A_140 = arith.constant 16 : i32
        %parallel_loop3A_141 = arith.muli %parallel_loop3A_40, %parallel_loop3A_140 : i32
        %parallel_loop3A_142 = arith.constant 2 : i32
        %parallel_loop3A_143 = arith.addi %parallel_loop3A_141, %parallel_loop3A_142 : i32
        %parallel_loop3A_144 = vector.extract_strided_slice %parallel_loop3A_45 {offsets = [2], sizes = [1], strides = [1]} : vector<16xi32> to vector<1xi32>
        %parallel_loop3A_145 = vector.extract %parallel_loop3A_144[0] : i32 from vector<1xi32>
        %parallel_loop3A_146 = arith.constant 0 : i32
        %parallel_loop3A_147 = tpu.memref_slice %arg15[%parallel_loop3A_143, %parallel_loop3A_146] : memref<128x32xf32, #tpu.memory_space<vmem>> -> memref<1x32xf32, #tpu.memory_space<vmem>>
        %parallel_loop3A_148 = arith.constant 0 : i32
        %parallel_loop3A_149 = tpu.memref_slice %arg6[%parallel_loop3A_145, %parallel_loop3A_148] : memref<1000000x32xf32, #tpu.memory_space<hbm>> -> memref<1x32xf32, #tpu.memory_space<hbm>>
        %parallel_loop3A_150 = arith.constant 0 : i32
        %parallel_loop3A_151 = tpu.memref_slice %arg15[%parallel_loop3A_143, %parallel_loop3A_150] : memref<128x32xf32, #tpu.memory_space<vmem>> -> memref<1x32xf32, #tpu.memory_space<vmem>>
        %parallel_loop3A_152 = arith.constant 0 : i32
        %parallel_loop3A_153 = tpu.memref_slice %arg6[%parallel_loop3A_145, %parallel_loop3A_152] : memref<1000000x32xf32, #tpu.memory_space<hbm>> -> memref<1x32xf32, #tpu.memory_space<hbm>>
        tpu.enqueue_dma source(%parallel_loop3A_153 : memref<1x32xf32, #tpu.memory_space<hbm>>) target(%parallel_loop3A_151 : memref<1x32xf32, #tpu.memory_space<vmem>>) target_semaphore(%arg20 : memref<!tpu.dma_semaphore, #tpu.memory_space<semaphore_mem>>)
        %parallel_loop3A_154 = vector.extract_strided_slice %parallel_loop3A_47 {offsets = [2], sizes = [1], strides = [1]} : vector<16xi32> to vector<1xi32>
        %parallel_loop3A_155 = vector.extract %parallel_loop3A_154[0] : i32 from vector<1xi32>
        %parallel_loop3A_156 = arith.constant 0 : i32
        %parallel_loop3A_157 = tpu.memref_slice %arg16[%parallel_loop3A_143, %parallel_loop3A_156] : memref<128x10xf32, #tpu.memory_space<vmem>> -> memref<1x10xf32, #tpu.memory_space<vmem>>
        %parallel_loop3A_158 = arith.constant 0 : i32
        %parallel_loop3A_159 = tpu.memref_slice %arg7[%parallel_loop3A_155, %parallel_loop3A_158] : memref<1000000x10xf32, #tpu.memory_space<hbm>> -> memref<1x10xf32, #tpu.memory_space<hbm>>
        %parallel_loop3A_160 = arith.constant 0 : i32
        %parallel_loop3A_161 = tpu.memref_slice %arg16[%parallel_loop3A_143, %parallel_loop3A_160] : memref<128x10xf32, #tpu.memory_space<vmem>> -> memref<1x10xf32, #tpu.memory_space<vmem>>
        %parallel_loop3A_162 = arith.constant 0 : i32
        %parallel_loop3A_163 = tpu.memref_slice %arg7[%parallel_loop3A_155, %parallel_loop3A_162] : memref<1000000x10xf32, #tpu.memory_space<hbm>> -> memref<1x10xf32, #tpu.memory_space<hbm>>
        tpu.enqueue_dma source(%parallel_loop3A_163 : memref<1x10xf32, #tpu.memory_space<hbm>>) target(%parallel_loop3A_161 : memref<1x10xf32, #tpu.memory_space<vmem>>) target_semaphore(%arg21 : memref<!tpu.dma_semaphore, #tpu.memory_space<semaphore_mem>>)
        %parallel_loop3A_164 = vector.extract_strided_slice %parallel_loop3A_49 {offsets = [2], sizes = [1], strides = [1]} : vector<16xi32> to vector<1xi32>
        %parallel_loop3A_165 = vector.extract %parallel_loop3A_164[0] : i32 from vector<1xi32>
        %parallel_loop3A_166 = arith.constant 0 : i32
        %parallel_loop3A_167 = tpu.memref_slice %arg17[%parallel_loop3A_143, %parallel_loop3A_166] : memref<128x10xf32, #tpu.memory_space<vmem>> -> memref<1x10xf32, #tpu.memory_space<vmem>>
        %parallel_loop3A_168 = arith.constant 0 : i32
        %parallel_loop3A_169 = tpu.memref_slice %arg8[%parallel_loop3A_165, %parallel_loop3A_168] : memref<1000000x10xf32, #tpu.memory_space<hbm>> -> memref<1x10xf32, #tpu.memory_space<hbm>>
        %parallel_loop3A_170 = arith.constant 0 : i32
        %parallel_loop3A_171 = tpu.memref_slice %arg17[%parallel_loop3A_143, %parallel_loop3A_170] : memref<128x10xf32, #tpu.memory_space<vmem>> -> memref<1x10xf32, #tpu.memory_space<vmem>>
        %parallel_loop3A_172 = arith.constant 0 : i32
        %parallel_loop3A_173 = tpu.memref_slice %arg8[%parallel_loop3A_165, %parallel_loop3A_172] : memref<1000000x10xf32, #tpu.memory_space<hbm>> -> memref<1x10xf32, #tpu.memory_space<hbm>>
        tpu.enqueue_dma source(%parallel_loop3A_173 : memref<1x10xf32, #tpu.memory_space<hbm>>) target(%parallel_loop3A_171 : memref<1x10xf32, #tpu.memory_space<vmem>>) target_semaphore(%arg22 : memref<!tpu.dma_semaphore, #tpu.memory_space<semaphore_mem>>)
        %parallel_loop3A_174 = vector.extract_strided_slice %parallel_loop3A_51 {offsets = [2], sizes = [1], strides = [1]} : vector<16xi32> to vector<1xi32>
        %parallel_loop3A_175 = vector.extract %parallel_loop3A_174[0] : i32 from vector<1xi32>
        %parallel_loop3A_176 = arith.constant 0 : i32
        %parallel_loop3A_177 = tpu.memref_slice %arg18[%parallel_loop3A_143, %parallel_loop3A_176] : memref<128x12xf32, #tpu.memory_space<vmem>> -> memref<1x12xf32, #tpu.memory_space<vmem>>
        %parallel_loop3A_178 = arith.constant 0 : i32
        %parallel_loop3A_179 = tpu.memref_slice %arg9[%parallel_loop3A_175, %parallel_loop3A_178] : memref<1000000x12xf32, #tpu.memory_space<hbm>> -> memref<1x12xf32, #tpu.memory_space<hbm>>
        %parallel_loop3A_180 = arith.constant 0 : i32
        %parallel_loop3A_181 = tpu.memref_slice %arg18[%parallel_loop3A_143, %parallel_loop3A_180] : memref<128x12xf32, #tpu.memory_space<vmem>> -> memref<1x12xf32, #tpu.memory_space<vmem>>
        %parallel_loop3A_182 = arith.constant 0 : i32
        %parallel_loop3A_183 = tpu.memref_slice %arg9[%parallel_loop3A_175, %parallel_loop3A_182] : memref<1000000x12xf32, #tpu.memory_space<hbm>> -> memref<1x12xf32, #tpu.memory_space<hbm>>
        tpu.enqueue_dma source(%parallel_loop3A_183 : memref<1x12xf32, #tpu.memory_space<hbm>>) target(%parallel_loop3A_181 : memref<1x12xf32, #tpu.memory_space<vmem>>) target_semaphore(%arg23 : memref<!tpu.dma_semaphore, #tpu.memory_space<semaphore_mem>>)
        %parallel_loop3A_184 = arith.constant 16 : i32
        %parallel_loop3A_185 = arith.muli %parallel_loop3A_40, %parallel_loop3A_184 : i32
        %parallel_loop3A_186 = arith.constant 3 : i32
        %parallel_loop3A_187 = arith.addi %parallel_loop3A_185, %parallel_loop3A_186 : i32
        %parallel_loop3A_188 = vector.extract_strided_slice %parallel_loop3A_45 {offsets = [3], sizes = [1], strides = [1]} : vector<16xi32> to vector<1xi32>
        %parallel_loop3A_189 = vector.extract %parallel_loop3A_188[0] : i32 from vector<1xi32>
        %parallel_loop3A_190 = arith.constant 0 : i32
        %parallel_loop3A_191 = tpu.memref_slice %arg15[%parallel_loop3A_187, %parallel_loop3A_190] : memref<128x32xf32, #tpu.memory_space<vmem>> -> memref<1x32xf32, #tpu.memory_space<vmem>>
        %parallel_loop3A_192 = arith.constant 0 : i32
        %parallel_loop3A_193 = tpu.memref_slice %arg6[%parallel_loop3A_189, %parallel_loop3A_192] : memref<1000000x32xf32, #tpu.memory_space<hbm>> -> memref<1x32xf32, #tpu.memory_space<hbm>>
        %parallel_loop3A_194 = arith.constant 0 : i32
        %parallel_loop3A_195 = tpu.memref_slice %arg15[%parallel_loop3A_187, %parallel_loop3A_194] : memref<128x32xf32, #tpu.memory_space<vmem>> -> memref<1x32xf32, #tpu.memory_space<vmem>>
        %parallel_loop3A_196 = arith.constant 0 : i32
        %parallel_loop3A_197 = tpu.memref_slice %arg6[%parallel_loop3A_189, %parallel_loop3A_196] : memref<1000000x32xf32, #tpu.memory_space<hbm>> -> memref<1x32xf32, #tpu.memory_space<hbm>>
        tpu.enqueue_dma source(%parallel_loop3A_197 : memref<1x32xf32, #tpu.memory_space<hbm>>) target(%parallel_loop3A_195 : memref<1x32xf32, #tpu.memory_space<vmem>>) target_semaphore(%arg20 : memref<!tpu.dma_semaphore, #tpu.memory_space<semaphore_mem>>)
        %parallel_loop3A_198 = vector.extract_strided_slice %parallel_loop3A_47 {offsets = [3], sizes = [1], strides = [1]} : vector<16xi32> to vector<1xi32>
        %parallel_loop3A_199 = vector.extract %parallel_loop3A_198[0] : i32 from vector<1xi32>
        %parallel_loop3A_200 = arith.constant 0 : i32
        %parallel_loop3A_201 = tpu.memref_slice %arg16[%parallel_loop3A_187, %parallel_loop3A_200] : memref<128x10xf32, #tpu.memory_space<vmem>> -> memref<1x10xf32, #tpu.memory_space<vmem>>
        %parallel_loop3A_202 = arith.constant 0 : i32
        %parallel_loop3A_203 = tpu.memref_slice %arg7[%parallel_loop3A_199, %parallel_loop3A_202] : memref<1000000x10xf32, #tpu.memory_space<hbm>> -> memref<1x10xf32, #tpu.memory_space<hbm>>
        %parallel_loop3A_204 = arith.constant 0 : i32
        %parallel_loop3A_205 = tpu.memref_slice %arg16[%parallel_loop3A_187, %parallel_loop3A_204] : memref<128x10xf32, #tpu.memory_space<vmem>> -> memref<1x10xf32, #tpu.memory_space<vmem>>
        %parallel_loop3A_206 = arith.constant 0 : i32
        %parallel_loop3A_207 = tpu.memref_slice %arg7[%parallel_loop3A_199, %parallel_loop3A_206] : memref<1000000x10xf32, #tpu.memory_space<hbm>> -> memref<1x10xf32, #tpu.memory_space<hbm>>
        tpu.enqueue_dma source(%parallel_loop3A_207 : memref<1x10xf32, #tpu.memory_space<hbm>>) target(%parallel_loop3A_205 : memref<1x10xf32, #tpu.memory_space<vmem>>) target_semaphore(%arg21 : memref<!tpu.dma_semaphore, #tpu.memory_space<semaphore_mem>>)
        %parallel_loop3A_208 = vector.extract_strided_slice %parallel_loop3A_49 {offsets = [3], sizes = [1], strides = [1]} : vector<16xi32> to vector<1xi32>
        %parallel_loop3A_209 = vector.extract %parallel_loop3A_208[0] : i32 from vector<1xi32>
        %parallel_loop3A_210 = arith.constant 0 : i32
        %parallel_loop3A_211 = tpu.memref_slice %arg17[%parallel_loop3A_187, %parallel_loop3A_210] : memref<128x10xf32, #tpu.memory_space<vmem>> -> memref<1x10xf32, #tpu.memory_space<vmem>>
        %parallel_loop3A_212 = arith.constant 0 : i32
        %parallel_loop3A_213 = tpu.memref_slice %arg8[%parallel_loop3A_209, %parallel_loop3A_212] : memref<1000000x10xf32, #tpu.memory_space<hbm>> -> memref<1x10xf32, #tpu.memory_space<hbm>>
        %parallel_loop3A_214 = arith.constant 0 : i32
        %parallel_loop3A_215 = tpu.memref_slice %arg17[%parallel_loop3A_187, %parallel_loop3A_214] : memref<128x10xf32, #tpu.memory_space<vmem>> -> memref<1x10xf32, #tpu.memory_space<vmem>>
        %parallel_loop3A_216 = arith.constant 0 : i32
        %parallel_loop3A_217 = tpu.memref_slice %arg8[%parallel_loop3A_209, %parallel_loop3A_216] : memref<1000000x10xf32, #tpu.memory_space<hbm>> -> memref<1x10xf32, #tpu.memory_space<hbm>>
        tpu.enqueue_dma source(%parallel_loop3A_217 : memref<1x10xf32, #tpu.memory_space<hbm>>) target(%parallel_loop3A_215 : memref<1x10xf32, #tpu.memory_space<vmem>>) target_semaphore(%arg22 : memref<!tpu.dma_semaphore, #tpu.memory_space<semaphore_mem>>)
        %parallel_loop3A_218 = vector.extract_strided_slice %parallel_loop3A_51 {offsets = [3], sizes = [1], strides = [1]} : vector<16xi32> to vector<1xi32>
        %parallel_loop3A_219 = vector.extract %parallel_loop3A_218[0] : i32 from vector<1xi32>
        %parallel_loop3A_220 = arith.constant 0 : i32
        %parallel_loop3A_221 = tpu.memref_slice %arg18[%parallel_loop3A_187, %parallel_loop3A_220] : memref<128x12xf32, #tpu.memory_space<vmem>> -> memref<1x12xf32, #tpu.memory_space<vmem>>
        %parallel_loop3A_222 = arith.constant 0 : i32
        %parallel_loop3A_223 = tpu.memref_slice %arg9[%parallel_loop3A_219, %parallel_loop3A_222] : memref<1000000x12xf32, #tpu.memory_space<hbm>> -> memref<1x12xf32, #tpu.memory_space<hbm>>
        %parallel_loop3A_224 = arith.constant 0 : i32
        %parallel_loop3A_225 = tpu.memref_slice %arg18[%parallel_loop3A_187, %parallel_loop3A_224] : memref<128x12xf32, #tpu.memory_space<vmem>> -> memref<1x12xf32, #tpu.memory_space<vmem>>
        %parallel_loop3A_226 = arith.constant 0 : i32
        %parallel_loop3A_227 = tpu.memref_slice %arg9[%parallel_loop3A_219, %parallel_loop3A_226] : memref<1000000x12xf32, #tpu.memory_space<hbm>> -> memref<1x12xf32, #tpu.memory_space<hbm>>
        tpu.enqueue_dma source(%parallel_loop3A_227 : memref<1x12xf32, #tpu.memory_space<hbm>>) target(%parallel_loop3A_225 : memref<1x12xf32, #tpu.memory_space<vmem>>) target_semaphore(%arg23 : memref<!tpu.dma_semaphore, #tpu.memory_space<semaphore_mem>>)
        %parallel_loop3A_228 = arith.constant 16 : i32
        %parallel_loop3A_229 = arith.muli %parallel_loop3A_40, %parallel_loop3A_228 : i32
        %parallel_loop3A_230 = arith.constant 4 : i32
        %parallel_loop3A_231 = arith.addi %parallel_loop3A_229, %parallel_loop3A_230 : i32
        %parallel_loop3A_232 = vector.extract_strided_slice %parallel_loop3A_45 {offsets = [4], sizes = [1], strides = [1]} : vector<16xi32> to vector<1xi32>
        %parallel_loop3A_233 = vector.extract %parallel_loop3A_232[0] : i32 from vector<1xi32>
        %parallel_loop3A_234 = arith.constant 0 : i32
        %parallel_loop3A_235 = tpu.memref_slice %arg15[%parallel_loop3A_231, %parallel_loop3A_234] : memref<128x32xf32, #tpu.memory_space<vmem>> -> memref<1x32xf32, #tpu.memory_space<vmem>>
        %parallel_loop3A_236 = arith.constant 0 : i32
        %parallel_loop3A_237 = tpu.memref_slice %arg6[%parallel_loop3A_233, %parallel_loop3A_236] : memref<1000000x32xf32, #tpu.memory_space<hbm>> -> memref<1x32xf32, #tpu.memory_space<hbm>>
        %parallel_loop3A_238 = arith.constant 0 : i32
        %parallel_loop3A_239 = tpu.memref_slice %arg15[%parallel_loop3A_231, %parallel_loop3A_238] : memref<128x32xf32, #tpu.memory_space<vmem>> -> memref<1x32xf32, #tpu.memory_space<vmem>>
        %parallel_loop3A_240 = arith.constant 0 : i32
        %parallel_loop3A_241 = tpu.memref_slice %arg6[%parallel_loop3A_233, %parallel_loop3A_240] : memref<1000000x32xf32, #tpu.memory_space<hbm>> -> memref<1x32xf32, #tpu.memory_space<hbm>>
        tpu.enqueue_dma source(%parallel_loop3A_241 : memref<1x32xf32, #tpu.memory_space<hbm>>) target(%parallel_loop3A_239 : memref<1x32xf32, #tpu.memory_space<vmem>>) target_semaphore(%arg20 : memref<!tpu.dma_semaphore, #tpu.memory_space<semaphore_mem>>)
        %parallel_loop3A_242 = vector.extract_strided_slice %parallel_loop3A_47 {offsets = [4], sizes = [1], strides = [1]} : vector<16xi32> to vector<1xi32>
        %parallel_loop3A_243 = vector.extract %parallel_loop3A_242[0] : i32 from vector<1xi32>
        %parallel_loop3A_244 = arith.constant 0 : i32
        %parallel_loop3A_245 = tpu.memref_slice %arg16[%parallel_loop3A_231, %parallel_loop3A_244] : memref<128x10xf32, #tpu.memory_space<vmem>> -> memref<1x10xf32, #tpu.memory_space<vmem>>
        %parallel_loop3A_246 = arith.constant 0 : i32
        %parallel_loop3A_247 = tpu.memref_slice %arg7[%parallel_loop3A_243, %parallel_loop3A_246] : memref<1000000x10xf32, #tpu.memory_space<hbm>> -> memref<1x10xf32, #tpu.memory_space<hbm>>
        %parallel_loop3A_248 = arith.constant 0 : i32
        %parallel_loop3A_249 = tpu.memref_slice %arg16[%parallel_loop3A_231, %parallel_loop3A_248] : memref<128x10xf32, #tpu.memory_space<vmem>> -> memref<1x10xf32, #tpu.memory_space<vmem>>
        %parallel_loop3A_250 = arith.constant 0 : i32
        %parallel_loop3A_251 = tpu.memref_slice %arg7[%parallel_loop3A_243, %parallel_loop3A_250] : memref<1000000x10xf32, #tpu.memory_space<hbm>> -> memref<1x10xf32, #tpu.memory_space<hbm>>
        tpu.enqueue_dma source(%parallel_loop3A_251 : memref<1x10xf32, #tpu.memory_space<hbm>>) target(%parallel_loop3A_249 : memref<1x10xf32, #tpu.memory_space<vmem>>) target_semaphore(%arg21 : memref<!tpu.dma_semaphore, #tpu.memory_space<semaphore_mem>>)
        %parallel_loop3A_252 = vector.extract_strided_slice %parallel_loop3A_49 {offsets = [4], sizes = [1], strides = [1]} : vector<16xi32> to vector<1xi32>
        %parallel_loop3A_253 = vector.extract %parallel_loop3A_252[0] : i32 from vector<1xi32>
        %parallel_loop3A_254 = arith.constant 0 : i32
        %parallel_loop3A_255 = tpu.memref_slice %arg17[%parallel_loop3A_231, %parallel_loop3A_254] : memref<128x10xf32, #tpu.memory_space<vmem>> -> memref<1x10xf32, #tpu.memory_space<vmem>>
        %parallel_loop3A_256 = arith.constant 0 : i32
        %parallel_loop3A_257 = tpu.memref_slice %arg8[%parallel_loop3A_253, %parallel_loop3A_256] : memref<1000000x10xf32, #tpu.memory_space<hbm>> -> memref<1x10xf32, #tpu.memory_space<hbm>>
        %parallel_loop3A_258 = arith.constant 0 : i32
        %parallel_loop3A_259 = tpu.memref_slice %arg17[%parallel_loop3A_231, %parallel_loop3A_258] : memref<128x10xf32, #tpu.memory_space<vmem>> -> memref<1x10xf32, #tpu.memory_space<vmem>>
        %parallel_loop3A_260 = arith.constant 0 : i32
        %parallel_loop3A_261 = tpu.memref_slice %arg8[%parallel_loop3A_253, %parallel_loop3A_260] : memref<1000000x10xf32, #tpu.memory_space<hbm>> -> memref<1x10xf32, #tpu.memory_space<hbm>>
        tpu.enqueue_dma source(%parallel_loop3A_261 : memref<1x10xf32, #tpu.memory_space<hbm>>) target(%parallel_loop3A_259 : memref<1x10xf32, #tpu.memory_space<vmem>>) target_semaphore(%arg22 : memref<!tpu.dma_semaphore, #tpu.memory_space<semaphore_mem>>)
        %parallel_loop3A_262 = vector.extract_strided_slice %parallel_loop3A_51 {offsets = [4], sizes = [1], strides = [1]} : vector<16xi32> to vector<1xi32>
        %parallel_loop3A_263 = vector.extract %parallel_loop3A_262[0] : i32 from vector<1xi32>
        %parallel_loop3A_264 = arith.constant 0 : i32
        %parallel_loop3A_265 = tpu.memref_slice %arg18[%parallel_loop3A_231, %parallel_loop3A_264] : memref<128x12xf32, #tpu.memory_space<vmem>> -> memref<1x12xf32, #tpu.memory_space<vmem>>
        %parallel_loop3A_266 = arith.constant 0 : i32
        %parallel_loop3A_267 = tpu.memref_slice %arg9[%parallel_loop3A_263, %parallel_loop3A_266] : memref<1000000x12xf32, #tpu.memory_space<hbm>> -> memref<1x12xf32, #tpu.memory_space<hbm>>
        %parallel_loop3A_268 = arith.constant 0 : i32
        %parallel_loop3A_269 = tpu.memref_slice %arg18[%parallel_loop3A_231, %parallel_loop3A_268] : memref<128x12xf32, #tpu.memory_space<vmem>> -> memref<1x12xf32, #tpu.memory_space<vmem>>
        %parallel_loop3A_270 = arith.constant 0 : i32
        %parallel_loop3A_271 = tpu.memref_slice %arg9[%parallel_loop3A_263, %parallel_loop3A_270] : memref<1000000x12xf32, #tpu.memory_space<hbm>> -> memref<1x12xf32, #tpu.memory_space<hbm>>
        tpu.enqueue_dma source(%parallel_loop3A_271 : memref<1x12xf32, #tpu.memory_space<hbm>>) target(%parallel_loop3A_269 : memref<1x12xf32, #tpu.memory_space<vmem>>) target_semaphore(%arg23 : memref<!tpu.dma_semaphore, #tpu.memory_space<semaphore_mem>>)
        %parallel_loop3A_272 = arith.constant 16 : i32
        %parallel_loop3A_273 = arith.muli %parallel_loop3A_40, %parallel_loop3A_272 : i32
        %parallel_loop3A_274 = arith.constant 5 : i32
        %parallel_loop3A_275 = arith.addi %parallel_loop3A_273, %parallel_loop3A_274 : i32
        %parallel_loop3A_276 = vector.extract_strided_slice %parallel_loop3A_45 {offsets = [5], sizes = [1], strides = [1]} : vector<16xi32> to vector<1xi32>
        %parallel_loop3A_277 = vector.extract %parallel_loop3A_276[0] : i32 from vector<1xi32>
        %parallel_loop3A_278 = arith.constant 0 : i32
        %parallel_loop3A_279 = tpu.memref_slice %arg15[%parallel_loop3A_275, %parallel_loop3A_278] : memref<128x32xf32, #tpu.memory_space<vmem>> -> memref<1x32xf32, #tpu.memory_space<vmem>>
        %parallel_loop3A_280 = arith.constant 0 : i32
        %parallel_loop3A_281 = tpu.memref_slice %arg6[%parallel_loop3A_277, %parallel_loop3A_280] : memref<1000000x32xf32, #tpu.memory_space<hbm>> -> memref<1x32xf32, #tpu.memory_space<hbm>>
        %parallel_loop3A_282 = arith.constant 0 : i32
        %parallel_loop3A_283 = tpu.memref_slice %arg15[%parallel_loop3A_275, %parallel_loop3A_282] : memref<128x32xf32, #tpu.memory_space<vmem>> -> memref<1x32xf32, #tpu.memory_space<vmem>>
        %parallel_loop3A_284 = arith.constant 0 : i32
        %parallel_loop3A_285 = tpu.memref_slice %arg6[%parallel_loop3A_277, %parallel_loop3A_284] : memref<1000000x32xf32, #tpu.memory_space<hbm>> -> memref<1x32xf32, #tpu.memory_space<hbm>>
        tpu.enqueue_dma source(%parallel_loop3A_285 : memref<1x32xf32, #tpu.memory_space<hbm>>) target(%parallel_loop3A_283 : memref<1x32xf32, #tpu.memory_space<vmem>>) target_semaphore(%arg20 : memref<!tpu.dma_semaphore, #tpu.memory_space<semaphore_mem>>)
        %parallel_loop3A_286 = vector.extract_strided_slice %parallel_loop3A_47 {offsets = [5], sizes = [1], strides = [1]} : vector<16xi32> to vector<1xi32>
        %parallel_loop3A_287 = vector.extract %parallel_loop3A_286[0] : i32 from vector<1xi32>
        %parallel_loop3A_288 = arith.constant 0 : i32
        %parallel_loop3A_289 = tpu.memref_slice %arg16[%parallel_loop3A_275, %parallel_loop3A_288] : memref<128x10xf32, #tpu.memory_space<vmem>> -> memref<1x10xf32, #tpu.memory_space<vmem>>
        %parallel_loop3A_290 = arith.constant 0 : i32
        %parallel_loop3A_291 = tpu.memref_slice %arg7[%parallel_loop3A_287, %parallel_loop3A_290] : memref<1000000x10xf32, #tpu.memory_space<hbm>> -> memref<1x10xf32, #tpu.memory_space<hbm>>
        %parallel_loop3A_292 = arith.constant 0 : i32
        %parallel_loop3A_293 = tpu.memref_slice %arg16[%parallel_loop3A_275, %parallel_loop3A_292] : memref<128x10xf32, #tpu.memory_space<vmem>> -> memref<1x10xf32, #tpu.memory_space<vmem>>
        %parallel_loop3A_294 = arith.constant 0 : i32
        %parallel_loop3A_295 = tpu.memref_slice %arg7[%parallel_loop3A_287, %parallel_loop3A_294] : memref<1000000x10xf32, #tpu.memory_space<hbm>> -> memref<1x10xf32, #tpu.memory_space<hbm>>
        tpu.enqueue_dma source(%parallel_loop3A_295 : memref<1x10xf32, #tpu.memory_space<hbm>>) target(%parallel_loop3A_293 : memref<1x10xf32, #tpu.memory_space<vmem>>) target_semaphore(%arg21 : memref<!tpu.dma_semaphore, #tpu.memory_space<semaphore_mem>>)
        %parallel_loop3A_296 = vector.extract_strided_slice %parallel_loop3A_49 {offsets = [5], sizes = [1], strides = [1]} : vector<16xi32> to vector<1xi32>
        %parallel_loop3A_297 = vector.extract %parallel_loop3A_296[0] : i32 from vector<1xi32>
        %parallel_loop3A_298 = arith.constant 0 : i32
        %parallel_loop3A_299 = tpu.memref_slice %arg17[%parallel_loop3A_275, %parallel_loop3A_298] : memref<128x10xf32, #tpu.memory_space<vmem>> -> memref<1x10xf32, #tpu.memory_space<vmem>>
        %parallel_loop3A_300 = arith.constant 0 : i32
        %parallel_loop3A_301 = tpu.memref_slice %arg8[%parallel_loop3A_297, %parallel_loop3A_300] : memref<1000000x10xf32, #tpu.memory_space<hbm>> -> memref<1x10xf32, #tpu.memory_space<hbm>>
        %parallel_loop3A_302 = arith.constant 0 : i32
        %parallel_loop3A_303 = tpu.memref_slice %arg17[%parallel_loop3A_275, %parallel_loop3A_302] : memref<128x10xf32, #tpu.memory_space<vmem>> -> memref<1x10xf32, #tpu.memory_space<vmem>>
        %parallel_loop3A_304 = arith.constant 0 : i32
        %parallel_loop3A_305 = tpu.memref_slice %arg8[%parallel_loop3A_297, %parallel_loop3A_304] : memref<1000000x10xf32, #tpu.memory_space<hbm>> -> memref<1x10xf32, #tpu.memory_space<hbm>>
        tpu.enqueue_dma source(%parallel_loop3A_305 : memref<1x10xf32, #tpu.memory_space<hbm>>) target(%parallel_loop3A_303 : memref<1x10xf32, #tpu.memory_space<vmem>>) target_semaphore(%arg22 : memref<!tpu.dma_semaphore, #tpu.memory_space<semaphore_mem>>)
        %parallel_loop3A_306 = vector.extract_strided_slice %parallel_loop3A_51 {offsets = [5], sizes = [1], strides = [1]} : vector<16xi32> to vector<1xi32>
        %parallel_loop3A_307 = vector.extract %parallel_loop3A_306[0] : i32 from vector<1xi32>
        %parallel_loop3A_308 = arith.constant 0 : i32
        %parallel_loop3A_309 = tpu.memref_slice %arg18[%parallel_loop3A_275, %parallel_loop3A_308] : memref<128x12xf32, #tpu.memory_space<vmem>> -> memref<1x12xf32, #tpu.memory_space<vmem>>
        %parallel_loop3A_310 = arith.constant 0 : i32
        %parallel_loop3A_311 = tpu.memref_slice %arg9[%parallel_loop3A_307, %parallel_loop3A_310] : memref<1000000x12xf32, #tpu.memory_space<hbm>> -> memref<1x12xf32, #tpu.memory_space<hbm>>
        %parallel_loop3A_312 = arith.constant 0 : i32
        %parallel_loop3A_313 = tpu.memref_slice %arg18[%parallel_loop3A_275, %parallel_loop3A_312] : memref<128x12xf32, #tpu.memory_space<vmem>> -> memref<1x12xf32, #tpu.memory_space<vmem>>
        %parallel_loop3A_314 = arith.constant 0 : i32
        %parallel_loop3A_315 = tpu.memref_slice %arg9[%parallel_loop3A_307, %parallel_loop3A_314] : memref<1000000x12xf32, #tpu.memory_space<hbm>> -> memref<1x12xf32, #tpu.memory_space<hbm>>
        tpu.enqueue_dma source(%parallel_loop3A_315 : memref<1x12xf32, #tpu.memory_space<hbm>>) target(%parallel_loop3A_313 : memref<1x12xf32, #tpu.memory_space<vmem>>) target_semaphore(%arg23 : memref<!tpu.dma_semaphore, #tpu.memory_space<semaphore_mem>>)
        %parallel_loop3A_316 = arith.constant 16 : i32
        %parallel_loop3A_317 = arith.muli %parallel_loop3A_40, %parallel_loop3A_316 : i32
        %parallel_loop3A_318 = arith.constant 6 : i32
        %parallel_loop3A_319 = arith.addi %parallel_loop3A_317, %parallel_loop3A_318 : i32
        %parallel_loop3A_320 = vector.extract_strided_slice %parallel_loop3A_45 {offsets = [6], sizes = [1], strides = [1]} : vector<16xi32> to vector<1xi32>
        %parallel_loop3A_321 = vector.extract %parallel_loop3A_320[0] : i32 from vector<1xi32>
        %parallel_loop3A_322 = arith.constant 0 : i32
        %parallel_loop3A_323 = tpu.memref_slice %arg15[%parallel_loop3A_319, %parallel_loop3A_322] : memref<128x32xf32, #tpu.memory_space<vmem>> -> memref<1x32xf32, #tpu.memory_space<vmem>>
        %parallel_loop3A_324 = arith.constant 0 : i32
        %parallel_loop3A_325 = tpu.memref_slice %arg6[%parallel_loop3A_321, %parallel_loop3A_324] : memref<1000000x32xf32, #tpu.memory_space<hbm>> -> memref<1x32xf32, #tpu.memory_space<hbm>>
        %parallel_loop3A_326 = arith.constant 0 : i32
        %parallel_loop3A_327 = tpu.memref_slice %arg15[%parallel_loop3A_319, %parallel_loop3A_326] : memref<128x32xf32, #tpu.memory_space<vmem>> -> memref<1x32xf32, #tpu.memory_space<vmem>>
        %parallel_loop3A_328 = arith.constant 0 : i32
        %parallel_loop3A_329 = tpu.memref_slice %arg6[%parallel_loop3A_321, %parallel_loop3A_328] : memref<1000000x32xf32, #tpu.memory_space<hbm>> -> memref<1x32xf32, #tpu.memory_space<hbm>>
        tpu.enqueue_dma source(%parallel_loop3A_329 : memref<1x32xf32, #tpu.memory_space<hbm>>) target(%parallel_loop3A_327 : memref<1x32xf32, #tpu.memory_space<vmem>>) target_semaphore(%arg20 : memref<!tpu.dma_semaphore, #tpu.memory_space<semaphore_mem>>)
        %parallel_loop3A_330 = vector.extract_strided_slice %parallel_loop3A_47 {offsets = [6], sizes = [1], strides = [1]} : vector<16xi32> to vector<1xi32>
        %parallel_loop3A_331 = vector.extract %parallel_loop3A_330[0] : i32 from vector<1xi32>
        %parallel_loop3A_332 = arith.constant 0 : i32
        %parallel_loop3A_333 = tpu.memref_slice %arg16[%parallel_loop3A_319, %parallel_loop3A_332] : memref<128x10xf32, #tpu.memory_space<vmem>> -> memref<1x10xf32, #tpu.memory_space<vmem>>
        %parallel_loop3A_334 = arith.constant 0 : i32
        %parallel_loop3A_335 = tpu.memref_slice %arg7[%parallel_loop3A_331, %parallel_loop3A_334] : memref<1000000x10xf32, #tpu.memory_space<hbm>> -> memref<1x10xf32, #tpu.memory_space<hbm>>
        %parallel_loop3A_336 = arith.constant 0 : i32
        %parallel_loop3A_337 = tpu.memref_slice %arg16[%parallel_loop3A_319, %parallel_loop3A_336] : memref<128x10xf32, #tpu.memory_space<vmem>> -> memref<1x10xf32, #tpu.memory_space<vmem>>
        %parallel_loop3A_338 = arith.constant 0 : i32
        %parallel_loop3A_339 = tpu.memref_slice %arg7[%parallel_loop3A_331, %parallel_loop3A_338] : memref<1000000x10xf32, #tpu.memory_space<hbm>> -> memref<1x10xf32, #tpu.memory_space<hbm>>
        tpu.enqueue_dma source(%parallel_loop3A_339 : memref<1x10xf32, #tpu.memory_space<hbm>>) target(%parallel_loop3A_337 : memref<1x10xf32, #tpu.memory_space<vmem>>) target_semaphore(%arg21 : memref<!tpu.dma_semaphore, #tpu.memory_space<semaphore_mem>>)
        %parallel_loop3A_340 = vector.extract_strided_slice %parallel_loop3A_49 {offsets = [6], sizes = [1], strides = [1]} : vector<16xi32> to vector<1xi32>
        %parallel_loop3A_341 = vector.extract %parallel_loop3A_340[0] : i32 from vector<1xi32>
        %parallel_loop3A_342 = arith.constant 0 : i32
        %parallel_loop3A_343 = tpu.memref_slice %arg17[%parallel_loop3A_319, %parallel_loop3A_342] : memref<128x10xf32, #tpu.memory_space<vmem>> -> memref<1x10xf32, #tpu.memory_space<vmem>>
        %parallel_loop3A_344 = arith.constant 0 : i32
        %parallel_loop3A_345 = tpu.memref_slice %arg8[%parallel_loop3A_341, %parallel_loop3A_344] : memref<1000000x10xf32, #tpu.memory_space<hbm>> -> memref<1x10xf32, #tpu.memory_space<hbm>>
        %parallel_loop3A_346 = arith.constant 0 : i32
        %parallel_loop3A_347 = tpu.memref_slice %arg17[%parallel_loop3A_319, %parallel_loop3A_346] : memref<128x10xf32, #tpu.memory_space<vmem>> -> memref<1x10xf32, #tpu.memory_space<vmem>>
        %parallel_loop3A_348 = arith.constant 0 : i32
        %parallel_loop3A_349 = tpu.memref_slice %arg8[%parallel_loop3A_341, %parallel_loop3A_348] : memref<1000000x10xf32, #tpu.memory_space<hbm>> -> memref<1x10xf32, #tpu.memory_space<hbm>>
        tpu.enqueue_dma source(%parallel_loop3A_349 : memref<1x10xf32, #tpu.memory_space<hbm>>) target(%parallel_loop3A_347 : memref<1x10xf32, #tpu.memory_space<vmem>>) target_semaphore(%arg22 : memref<!tpu.dma_semaphore, #tpu.memory_space<semaphore_mem>>)
        %parallel_loop3A_350 = vector.extract_strided_slice %parallel_loop3A_51 {offsets = [6], sizes = [1], strides = [1]} : vector<16xi32> to vector<1xi32>
        %parallel_loop3A_351 = vector.extract %parallel_loop3A_350[0] : i32 from vector<1xi32>
        %parallel_loop3A_352 = arith.constant 0 : i32
        %parallel_loop3A_353 = tpu.memref_slice %arg18[%parallel_loop3A_319, %parallel_loop3A_352] : memref<128x12xf32, #tpu.memory_space<vmem>> -> memref<1x12xf32, #tpu.memory_space<vmem>>
        %parallel_loop3A_354 = arith.constant 0 : i32
        %parallel_loop3A_355 = tpu.memref_slice %arg9[%parallel_loop3A_351, %parallel_loop3A_354] : memref<1000000x12xf32, #tpu.memory_space<hbm>> -> memref<1x12xf32, #tpu.memory_space<hbm>>
        %parallel_loop3A_356 = arith.constant 0 : i32
        %parallel_loop3A_357 = tpu.memref_slice %arg18[%parallel_loop3A_319, %parallel_loop3A_356] : memref<128x12xf32, #tpu.memory_space<vmem>> -> memref<1x12xf32, #tpu.memory_space<vmem>>
        %parallel_loop3A_358 = arith.constant 0 : i32
        %parallel_loop3A_359 = tpu.memref_slice %arg9[%parallel_loop3A_351, %parallel_loop3A_358] : memref<1000000x12xf32, #tpu.memory_space<hbm>> -> memref<1x12xf32, #tpu.memory_space<hbm>>
        tpu.enqueue_dma source(%parallel_loop3A_359 : memref<1x12xf32, #tpu.memory_space<hbm>>) target(%parallel_loop3A_357 : memref<1x12xf32, #tpu.memory_space<vmem>>) target_semaphore(%arg23 : memref<!tpu.dma_semaphore, #tpu.memory_space<semaphore_mem>>)
        %parallel_loop3A_360 = arith.constant 16 : i32
        %parallel_loop3A_361 = arith.muli %parallel_loop3A_40, %parallel_loop3A_360 : i32
        %parallel_loop3A_362 = arith.constant 7 : i32
        %parallel_loop3A_363 = arith.addi %parallel_loop3A_361, %parallel_loop3A_362 : i32
        %parallel_loop3A_364 = vector.extract_strided_slice %parallel_loop3A_45 {offsets = [7], sizes = [1], strides = [1]} : vector<16xi32> to vector<1xi32>
        %parallel_loop3A_365 = vector.extract %parallel_loop3A_364[0] : i32 from vector<1xi32>
        %parallel_loop3A_366 = arith.constant 0 : i32
        %parallel_loop3A_367 = tpu.memref_slice %arg15[%parallel_loop3A_363, %parallel_loop3A_366] : memref<128x32xf32, #tpu.memory_space<vmem>> -> memref<1x32xf32, #tpu.memory_space<vmem>>
        %parallel_loop3A_368 = arith.constant 0 : i32
        %parallel_loop3A_369 = tpu.memref_slice %arg6[%parallel_loop3A_365, %parallel_loop3A_368] : memref<1000000x32xf32, #tpu.memory_space<hbm>> -> memref<1x32xf32, #tpu.memory_space<hbm>>
        %parallel_loop3A_370 = arith.constant 0 : i32
        %parallel_loop3A_371 = tpu.memref_slice %arg15[%parallel_loop3A_363, %parallel_loop3A_370] : memref<128x32xf32, #tpu.memory_space<vmem>> -> memref<1x32xf32, #tpu.memory_space<vmem>>
        %parallel_loop3A_372 = arith.constant 0 : i32
        %parallel_loop3A_373 = tpu.memref_slice %arg6[%parallel_loop3A_365, %parallel_loop3A_372] : memref<1000000x32xf32, #tpu.memory_space<hbm>> -> memref<1x32xf32, #tpu.memory_space<hbm>>
        tpu.enqueue_dma source(%parallel_loop3A_373 : memref<1x32xf32, #tpu.memory_space<hbm>>) target(%parallel_loop3A_371 : memref<1x32xf32, #tpu.memory_space<vmem>>) target_semaphore(%arg20 : memref<!tpu.dma_semaphore, #tpu.memory_space<semaphore_mem>>)
        %parallel_loop3A_374 = vector.extract_strided_slice %parallel_loop3A_47 {offsets = [7], sizes = [1], strides = [1]} : vector<16xi32> to vector<1xi32>
        %parallel_loop3A_375 = vector.extract %parallel_loop3A_374[0] : i32 from vector<1xi32>
        %parallel_loop3A_376 = arith.constant 0 : i32
        %parallel_loop3A_377 = tpu.memref_slice %arg16[%parallel_loop3A_363, %parallel_loop3A_376] : memref<128x10xf32, #tpu.memory_space<vmem>> -> memref<1x10xf32, #tpu.memory_space<vmem>>
        %parallel_loop3A_378 = arith.constant 0 : i32
        %parallel_loop3A_379 = tpu.memref_slice %arg7[%parallel_loop3A_375, %parallel_loop3A_378] : memref<1000000x10xf32, #tpu.memory_space<hbm>> -> memref<1x10xf32, #tpu.memory_space<hbm>>
        %parallel_loop3A_380 = arith.constant 0 : i32
        %parallel_loop3A_381 = tpu.memref_slice %arg16[%parallel_loop3A_363, %parallel_loop3A_380] : memref<128x10xf32, #tpu.memory_space<vmem>> -> memref<1x10xf32, #tpu.memory_space<vmem>>
        %parallel_loop3A_382 = arith.constant 0 : i32
        %parallel_loop3A_383 = tpu.memref_slice %arg7[%parallel_loop3A_375, %parallel_loop3A_382] : memref<1000000x10xf32, #tpu.memory_space<hbm>> -> memref<1x10xf32, #tpu.memory_space<hbm>>
        tpu.enqueue_dma source(%parallel_loop3A_383 : memref<1x10xf32, #tpu.memory_space<hbm>>) target(%parallel_loop3A_381 : memref<1x10xf32, #tpu.memory_space<vmem>>) target_semaphore(%arg21 : memref<!tpu.dma_semaphore, #tpu.memory_space<semaphore_mem>>)
        %parallel_loop3A_384 = vector.extract_strided_slice %parallel_loop3A_49 {offsets = [7], sizes = [1], strides = [1]} : vector<16xi32> to vector<1xi32>
        %parallel_loop3A_385 = vector.extract %parallel_loop3A_384[0] : i32 from vector<1xi32>
        %parallel_loop3A_386 = arith.constant 0 : i32
        %parallel_loop3A_387 = tpu.memref_slice %arg17[%parallel_loop3A_363, %parallel_loop3A_386] : memref<128x10xf32, #tpu.memory_space<vmem>> -> memref<1x10xf32, #tpu.memory_space<vmem>>
        %parallel_loop3A_388 = arith.constant 0 : i32
        %parallel_loop3A_389 = tpu.memref_slice %arg8[%parallel_loop3A_385, %parallel_loop3A_388] : memref<1000000x10xf32, #tpu.memory_space<hbm>> -> memref<1x10xf32, #tpu.memory_space<hbm>>
        %parallel_loop3A_390 = arith.constant 0 : i32
        %parallel_loop3A_391 = tpu.memref_slice %arg17[%parallel_loop3A_363, %parallel_loop3A_390] : memref<128x10xf32, #tpu.memory_space<vmem>> -> memref<1x10xf32, #tpu.memory_space<vmem>>
        %parallel_loop3A_392 = arith.constant 0 : i32
        %parallel_loop3A_393 = tpu.memref_slice %arg8[%parallel_loop3A_385, %parallel_loop3A_392] : memref<1000000x10xf32, #tpu.memory_space<hbm>> -> memref<1x10xf32, #tpu.memory_space<hbm>>
        tpu.enqueue_dma source(%parallel_loop3A_393 : memref<1x10xf32, #tpu.memory_space<hbm>>) target(%parallel_loop3A_391 : memref<1x10xf32, #tpu.memory_space<vmem>>) target_semaphore(%arg22 : memref<!tpu.dma_semaphore, #tpu.memory_space<semaphore_mem>>)
        %parallel_loop3A_394 = vector.extract_strided_slice %parallel_loop3A_51 {offsets = [7], sizes = [1], strides = [1]} : vector<16xi32> to vector<1xi32>
        %parallel_loop3A_395 = vector.extract %parallel_loop3A_394[0] : i32 from vector<1xi32>
        %parallel_loop3A_396 = arith.constant 0 : i32
        %parallel_loop3A_397 = tpu.memref_slice %arg18[%parallel_loop3A_363, %parallel_loop3A_396] : memref<128x12xf32, #tpu.memory_space<vmem>> -> memref<1x12xf32, #tpu.memory_space<vmem>>
        %parallel_loop3A_398 = arith.constant 0 : i32
        %parallel_loop3A_399 = tpu.memref_slice %arg9[%parallel_loop3A_395, %parallel_loop3A_398] : memref<1000000x12xf32, #tpu.memory_space<hbm>> -> memref<1x12xf32, #tpu.memory_space<hbm>>
        %parallel_loop3A_400 = arith.constant 0 : i32
        %parallel_loop3A_401 = tpu.memref_slice %arg18[%parallel_loop3A_363, %parallel_loop3A_400] : memref<128x12xf32, #tpu.memory_space<vmem>> -> memref<1x12xf32, #tpu.memory_space<vmem>>
        %parallel_loop3A_402 = arith.constant 0 : i32
        %parallel_loop3A_403 = tpu.memref_slice %arg9[%parallel_loop3A_395, %parallel_loop3A_402] : memref<1000000x12xf32, #tpu.memory_space<hbm>> -> memref<1x12xf32, #tpu.memory_space<hbm>>
        tpu.enqueue_dma source(%parallel_loop3A_403 : memref<1x12xf32, #tpu.memory_space<hbm>>) target(%parallel_loop3A_401 : memref<1x12xf32, #tpu.memory_space<vmem>>) target_semaphore(%arg23 : memref<!tpu.dma_semaphore, #tpu.memory_space<semaphore_mem>>)
        %parallel_loop3A_404 = arith.constant 16 : i32
        %parallel_loop3A_405 = arith.muli %parallel_loop3A_40, %parallel_loop3A_404 : i32
        %parallel_loop3A_406 = arith.constant 8 : i32
        %parallel_loop3A_407 = arith.addi %parallel_loop3A_405, %parallel_loop3A_406 : i32
        %parallel_loop3A_408 = vector.extract_strided_slice %parallel_loop3A_45 {offsets = [8], sizes = [1], strides = [1]} : vector<16xi32> to vector<1xi32>
        %parallel_loop3A_409 = vector.extract %parallel_loop3A_408[0] : i32 from vector<1xi32>
        %parallel_loop3A_410 = arith.constant 0 : i32
        %parallel_loop3A_411 = tpu.memref_slice %arg15[%parallel_loop3A_407, %parallel_loop3A_410] : memref<128x32xf32, #tpu.memory_space<vmem>> -> memref<1x32xf32, #tpu.memory_space<vmem>>
        %parallel_loop3A_412 = arith.constant 0 : i32
        %parallel_loop3A_413 = tpu.memref_slice %arg6[%parallel_loop3A_409, %parallel_loop3A_412] : memref<1000000x32xf32, #tpu.memory_space<hbm>> -> memref<1x32xf32, #tpu.memory_space<hbm>>
        %parallel_loop3A_414 = arith.constant 0 : i32
        %parallel_loop3A_415 = tpu.memref_slice %arg15[%parallel_loop3A_407, %parallel_loop3A_414] : memref<128x32xf32, #tpu.memory_space<vmem>> -> memref<1x32xf32, #tpu.memory_space<vmem>>
        %parallel_loop3A_416 = arith.constant 0 : i32
        %parallel_loop3A_417 = tpu.memref_slice %arg6[%parallel_loop3A_409, %parallel_loop3A_416] : memref<1000000x32xf32, #tpu.memory_space<hbm>> -> memref<1x32xf32, #tpu.memory_space<hbm>>
        tpu.enqueue_dma source(%parallel_loop3A_417 : memref<1x32xf32, #tpu.memory_space<hbm>>) target(%parallel_loop3A_415 : memref<1x32xf32, #tpu.memory_space<vmem>>) target_semaphore(%arg20 : memref<!tpu.dma_semaphore, #tpu.memory_space<semaphore_mem>>)
        %parallel_loop3A_418 = vector.extract_strided_slice %parallel_loop3A_47 {offsets = [8], sizes = [1], strides = [1]} : vector<16xi32> to vector<1xi32>
        %parallel_loop3A_419 = vector.extract %parallel_loop3A_418[0] : i32 from vector<1xi32>
        %parallel_loop3A_420 = arith.constant 0 : i32
        %parallel_loop3A_421 = tpu.memref_slice %arg16[%parallel_loop3A_407, %parallel_loop3A_420] : memref<128x10xf32, #tpu.memory_space<vmem>> -> memref<1x10xf32, #tpu.memory_space<vmem>>
        %parallel_loop3A_422 = arith.constant 0 : i32
        %parallel_loop3A_423 = tpu.memref_slice %arg7[%parallel_loop3A_419, %parallel_loop3A_422] : memref<1000000x10xf32, #tpu.memory_space<hbm>> -> memref<1x10xf32, #tpu.memory_space<hbm>>
        %parallel_loop3A_424 = arith.constant 0 : i32
        %parallel_loop3A_425 = tpu.memref_slice %arg16[%parallel_loop3A_407, %parallel_loop3A_424] : memref<128x10xf32, #tpu.memory_space<vmem>> -> memref<1x10xf32, #tpu.memory_space<vmem>>
        %parallel_loop3A_426 = arith.constant 0 : i32
        %parallel_loop3A_427 = tpu.memref_slice %arg7[%parallel_loop3A_419, %parallel_loop3A_426] : memref<1000000x10xf32, #tpu.memory_space<hbm>> -> memref<1x10xf32, #tpu.memory_space<hbm>>
        tpu.enqueue_dma source(%parallel_loop3A_427 : memref<1x10xf32, #tpu.memory_space<hbm>>) target(%parallel_loop3A_425 : memref<1x10xf32, #tpu.memory_space<vmem>>) target_semaphore(%arg21 : memref<!tpu.dma_semaphore, #tpu.memory_space<semaphore_mem>>)
        %parallel_loop3A_428 = vector.extract_strided_slice %parallel_loop3A_49 {offsets = [8], sizes = [1], strides = [1]} : vector<16xi32> to vector<1xi32>
        %parallel_loop3A_429 = vector.extract %parallel_loop3A_428[0] : i32 from vector<1xi32>
        %parallel_loop3A_430 = arith.constant 0 : i32
        %parallel_loop3A_431 = tpu.memref_slice %arg17[%parallel_loop3A_407, %parallel_loop3A_430] : memref<128x10xf32, #tpu.memory_space<vmem>> -> memref<1x10xf32, #tpu.memory_space<vmem>>
        %parallel_loop3A_432 = arith.constant 0 : i32
        %parallel_loop3A_433 = tpu.memref_slice %arg8[%parallel_loop3A_429, %parallel_loop3A_432] : memref<1000000x10xf32, #tpu.memory_space<hbm>> -> memref<1x10xf32, #tpu.memory_space<hbm>>
        %parallel_loop3A_434 = arith.constant 0 : i32
        %parallel_loop3A_435 = tpu.memref_slice %arg17[%parallel_loop3A_407, %parallel_loop3A_434] : memref<128x10xf32, #tpu.memory_space<vmem>> -> memref<1x10xf32, #tpu.memory_space<vmem>>
        %parallel_loop3A_436 = arith.constant 0 : i32
        %parallel_loop3A_437 = tpu.memref_slice %arg8[%parallel_loop3A_429, %parallel_loop3A_436] : memref<1000000x10xf32, #tpu.memory_space<hbm>> -> memref<1x10xf32, #tpu.memory_space<hbm>>
        tpu.enqueue_dma source(%parallel_loop3A_437 : memref<1x10xf32, #tpu.memory_space<hbm>>) target(%parallel_loop3A_435 : memref<1x10xf32, #tpu.memory_space<vmem>>) target_semaphore(%arg22 : memref<!tpu.dma_semaphore, #tpu.memory_space<semaphore_mem>>)
        %parallel_loop3A_438 = vector.extract_strided_slice %parallel_loop3A_51 {offsets = [8], sizes = [1], strides = [1]} : vector<16xi32> to vector<1xi32>
        %parallel_loop3A_439 = vector.extract %parallel_loop3A_438[0] : i32 from vector<1xi32>
        %parallel_loop3A_440 = arith.constant 0 : i32
        %parallel_loop3A_441 = tpu.memref_slice %arg18[%parallel_loop3A_407, %parallel_loop3A_440] : memref<128x12xf32, #tpu.memory_space<vmem>> -> memref<1x12xf32, #tpu.memory_space<vmem>>
        %parallel_loop3A_442 = arith.constant 0 : i32
        %parallel_loop3A_443 = tpu.memref_slice %arg9[%parallel_loop3A_439, %parallel_loop3A_442] : memref<1000000x12xf32, #tpu.memory_space<hbm>> -> memref<1x12xf32, #tpu.memory_space<hbm>>
        %parallel_loop3A_444 = arith.constant 0 : i32
        %parallel_loop3A_445 = tpu.memref_slice %arg18[%parallel_loop3A_407, %parallel_loop3A_444] : memref<128x12xf32, #tpu.memory_space<vmem>> -> memref<1x12xf32, #tpu.memory_space<vmem>>
        %parallel_loop3A_446 = arith.constant 0 : i32
        %parallel_loop3A_447 = tpu.memref_slice %arg9[%parallel_loop3A_439, %parallel_loop3A_446] : memref<1000000x12xf32, #tpu.memory_space<hbm>> -> memref<1x12xf32, #tpu.memory_space<hbm>>
        tpu.enqueue_dma source(%parallel_loop3A_447 : memref<1x12xf32, #tpu.memory_space<hbm>>) target(%parallel_loop3A_445 : memref<1x12xf32, #tpu.memory_space<vmem>>) target_semaphore(%arg23 : memref<!tpu.dma_semaphore, #tpu.memory_space<semaphore_mem>>)
        %parallel_loop3A_448 = arith.constant 16 : i32
        %parallel_loop3A_449 = arith.muli %parallel_loop3A_40, %parallel_loop3A_448 : i32
        %parallel_loop3A_450 = arith.constant 9 : i32
        %parallel_loop3A_451 = arith.addi %parallel_loop3A_449, %parallel_loop3A_450 : i32
        %parallel_loop3A_452 = vector.extract_strided_slice %parallel_loop3A_45 {offsets = [9], sizes = [1], strides = [1]} : vector<16xi32> to vector<1xi32>
        %parallel_loop3A_453 = vector.extract %parallel_loop3A_452[0] : i32 from vector<1xi32>
        %parallel_loop3A_454 = arith.constant 0 : i32
        %parallel_loop3A_455 = tpu.memref_slice %arg15[%parallel_loop3A_451, %parallel_loop3A_454] : memref<128x32xf32, #tpu.memory_space<vmem>> -> memref<1x32xf32, #tpu.memory_space<vmem>>
        %parallel_loop3A_456 = arith.constant 0 : i32
        %parallel_loop3A_457 = tpu.memref_slice %arg6[%parallel_loop3A_453, %parallel_loop3A_456] : memref<1000000x32xf32, #tpu.memory_space<hbm>> -> memref<1x32xf32, #tpu.memory_space<hbm>>
        %parallel_loop3A_458 = arith.constant 0 : i32
        %parallel_loop3A_459 = tpu.memref_slice %arg15[%parallel_loop3A_451, %parallel_loop3A_458] : memref<128x32xf32, #tpu.memory_space<vmem>> -> memref<1x32xf32, #tpu.memory_space<vmem>>
        %parallel_loop3A_460 = arith.constant 0 : i32
        %parallel_loop3A_461 = tpu.memref_slice %arg6[%parallel_loop3A_453, %parallel_loop3A_460] : memref<1000000x32xf32, #tpu.memory_space<hbm>> -> memref<1x32xf32, #tpu.memory_space<hbm>>
        tpu.enqueue_dma source(%parallel_loop3A_461 : memref<1x32xf32, #tpu.memory_space<hbm>>) target(%parallel_loop3A_459 : memref<1x32xf32, #tpu.memory_space<vmem>>) target_semaphore(%arg20 : memref<!tpu.dma_semaphore, #tpu.memory_space<semaphore_mem>>)
        %parallel_loop3A_462 = vector.extract_strided_slice %parallel_loop3A_47 {offsets = [9], sizes = [1], strides = [1]} : vector<16xi32> to vector<1xi32>
        %parallel_loop3A_463 = vector.extract %parallel_loop3A_462[0] : i32 from vector<1xi32>
        %parallel_loop3A_464 = arith.constant 0 : i32
        %parallel_loop3A_465 = tpu.memref_slice %arg16[%parallel_loop3A_451, %parallel_loop3A_464] : memref<128x10xf32, #tpu.memory_space<vmem>> -> memref<1x10xf32, #tpu.memory_space<vmem>>
        %parallel_loop3A_466 = arith.constant 0 : i32
        %parallel_loop3A_467 = tpu.memref_slice %arg7[%parallel_loop3A_463, %parallel_loop3A_466] : memref<1000000x10xf32, #tpu.memory_space<hbm>> -> memref<1x10xf32, #tpu.memory_space<hbm>>
        %parallel_loop3A_468 = arith.constant 0 : i32
        %parallel_loop3A_469 = tpu.memref_slice %arg16[%parallel_loop3A_451, %parallel_loop3A_468] : memref<128x10xf32, #tpu.memory_space<vmem>> -> memref<1x10xf32, #tpu.memory_space<vmem>>
        %parallel_loop3A_470 = arith.constant 0 : i32
        %parallel_loop3A_471 = tpu.memref_slice %arg7[%parallel_loop3A_463, %parallel_loop3A_470] : memref<1000000x10xf32, #tpu.memory_space<hbm>> -> memref<1x10xf32, #tpu.memory_space<hbm>>
        tpu.enqueue_dma source(%parallel_loop3A_471 : memref<1x10xf32, #tpu.memory_space<hbm>>) target(%parallel_loop3A_469 : memref<1x10xf32, #tpu.memory_space<vmem>>) target_semaphore(%arg21 : memref<!tpu.dma_semaphore, #tpu.memory_space<semaphore_mem>>)
        %parallel_loop3A_472 = vector.extract_strided_slice %parallel_loop3A_49 {offsets = [9], sizes = [1], strides = [1]} : vector<16xi32> to vector<1xi32>
        %parallel_loop3A_473 = vector.extract %parallel_loop3A_472[0] : i32 from vector<1xi32>
        %parallel_loop3A_474 = arith.constant 0 : i32
        %parallel_loop3A_475 = tpu.memref_slice %arg17[%parallel_loop3A_451, %parallel_loop3A_474] : memref<128x10xf32, #tpu.memory_space<vmem>> -> memref<1x10xf32, #tpu.memory_space<vmem>>
        %parallel_loop3A_476 = arith.constant 0 : i32
        %parallel_loop3A_477 = tpu.memref_slice %arg8[%parallel_loop3A_473, %parallel_loop3A_476] : memref<1000000x10xf32, #tpu.memory_space<hbm>> -> memref<1x10xf32, #tpu.memory_space<hbm>>
        %parallel_loop3A_478 = arith.constant 0 : i32
        %parallel_loop3A_479 = tpu.memref_slice %arg17[%parallel_loop3A_451, %parallel_loop3A_478] : memref<128x10xf32, #tpu.memory_space<vmem>> -> memref<1x10xf32, #tpu.memory_space<vmem>>
        %parallel_loop3A_480 = arith.constant 0 : i32
        %parallel_loop3A_481 = tpu.memref_slice %arg8[%parallel_loop3A_473, %parallel_loop3A_480] : memref<1000000x10xf32, #tpu.memory_space<hbm>> -> memref<1x10xf32, #tpu.memory_space<hbm>>
        tpu.enqueue_dma source(%parallel_loop3A_481 : memref<1x10xf32, #tpu.memory_space<hbm>>) target(%parallel_loop3A_479 : memref<1x10xf32, #tpu.memory_space<vmem>>) target_semaphore(%arg22 : memref<!tpu.dma_semaphore, #tpu.memory_space<semaphore_mem>>)
        %parallel_loop3A_482 = vector.extract_strided_slice %parallel_loop3A_51 {offsets = [9], sizes = [1], strides = [1]} : vector<16xi32> to vector<1xi32>
        %parallel_loop3A_483 = vector.extract %parallel_loop3A_482[0] : i32 from vector<1xi32>
        %parallel_loop3A_484 = arith.constant 0 : i32
        %parallel_loop3A_485 = tpu.memref_slice %arg18[%parallel_loop3A_451, %parallel_loop3A_484] : memref<128x12xf32, #tpu.memory_space<vmem>> -> memref<1x12xf32, #tpu.memory_space<vmem>>
        %parallel_loop3A_486 = arith.constant 0 : i32
        %parallel_loop3A_487 = tpu.memref_slice %arg9[%parallel_loop3A_483, %parallel_loop3A_486] : memref<1000000x12xf32, #tpu.memory_space<hbm>> -> memref<1x12xf32, #tpu.memory_space<hbm>>
        %parallel_loop3A_488 = arith.constant 0 : i32
        %parallel_loop3A_489 = tpu.memref_slice %arg18[%parallel_loop3A_451, %parallel_loop3A_488] : memref<128x12xf32, #tpu.memory_space<vmem>> -> memref<1x12xf32, #tpu.memory_space<vmem>>
        %parallel_loop3A_490 = arith.constant 0 : i32
        %parallel_loop3A_491 = tpu.memref_slice %arg9[%parallel_loop3A_483, %parallel_loop3A_490] : memref<1000000x12xf32, #tpu.memory_space<hbm>> -> memref<1x12xf32, #tpu.memory_space<hbm>>
        tpu.enqueue_dma source(%parallel_loop3A_491 : memref<1x12xf32, #tpu.memory_space<hbm>>) target(%parallel_loop3A_489 : memref<1x12xf32, #tpu.memory_space<vmem>>) target_semaphore(%arg23 : memref<!tpu.dma_semaphore, #tpu.memory_space<semaphore_mem>>)
        %parallel_loop3A_492 = arith.constant 16 : i32
        %parallel_loop3A_493 = arith.muli %parallel_loop3A_40, %parallel_loop3A_492 : i32
        %parallel_loop3A_494 = arith.constant 10 : i32
        %parallel_loop3A_495 = arith.addi %parallel_loop3A_493, %parallel_loop3A_494 : i32
        %parallel_loop3A_496 = vector.extract_strided_slice %parallel_loop3A_45 {offsets = [10], sizes = [1], strides = [1]} : vector<16xi32> to vector<1xi32>
        %parallel_loop3A_497 = vector.extract %parallel_loop3A_496[0] : i32 from vector<1xi32>
        %parallel_loop3A_498 = arith.constant 0 : i32
        %parallel_loop3A_499 = tpu.memref_slice %arg15[%parallel_loop3A_495, %parallel_loop3A_498] : memref<128x32xf32, #tpu.memory_space<vmem>> -> memref<1x32xf32, #tpu.memory_space<vmem>>
        %parallel_loop3A_500 = arith.constant 0 : i32
        %parallel_loop3A_501 = tpu.memref_slice %arg6[%parallel_loop3A_497, %parallel_loop3A_500] : memref<1000000x32xf32, #tpu.memory_space<hbm>> -> memref<1x32xf32, #tpu.memory_space<hbm>>
        %parallel_loop3A_502 = arith.constant 0 : i32
        %parallel_loop3A_503 = tpu.memref_slice %arg15[%parallel_loop3A_495, %parallel_loop3A_502] : memref<128x32xf32, #tpu.memory_space<vmem>> -> memref<1x32xf32, #tpu.memory_space<vmem>>
        %parallel_loop3A_504 = arith.constant 0 : i32
        %parallel_loop3A_505 = tpu.memref_slice %arg6[%parallel_loop3A_497, %parallel_loop3A_504] : memref<1000000x32xf32, #tpu.memory_space<hbm>> -> memref<1x32xf32, #tpu.memory_space<hbm>>
        tpu.enqueue_dma source(%parallel_loop3A_505 : memref<1x32xf32, #tpu.memory_space<hbm>>) target(%parallel_loop3A_503 : memref<1x32xf32, #tpu.memory_space<vmem>>) target_semaphore(%arg20 : memref<!tpu.dma_semaphore, #tpu.memory_space<semaphore_mem>>)
        %parallel_loop3A_506 = vector.extract_strided_slice %parallel_loop3A_47 {offsets = [10], sizes = [1], strides = [1]} : vector<16xi32> to vector<1xi32>
        %parallel_loop3A_507 = vector.extract %parallel_loop3A_506[0] : i32 from vector<1xi32>
        %parallel_loop3A_508 = arith.constant 0 : i32
        %parallel_loop3A_509 = tpu.memref_slice %arg16[%parallel_loop3A_495, %parallel_loop3A_508] : memref<128x10xf32, #tpu.memory_space<vmem>> -> memref<1x10xf32, #tpu.memory_space<vmem>>
        %parallel_loop3A_510 = arith.constant 0 : i32
        %parallel_loop3A_511 = tpu.memref_slice %arg7[%parallel_loop3A_507, %parallel_loop3A_510] : memref<1000000x10xf32, #tpu.memory_space<hbm>> -> memref<1x10xf32, #tpu.memory_space<hbm>>
        %parallel_loop3A_512 = arith.constant 0 : i32
        %parallel_loop3A_513 = tpu.memref_slice %arg16[%parallel_loop3A_495, %parallel_loop3A_512] : memref<128x10xf32, #tpu.memory_space<vmem>> -> memref<1x10xf32, #tpu.memory_space<vmem>>
        %parallel_loop3A_514 = arith.constant 0 : i32
        %parallel_loop3A_515 = tpu.memref_slice %arg7[%parallel_loop3A_507, %parallel_loop3A_514] : memref<1000000x10xf32, #tpu.memory_space<hbm>> -> memref<1x10xf32, #tpu.memory_space<hbm>>
        tpu.enqueue_dma source(%parallel_loop3A_515 : memref<1x10xf32, #tpu.memory_space<hbm>>) target(%parallel_loop3A_513 : memref<1x10xf32, #tpu.memory_space<vmem>>) target_semaphore(%arg21 : memref<!tpu.dma_semaphore, #tpu.memory_space<semaphore_mem>>)
        %parallel_loop3A_516 = vector.extract_strided_slice %parallel_loop3A_49 {offsets = [10], sizes = [1], strides = [1]} : vector<16xi32> to vector<1xi32>
        %parallel_loop3A_517 = vector.extract %parallel_loop3A_516[0] : i32 from vector<1xi32>
        %parallel_loop3A_518 = arith.constant 0 : i32
        %parallel_loop3A_519 = tpu.memref_slice %arg17[%parallel_loop3A_495, %parallel_loop3A_518] : memref<128x10xf32, #tpu.memory_space<vmem>> -> memref<1x10xf32, #tpu.memory_space<vmem>>
        %parallel_loop3A_520 = arith.constant 0 : i32
        %parallel_loop3A_521 = tpu.memref_slice %arg8[%parallel_loop3A_517, %parallel_loop3A_520] : memref<1000000x10xf32, #tpu.memory_space<hbm>> -> memref<1x10xf32, #tpu.memory_space<hbm>>
        %parallel_loop3A_522 = arith.constant 0 : i32
        %parallel_loop3A_523 = tpu.memref_slice %arg17[%parallel_loop3A_495, %parallel_loop3A_522] : memref<128x10xf32, #tpu.memory_space<vmem>> -> memref<1x10xf32, #tpu.memory_space<vmem>>
        %parallel_loop3A_524 = arith.constant 0 : i32
        %parallel_loop3A_525 = tpu.memref_slice %arg8[%parallel_loop3A_517, %parallel_loop3A_524] : memref<1000000x10xf32, #tpu.memory_space<hbm>> -> memref<1x10xf32, #tpu.memory_space<hbm>>
        tpu.enqueue_dma source(%parallel_loop3A_525 : memref<1x10xf32, #tpu.memory_space<hbm>>) target(%parallel_loop3A_523 : memref<1x10xf32, #tpu.memory_space<vmem>>) target_semaphore(%arg22 : memref<!tpu.dma_semaphore, #tpu.memory_space<semaphore_mem>>)
        %parallel_loop3A_526 = vector.extract_strided_slice %parallel_loop3A_51 {offsets = [10], sizes = [1], strides = [1]} : vector<16xi32> to vector<1xi32>
        %parallel_loop3A_527 = vector.extract %parallel_loop3A_526[0] : i32 from vector<1xi32>
        %parallel_loop3A_528 = arith.constant 0 : i32
        %parallel_loop3A_529 = tpu.memref_slice %arg18[%parallel_loop3A_495, %parallel_loop3A_528] : memref<128x12xf32, #tpu.memory_space<vmem>> -> memref<1x12xf32, #tpu.memory_space<vmem>>
        %parallel_loop3A_530 = arith.constant 0 : i32
        %parallel_loop3A_531 = tpu.memref_slice %arg9[%parallel_loop3A_527, %parallel_loop3A_530] : memref<1000000x12xf32, #tpu.memory_space<hbm>> -> memref<1x12xf32, #tpu.memory_space<hbm>>
        %parallel_loop3A_532 = arith.constant 0 : i32
        %parallel_loop3A_533 = tpu.memref_slice %arg18[%parallel_loop3A_495, %parallel_loop3A_532] : memref<128x12xf32, #tpu.memory_space<vmem>> -> memref<1x12xf32, #tpu.memory_space<vmem>>
        %parallel_loop3A_534 = arith.constant 0 : i32
        %parallel_loop3A_535 = tpu.memref_slice %arg9[%parallel_loop3A_527, %parallel_loop3A_534] : memref<1000000x12xf32, #tpu.memory_space<hbm>> -> memref<1x12xf32, #tpu.memory_space<hbm>>
        tpu.enqueue_dma source(%parallel_loop3A_535 : memref<1x12xf32, #tpu.memory_space<hbm>>) target(%parallel_loop3A_533 : memref<1x12xf32, #tpu.memory_space<vmem>>) target_semaphore(%arg23 : memref<!tpu.dma_semaphore, #tpu.memory_space<semaphore_mem>>)
        %parallel_loop3A_536 = arith.constant 16 : i32
        %parallel_loop3A_537 = arith.muli %parallel_loop3A_40, %parallel_loop3A_536 : i32
        %parallel_loop3A_538 = arith.constant 11 : i32
        %parallel_loop3A_539 = arith.addi %parallel_loop3A_537, %parallel_loop3A_538 : i32
        %parallel_loop3A_540 = vector.extract_strided_slice %parallel_loop3A_45 {offsets = [11], sizes = [1], strides = [1]} : vector<16xi32> to vector<1xi32>
        %parallel_loop3A_541 = vector.extract %parallel_loop3A_540[0] : i32 from vector<1xi32>
        %parallel_loop3A_542 = arith.constant 0 : i32
        %parallel_loop3A_543 = tpu.memref_slice %arg15[%parallel_loop3A_539, %parallel_loop3A_542] : memref<128x32xf32, #tpu.memory_space<vmem>> -> memref<1x32xf32, #tpu.memory_space<vmem>>
        %parallel_loop3A_544 = arith.constant 0 : i32
        %parallel_loop3A_545 = tpu.memref_slice %arg6[%parallel_loop3A_541, %parallel_loop3A_544] : memref<1000000x32xf32, #tpu.memory_space<hbm>> -> memref<1x32xf32, #tpu.memory_space<hbm>>
        %parallel_loop3A_546 = arith.constant 0 : i32
        %parallel_loop3A_547 = tpu.memref_slice %arg15[%parallel_loop3A_539, %parallel_loop3A_546] : memref<128x32xf32, #tpu.memory_space<vmem>> -> memref<1x32xf32, #tpu.memory_space<vmem>>
        %parallel_loop3A_548 = arith.constant 0 : i32
        %parallel_loop3A_549 = tpu.memref_slice %arg6[%parallel_loop3A_541, %parallel_loop3A_548] : memref<1000000x32xf32, #tpu.memory_space<hbm>> -> memref<1x32xf32, #tpu.memory_space<hbm>>
        tpu.enqueue_dma source(%parallel_loop3A_549 : memref<1x32xf32, #tpu.memory_space<hbm>>) target(%parallel_loop3A_547 : memref<1x32xf32, #tpu.memory_space<vmem>>) target_semaphore(%arg20 : memref<!tpu.dma_semaphore, #tpu.memory_space<semaphore_mem>>)
        %parallel_loop3A_550 = vector.extract_strided_slice %parallel_loop3A_47 {offsets = [11], sizes = [1], strides = [1]} : vector<16xi32> to vector<1xi32>
        %parallel_loop3A_551 = vector.extract %parallel_loop3A_550[0] : i32 from vector<1xi32>
        %parallel_loop3A_552 = arith.constant 0 : i32
        %parallel_loop3A_553 = tpu.memref_slice %arg16[%parallel_loop3A_539, %parallel_loop3A_552] : memref<128x10xf32, #tpu.memory_space<vmem>> -> memref<1x10xf32, #tpu.memory_space<vmem>>
        %parallel_loop3A_554 = arith.constant 0 : i32
        %parallel_loop3A_555 = tpu.memref_slice %arg7[%parallel_loop3A_551, %parallel_loop3A_554] : memref<1000000x10xf32, #tpu.memory_space<hbm>> -> memref<1x10xf32, #tpu.memory_space<hbm>>
        %parallel_loop3A_556 = arith.constant 0 : i32
        %parallel_loop3A_557 = tpu.memref_slice %arg16[%parallel_loop3A_539, %parallel_loop3A_556] : memref<128x10xf32, #tpu.memory_space<vmem>> -> memref<1x10xf32, #tpu.memory_space<vmem>>
        %parallel_loop3A_558 = arith.constant 0 : i32
        %parallel_loop3A_559 = tpu.memref_slice %arg7[%parallel_loop3A_551, %parallel_loop3A_558] : memref<1000000x10xf32, #tpu.memory_space<hbm>> -> memref<1x10xf32, #tpu.memory_space<hbm>>
        tpu.enqueue_dma source(%parallel_loop3A_559 : memref<1x10xf32, #tpu.memory_space<hbm>>) target(%parallel_loop3A_557 : memref<1x10xf32, #tpu.memory_space<vmem>>) target_semaphore(%arg21 : memref<!tpu.dma_semaphore, #tpu.memory_space<semaphore_mem>>)
        %parallel_loop3A_560 = vector.extract_strided_slice %parallel_loop3A_49 {offsets = [11], sizes = [1], strides = [1]} : vector<16xi32> to vector<1xi32>
        %parallel_loop3A_561 = vector.extract %parallel_loop3A_560[0] : i32 from vector<1xi32>
        %parallel_loop3A_562 = arith.constant 0 : i32
        %parallel_loop3A_563 = tpu.memref_slice %arg17[%parallel_loop3A_539, %parallel_loop3A_562] : memref<128x10xf32, #tpu.memory_space<vmem>> -> memref<1x10xf32, #tpu.memory_space<vmem>>
        %parallel_loop3A_564 = arith.constant 0 : i32
        %parallel_loop3A_565 = tpu.memref_slice %arg8[%parallel_loop3A_561, %parallel_loop3A_564] : memref<1000000x10xf32, #tpu.memory_space<hbm>> -> memref<1x10xf32, #tpu.memory_space<hbm>>
        %parallel_loop3A_566 = arith.constant 0 : i32
        %parallel_loop3A_567 = tpu.memref_slice %arg17[%parallel_loop3A_539, %parallel_loop3A_566] : memref<128x10xf32, #tpu.memory_space<vmem>> -> memref<1x10xf32, #tpu.memory_space<vmem>>
        %parallel_loop3A_568 = arith.constant 0 : i32
        %parallel_loop3A_569 = tpu.memref_slice %arg8[%parallel_loop3A_561, %parallel_loop3A_568] : memref<1000000x10xf32, #tpu.memory_space<hbm>> -> memref<1x10xf32, #tpu.memory_space<hbm>>
        tpu.enqueue_dma source(%parallel_loop3A_569 : memref<1x10xf32, #tpu.memory_space<hbm>>) target(%parallel_loop3A_567 : memref<1x10xf32, #tpu.memory_space<vmem>>) target_semaphore(%arg22 : memref<!tpu.dma_semaphore, #tpu.memory_space<semaphore_mem>>)
        %parallel_loop3A_570 = vector.extract_strided_slice %parallel_loop3A_51 {offsets = [11], sizes = [1], strides = [1]} : vector<16xi32> to vector<1xi32>
        %parallel_loop3A_571 = vector.extract %parallel_loop3A_570[0] : i32 from vector<1xi32>
        %parallel_loop3A_572 = arith.constant 0 : i32
        %parallel_loop3A_573 = tpu.memref_slice %arg18[%parallel_loop3A_539, %parallel_loop3A_572] : memref<128x12xf32, #tpu.memory_space<vmem>> -> memref<1x12xf32, #tpu.memory_space<vmem>>
        %parallel_loop3A_574 = arith.constant 0 : i32
        %parallel_loop3A_575 = tpu.memref_slice %arg9[%parallel_loop3A_571, %parallel_loop3A_574] : memref<1000000x12xf32, #tpu.memory_space<hbm>> -> memref<1x12xf32, #tpu.memory_space<hbm>>
        %parallel_loop3A_576 = arith.constant 0 : i32
        %parallel_loop3A_577 = tpu.memref_slice %arg18[%parallel_loop3A_539, %parallel_loop3A_576] : memref<128x12xf32, #tpu.memory_space<vmem>> -> memref<1x12xf32, #tpu.memory_space<vmem>>
        %parallel_loop3A_578 = arith.constant 0 : i32
        %parallel_loop3A_579 = tpu.memref_slice %arg9[%parallel_loop3A_571, %parallel_loop3A_578] : memref<1000000x12xf32, #tpu.memory_space<hbm>> -> memref<1x12xf32, #tpu.memory_space<hbm>>
        tpu.enqueue_dma source(%parallel_loop3A_579 : memref<1x12xf32, #tpu.memory_space<hbm>>) target(%parallel_loop3A_577 : memref<1x12xf32, #tpu.memory_space<vmem>>) target_semaphore(%arg23 : memref<!tpu.dma_semaphore, #tpu.memory_space<semaphore_mem>>)
        %parallel_loop3A_580 = arith.constant 16 : i32
        %parallel_loop3A_581 = arith.muli %parallel_loop3A_40, %parallel_loop3A_580 : i32
        %parallel_loop3A_582 = arith.constant 12 : i32
        %parallel_loop3A_583 = arith.addi %parallel_loop3A_581, %parallel_loop3A_582 : i32
        %parallel_loop3A_584 = vector.extract_strided_slice %parallel_loop3A_45 {offsets = [12], sizes = [1], strides = [1]} : vector<16xi32> to vector<1xi32>
        %parallel_loop3A_585 = vector.extract %parallel_loop3A_584[0] : i32 from vector<1xi32>
        %parallel_loop3A_586 = arith.constant 0 : i32
        %parallel_loop3A_587 = tpu.memref_slice %arg15[%parallel_loop3A_583, %parallel_loop3A_586] : memref<128x32xf32, #tpu.memory_space<vmem>> -> memref<1x32xf32, #tpu.memory_space<vmem>>
        %parallel_loop3A_588 = arith.constant 0 : i32
        %parallel_loop3A_589 = tpu.memref_slice %arg6[%parallel_loop3A_585, %parallel_loop3A_588] : memref<1000000x32xf32, #tpu.memory_space<hbm>> -> memref<1x32xf32, #tpu.memory_space<hbm>>
        %parallel_loop3A_590 = arith.constant 0 : i32
        %parallel_loop3A_591 = tpu.memref_slice %arg15[%parallel_loop3A_583, %parallel_loop3A_590] : memref<128x32xf32, #tpu.memory_space<vmem>> -> memref<1x32xf32, #tpu.memory_space<vmem>>
        %parallel_loop3A_592 = arith.constant 0 : i32
        %parallel_loop3A_593 = tpu.memref_slice %arg6[%parallel_loop3A_585, %parallel_loop3A_592] : memref<1000000x32xf32, #tpu.memory_space<hbm>> -> memref<1x32xf32, #tpu.memory_space<hbm>>
        tpu.enqueue_dma source(%parallel_loop3A_593 : memref<1x32xf32, #tpu.memory_space<hbm>>) target(%parallel_loop3A_591 : memref<1x32xf32, #tpu.memory_space<vmem>>) target_semaphore(%arg20 : memref<!tpu.dma_semaphore, #tpu.memory_space<semaphore_mem>>)
        %parallel_loop3A_594 = vector.extract_strided_slice %parallel_loop3A_47 {offsets = [12], sizes = [1], strides = [1]} : vector<16xi32> to vector<1xi32>
        %parallel_loop3A_595 = vector.extract %parallel_loop3A_594[0] : i32 from vector<1xi32>
        %parallel_loop3A_596 = arith.constant 0 : i32
        %parallel_loop3A_597 = tpu.memref_slice %arg16[%parallel_loop3A_583, %parallel_loop3A_596] : memref<128x10xf32, #tpu.memory_space<vmem>> -> memref<1x10xf32, #tpu.memory_space<vmem>>
        %parallel_loop3A_598 = arith.constant 0 : i32
        %parallel_loop3A_599 = tpu.memref_slice %arg7[%parallel_loop3A_595, %parallel_loop3A_598] : memref<1000000x10xf32, #tpu.memory_space<hbm>> -> memref<1x10xf32, #tpu.memory_space<hbm>>
        %parallel_loop3A_600 = arith.constant 0 : i32
        %parallel_loop3A_601 = tpu.memref_slice %arg16[%parallel_loop3A_583, %parallel_loop3A_600] : memref<128x10xf32, #tpu.memory_space<vmem>> -> memref<1x10xf32, #tpu.memory_space<vmem>>
        %parallel_loop3A_602 = arith.constant 0 : i32
        %parallel_loop3A_603 = tpu.memref_slice %arg7[%parallel_loop3A_595, %parallel_loop3A_602] : memref<1000000x10xf32, #tpu.memory_space<hbm>> -> memref<1x10xf32, #tpu.memory_space<hbm>>
        tpu.enqueue_dma source(%parallel_loop3A_603 : memref<1x10xf32, #tpu.memory_space<hbm>>) target(%parallel_loop3A_601 : memref<1x10xf32, #tpu.memory_space<vmem>>) target_semaphore(%arg21 : memref<!tpu.dma_semaphore, #tpu.memory_space<semaphore_mem>>)
        %parallel_loop3A_604 = vector.extract_strided_slice %parallel_loop3A_49 {offsets = [12], sizes = [1], strides = [1]} : vector<16xi32> to vector<1xi32>
        %parallel_loop3A_605 = vector.extract %parallel_loop3A_604[0] : i32 from vector<1xi32>
        %parallel_loop3A_606 = arith.constant 0 : i32
        %parallel_loop3A_607 = tpu.memref_slice %arg17[%parallel_loop3A_583, %parallel_loop3A_606] : memref<128x10xf32, #tpu.memory_space<vmem>> -> memref<1x10xf32, #tpu.memory_space<vmem>>
        %parallel_loop3A_608 = arith.constant 0 : i32
        %parallel_loop3A_609 = tpu.memref_slice %arg8[%parallel_loop3A_605, %parallel_loop3A_608] : memref<1000000x10xf32, #tpu.memory_space<hbm>> -> memref<1x10xf32, #tpu.memory_space<hbm>>
        %parallel_loop3A_610 = arith.constant 0 : i32
        %parallel_loop3A_611 = tpu.memref_slice %arg17[%parallel_loop3A_583, %parallel_loop3A_610] : memref<128x10xf32, #tpu.memory_space<vmem>> -> memref<1x10xf32, #tpu.memory_space<vmem>>
        %parallel_loop3A_612 = arith.constant 0 : i32
        %parallel_loop3A_613 = tpu.memref_slice %arg8[%parallel_loop3A_605, %parallel_loop3A_612] : memref<1000000x10xf32, #tpu.memory_space<hbm>> -> memref<1x10xf32, #tpu.memory_space<hbm>>
        tpu.enqueue_dma source(%parallel_loop3A_613 : memref<1x10xf32, #tpu.memory_space<hbm>>) target(%parallel_loop3A_611 : memref<1x10xf32, #tpu.memory_space<vmem>>) target_semaphore(%arg22 : memref<!tpu.dma_semaphore, #tpu.memory_space<semaphore_mem>>)
        %parallel_loop3A_614 = vector.extract_strided_slice %parallel_loop3A_51 {offsets = [12], sizes = [1], strides = [1]} : vector<16xi32> to vector<1xi32>
        %parallel_loop3A_615 = vector.extract %parallel_loop3A_614[0] : i32 from vector<1xi32>
        %parallel_loop3A_616 = arith.constant 0 : i32
        %parallel_loop3A_617 = tpu.memref_slice %arg18[%parallel_loop3A_583, %parallel_loop3A_616] : memref<128x12xf32, #tpu.memory_space<vmem>> -> memref<1x12xf32, #tpu.memory_space<vmem>>
        %parallel_loop3A_618 = arith.constant 0 : i32
        %parallel_loop3A_619 = tpu.memref_slice %arg9[%parallel_loop3A_615, %parallel_loop3A_618] : memref<1000000x12xf32, #tpu.memory_space<hbm>> -> memref<1x12xf32, #tpu.memory_space<hbm>>
        %parallel_loop3A_620 = arith.constant 0 : i32
        %parallel_loop3A_621 = tpu.memref_slice %arg18[%parallel_loop3A_583, %parallel_loop3A_620] : memref<128x12xf32, #tpu.memory_space<vmem>> -> memref<1x12xf32, #tpu.memory_space<vmem>>
        %parallel_loop3A_622 = arith.constant 0 : i32
        %parallel_loop3A_623 = tpu.memref_slice %arg9[%parallel_loop3A_615, %parallel_loop3A_622] : memref<1000000x12xf32, #tpu.memory_space<hbm>> -> memref<1x12xf32, #tpu.memory_space<hbm>>
        tpu.enqueue_dma source(%parallel_loop3A_623 : memref<1x12xf32, #tpu.memory_space<hbm>>) target(%parallel_loop3A_621 : memref<1x12xf32, #tpu.memory_space<vmem>>) target_semaphore(%arg23 : memref<!tpu.dma_semaphore, #tpu.memory_space<semaphore_mem>>)
        %parallel_loop3A_624 = arith.constant 16 : i32
        %parallel_loop3A_625 = arith.muli %parallel_loop3A_40, %parallel_loop3A_624 : i32
        %parallel_loop3A_626 = arith.constant 13 : i32
        %parallel_loop3A_627 = arith.addi %parallel_loop3A_625, %parallel_loop3A_626 : i32
        %parallel_loop3A_628 = vector.extract_strided_slice %parallel_loop3A_45 {offsets = [13], sizes = [1], strides = [1]} : vector<16xi32> to vector<1xi32>
        %parallel_loop3A_629 = vector.extract %parallel_loop3A_628[0] : i32 from vector<1xi32>
        %parallel_loop3A_630 = arith.constant 0 : i32
        %parallel_loop3A_631 = tpu.memref_slice %arg15[%parallel_loop3A_627, %parallel_loop3A_630] : memref<128x32xf32, #tpu.memory_space<vmem>> -> memref<1x32xf32, #tpu.memory_space<vmem>>
        %parallel_loop3A_632 = arith.constant 0 : i32
        %parallel_loop3A_633 = tpu.memref_slice %arg6[%parallel_loop3A_629, %parallel_loop3A_632] : memref<1000000x32xf32, #tpu.memory_space<hbm>> -> memref<1x32xf32, #tpu.memory_space<hbm>>
        %parallel_loop3A_634 = arith.constant 0 : i32
        %parallel_loop3A_635 = tpu.memref_slice %arg15[%parallel_loop3A_627, %parallel_loop3A_634] : memref<128x32xf32, #tpu.memory_space<vmem>> -> memref<1x32xf32, #tpu.memory_space<vmem>>
        %parallel_loop3A_636 = arith.constant 0 : i32
        %parallel_loop3A_637 = tpu.memref_slice %arg6[%parallel_loop3A_629, %parallel_loop3A_636] : memref<1000000x32xf32, #tpu.memory_space<hbm>> -> memref<1x32xf32, #tpu.memory_space<hbm>>
        tpu.enqueue_dma source(%parallel_loop3A_637 : memref<1x32xf32, #tpu.memory_space<hbm>>) target(%parallel_loop3A_635 : memref<1x32xf32, #tpu.memory_space<vmem>>) target_semaphore(%arg20 : memref<!tpu.dma_semaphore, #tpu.memory_space<semaphore_mem>>)
        %parallel_loop3A_638 = vector.extract_strided_slice %parallel_loop3A_47 {offsets = [13], sizes = [1], strides = [1]} : vector<16xi32> to vector<1xi32>
        %parallel_loop3A_639 = vector.extract %parallel_loop3A_638[0] : i32 from vector<1xi32>
        %parallel_loop3A_640 = arith.constant 0 : i32
        %parallel_loop3A_641 = tpu.memref_slice %arg16[%parallel_loop3A_627, %parallel_loop3A_640] : memref<128x10xf32, #tpu.memory_space<vmem>> -> memref<1x10xf32, #tpu.memory_space<vmem>>
        %parallel_loop3A_642 = arith.constant 0 : i32
        %parallel_loop3A_643 = tpu.memref_slice %arg7[%parallel_loop3A_639, %parallel_loop3A_642] : memref<1000000x10xf32, #tpu.memory_space<hbm>> -> memref<1x10xf32, #tpu.memory_space<hbm>>
        %parallel_loop3A_644 = arith.constant 0 : i32
        %parallel_loop3A_645 = tpu.memref_slice %arg16[%parallel_loop3A_627, %parallel_loop3A_644] : memref<128x10xf32, #tpu.memory_space<vmem>> -> memref<1x10xf32, #tpu.memory_space<vmem>>
        %parallel_loop3A_646 = arith.constant 0 : i32
        %parallel_loop3A_647 = tpu.memref_slice %arg7[%parallel_loop3A_639, %parallel_loop3A_646] : memref<1000000x10xf32, #tpu.memory_space<hbm>> -> memref<1x10xf32, #tpu.memory_space<hbm>>
        tpu.enqueue_dma source(%parallel_loop3A_647 : memref<1x10xf32, #tpu.memory_space<hbm>>) target(%parallel_loop3A_645 : memref<1x10xf32, #tpu.memory_space<vmem>>) target_semaphore(%arg21 : memref<!tpu.dma_semaphore, #tpu.memory_space<semaphore_mem>>)
        %parallel_loop3A_648 = vector.extract_strided_slice %parallel_loop3A_49 {offsets = [13], sizes = [1], strides = [1]} : vector<16xi32> to vector<1xi32>
        %parallel_loop3A_649 = vector.extract %parallel_loop3A_648[0] : i32 from vector<1xi32>
        %parallel_loop3A_650 = arith.constant 0 : i32
        %parallel_loop3A_651 = tpu.memref_slice %arg17[%parallel_loop3A_627, %parallel_loop3A_650] : memref<128x10xf32, #tpu.memory_space<vmem>> -> memref<1x10xf32, #tpu.memory_space<vmem>>
        %parallel_loop3A_652 = arith.constant 0 : i32
        %parallel_loop3A_653 = tpu.memref_slice %arg8[%parallel_loop3A_649, %parallel_loop3A_652] : memref<1000000x10xf32, #tpu.memory_space<hbm>> -> memref<1x10xf32, #tpu.memory_space<hbm>>
        %parallel_loop3A_654 = arith.constant 0 : i32
        %parallel_loop3A_655 = tpu.memref_slice %arg17[%parallel_loop3A_627, %parallel_loop3A_654] : memref<128x10xf32, #tpu.memory_space<vmem>> -> memref<1x10xf32, #tpu.memory_space<vmem>>
        %parallel_loop3A_656 = arith.constant 0 : i32
        %parallel_loop3A_657 = tpu.memref_slice %arg8[%parallel_loop3A_649, %parallel_loop3A_656] : memref<1000000x10xf32, #tpu.memory_space<hbm>> -> memref<1x10xf32, #tpu.memory_space<hbm>>
        tpu.enqueue_dma source(%parallel_loop3A_657 : memref<1x10xf32, #tpu.memory_space<hbm>>) target(%parallel_loop3A_655 : memref<1x10xf32, #tpu.memory_space<vmem>>) target_semaphore(%arg22 : memref<!tpu.dma_semaphore, #tpu.memory_space<semaphore_mem>>)
        %parallel_loop3A_658 = vector.extract_strided_slice %parallel_loop3A_51 {offsets = [13], sizes = [1], strides = [1]} : vector<16xi32> to vector<1xi32>
        %parallel_loop3A_659 = vector.extract %parallel_loop3A_658[0] : i32 from vector<1xi32>
        %parallel_loop3A_660 = arith.constant 0 : i32
        %parallel_loop3A_661 = tpu.memref_slice %arg18[%parallel_loop3A_627, %parallel_loop3A_660] : memref<128x12xf32, #tpu.memory_space<vmem>> -> memref<1x12xf32, #tpu.memory_space<vmem>>
        %parallel_loop3A_662 = arith.constant 0 : i32
        %parallel_loop3A_663 = tpu.memref_slice %arg9[%parallel_loop3A_659, %parallel_loop3A_662] : memref<1000000x12xf32, #tpu.memory_space<hbm>> -> memref<1x12xf32, #tpu.memory_space<hbm>>
        %parallel_loop3A_664 = arith.constant 0 : i32
        %parallel_loop3A_665 = tpu.memref_slice %arg18[%parallel_loop3A_627, %parallel_loop3A_664] : memref<128x12xf32, #tpu.memory_space<vmem>> -> memref<1x12xf32, #tpu.memory_space<vmem>>
        %parallel_loop3A_666 = arith.constant 0 : i32
        %parallel_loop3A_667 = tpu.memref_slice %arg9[%parallel_loop3A_659, %parallel_loop3A_666] : memref<1000000x12xf32, #tpu.memory_space<hbm>> -> memref<1x12xf32, #tpu.memory_space<hbm>>
        tpu.enqueue_dma source(%parallel_loop3A_667 : memref<1x12xf32, #tpu.memory_space<hbm>>) target(%parallel_loop3A_665 : memref<1x12xf32, #tpu.memory_space<vmem>>) target_semaphore(%arg23 : memref<!tpu.dma_semaphore, #tpu.memory_space<semaphore_mem>>)
        %parallel_loop3A_668 = arith.constant 16 : i32
        %parallel_loop3A_669 = arith.muli %parallel_loop3A_40, %parallel_loop3A_668 : i32
        %parallel_loop3A_670 = arith.constant 14 : i32
        %parallel_loop3A_671 = arith.addi %parallel_loop3A_669, %parallel_loop3A_670 : i32
        %parallel_loop3A_672 = vector.extract_strided_slice %parallel_loop3A_45 {offsets = [14], sizes = [1], strides = [1]} : vector<16xi32> to vector<1xi32>
        %parallel_loop3A_673 = vector.extract %parallel_loop3A_672[0] : i32 from vector<1xi32>
        %parallel_loop3A_674 = arith.constant 0 : i32
        %parallel_loop3A_675 = tpu.memref_slice %arg15[%parallel_loop3A_671, %parallel_loop3A_674] : memref<128x32xf32, #tpu.memory_space<vmem>> -> memref<1x32xf32, #tpu.memory_space<vmem>>
        %parallel_loop3A_676 = arith.constant 0 : i32
        %parallel_loop3A_677 = tpu.memref_slice %arg6[%parallel_loop3A_673, %parallel_loop3A_676] : memref<1000000x32xf32, #tpu.memory_space<hbm>> -> memref<1x32xf32, #tpu.memory_space<hbm>>
        %parallel_loop3A_678 = arith.constant 0 : i32
        %parallel_loop3A_679 = tpu.memref_slice %arg15[%parallel_loop3A_671, %parallel_loop3A_678] : memref<128x32xf32, #tpu.memory_space<vmem>> -> memref<1x32xf32, #tpu.memory_space<vmem>>
        %parallel_loop3A_680 = arith.constant 0 : i32
        %parallel_loop3A_681 = tpu.memref_slice %arg6[%parallel_loop3A_673, %parallel_loop3A_680] : memref<1000000x32xf32, #tpu.memory_space<hbm>> -> memref<1x32xf32, #tpu.memory_space<hbm>>
        tpu.enqueue_dma source(%parallel_loop3A_681 : memref<1x32xf32, #tpu.memory_space<hbm>>) target(%parallel_loop3A_679 : memref<1x32xf32, #tpu.memory_space<vmem>>) target_semaphore(%arg20 : memref<!tpu.dma_semaphore, #tpu.memory_space<semaphore_mem>>)
        %parallel_loop3A_682 = vector.extract_strided_slice %parallel_loop3A_47 {offsets = [14], sizes = [1], strides = [1]} : vector<16xi32> to vector<1xi32>
        %parallel_loop3A_683 = vector.extract %parallel_loop3A_682[0] : i32 from vector<1xi32>
        %parallel_loop3A_684 = arith.constant 0 : i32
        %parallel_loop3A_685 = tpu.memref_slice %arg16[%parallel_loop3A_671, %parallel_loop3A_684] : memref<128x10xf32, #tpu.memory_space<vmem>> -> memref<1x10xf32, #tpu.memory_space<vmem>>
        %parallel_loop3A_686 = arith.constant 0 : i32
        %parallel_loop3A_687 = tpu.memref_slice %arg7[%parallel_loop3A_683, %parallel_loop3A_686] : memref<1000000x10xf32, #tpu.memory_space<hbm>> -> memref<1x10xf32, #tpu.memory_space<hbm>>
        %parallel_loop3A_688 = arith.constant 0 : i32
        %parallel_loop3A_689 = tpu.memref_slice %arg16[%parallel_loop3A_671, %parallel_loop3A_688] : memref<128x10xf32, #tpu.memory_space<vmem>> -> memref<1x10xf32, #tpu.memory_space<vmem>>
        %parallel_loop3A_690 = arith.constant 0 : i32
        %parallel_loop3A_691 = tpu.memref_slice %arg7[%parallel_loop3A_683, %parallel_loop3A_690] : memref<1000000x10xf32, #tpu.memory_space<hbm>> -> memref<1x10xf32, #tpu.memory_space<hbm>>
        tpu.enqueue_dma source(%parallel_loop3A_691 : memref<1x10xf32, #tpu.memory_space<hbm>>) target(%parallel_loop3A_689 : memref<1x10xf32, #tpu.memory_space<vmem>>) target_semaphore(%arg21 : memref<!tpu.dma_semaphore, #tpu.memory_space<semaphore_mem>>)
        %parallel_loop3A_692 = vector.extract_strided_slice %parallel_loop3A_49 {offsets = [14], sizes = [1], strides = [1]} : vector<16xi32> to vector<1xi32>
        %parallel_loop3A_693 = vector.extract %parallel_loop3A_692[0] : i32 from vector<1xi32>
        %parallel_loop3A_694 = arith.constant 0 : i32
        %parallel_loop3A_695 = tpu.memref_slice %arg17[%parallel_loop3A_671, %parallel_loop3A_694] : memref<128x10xf32, #tpu.memory_space<vmem>> -> memref<1x10xf32, #tpu.memory_space<vmem>>
        %parallel_loop3A_696 = arith.constant 0 : i32
        %parallel_loop3A_697 = tpu.memref_slice %arg8[%parallel_loop3A_693, %parallel_loop3A_696] : memref<1000000x10xf32, #tpu.memory_space<hbm>> -> memref<1x10xf32, #tpu.memory_space<hbm>>
        %parallel_loop3A_698 = arith.constant 0 : i32
        %parallel_loop3A_699 = tpu.memref_slice %arg17[%parallel_loop3A_671, %parallel_loop3A_698] : memref<128x10xf32, #tpu.memory_space<vmem>> -> memref<1x10xf32, #tpu.memory_space<vmem>>
        %parallel_loop3A_700 = arith.constant 0 : i32
        %parallel_loop3A_701 = tpu.memref_slice %arg8[%parallel_loop3A_693, %parallel_loop3A_700] : memref<1000000x10xf32, #tpu.memory_space<hbm>> -> memref<1x10xf32, #tpu.memory_space<hbm>>
        tpu.enqueue_dma source(%parallel_loop3A_701 : memref<1x10xf32, #tpu.memory_space<hbm>>) target(%parallel_loop3A_699 : memref<1x10xf32, #tpu.memory_space<vmem>>) target_semaphore(%arg22 : memref<!tpu.dma_semaphore, #tpu.memory_space<semaphore_mem>>)
        %parallel_loop3A_702 = vector.extract_strided_slice %parallel_loop3A_51 {offsets = [14], sizes = [1], strides = [1]} : vector<16xi32> to vector<1xi32>
        %parallel_loop3A_703 = vector.extract %parallel_loop3A_702[0] : i32 from vector<1xi32>
        %parallel_loop3A_704 = arith.constant 0 : i32
        %parallel_loop3A_705 = tpu.memref_slice %arg18[%parallel_loop3A_671, %parallel_loop3A_704] : memref<128x12xf32, #tpu.memory_space<vmem>> -> memref<1x12xf32, #tpu.memory_space<vmem>>
        %parallel_loop3A_706 = arith.constant 0 : i32
        %parallel_loop3A_707 = tpu.memref_slice %arg9[%parallel_loop3A_703, %parallel_loop3A_706] : memref<1000000x12xf32, #tpu.memory_space<hbm>> -> memref<1x12xf32, #tpu.memory_space<hbm>>
        %parallel_loop3A_708 = arith.constant 0 : i32
        %parallel_loop3A_709 = tpu.memref_slice %arg18[%parallel_loop3A_671, %parallel_loop3A_708] : memref<128x12xf32, #tpu.memory_space<vmem>> -> memref<1x12xf32, #tpu.memory_space<vmem>>
        %parallel_loop3A_710 = arith.constant 0 : i32
        %parallel_loop3A_711 = tpu.memref_slice %arg9[%parallel_loop3A_703, %parallel_loop3A_710] : memref<1000000x12xf32, #tpu.memory_space<hbm>> -> memref<1x12xf32, #tpu.memory_space<hbm>>
        tpu.enqueue_dma source(%parallel_loop3A_711 : memref<1x12xf32, #tpu.memory_space<hbm>>) target(%parallel_loop3A_709 : memref<1x12xf32, #tpu.memory_space<vmem>>) target_semaphore(%arg23 : memref<!tpu.dma_semaphore, #tpu.memory_space<semaphore_mem>>)
        %parallel_loop3A_712 = arith.constant 16 : i32
        %parallel_loop3A_713 = arith.muli %parallel_loop3A_40, %parallel_loop3A_712 : i32
        %parallel_loop3A_714 = arith.constant 15 : i32
        %parallel_loop3A_715 = arith.addi %parallel_loop3A_713, %parallel_loop3A_714 : i32
        %parallel_loop3A_716 = vector.extract_strided_slice %parallel_loop3A_45 {offsets = [15], sizes = [1], strides = [1]} : vector<16xi32> to vector<1xi32>
        %parallel_loop3A_717 = vector.extract %parallel_loop3A_716[0] : i32 from vector<1xi32>
        %parallel_loop3A_718 = arith.constant 0 : i32
        %parallel_loop3A_719 = tpu.memref_slice %arg15[%parallel_loop3A_715, %parallel_loop3A_718] : memref<128x32xf32, #tpu.memory_space<vmem>> -> memref<1x32xf32, #tpu.memory_space<vmem>>
        %parallel_loop3A_720 = arith.constant 0 : i32
        %parallel_loop3A_721 = tpu.memref_slice %arg6[%parallel_loop3A_717, %parallel_loop3A_720] : memref<1000000x32xf32, #tpu.memory_space<hbm>> -> memref<1x32xf32, #tpu.memory_space<hbm>>
        %parallel_loop3A_722 = arith.constant 0 : i32
        %parallel_loop3A_723 = tpu.memref_slice %arg15[%parallel_loop3A_715, %parallel_loop3A_722] : memref<128x32xf32, #tpu.memory_space<vmem>> -> memref<1x32xf32, #tpu.memory_space<vmem>>
        %parallel_loop3A_724 = arith.constant 0 : i32
        %parallel_loop3A_725 = tpu.memref_slice %arg6[%parallel_loop3A_717, %parallel_loop3A_724] : memref<1000000x32xf32, #tpu.memory_space<hbm>> -> memref<1x32xf32, #tpu.memory_space<hbm>>
        tpu.enqueue_dma source(%parallel_loop3A_725 : memref<1x32xf32, #tpu.memory_space<hbm>>) target(%parallel_loop3A_723 : memref<1x32xf32, #tpu.memory_space<vmem>>) target_semaphore(%arg20 : memref<!tpu.dma_semaphore, #tpu.memory_space<semaphore_mem>>)
        %parallel_loop3A_726 = vector.extract_strided_slice %parallel_loop3A_47 {offsets = [15], sizes = [1], strides = [1]} : vector<16xi32> to vector<1xi32>
        %parallel_loop3A_727 = vector.extract %parallel_loop3A_726[0] : i32 from vector<1xi32>
        %parallel_loop3A_728 = arith.constant 0 : i32
        %parallel_loop3A_729 = tpu.memref_slice %arg16[%parallel_loop3A_715, %parallel_loop3A_728] : memref<128x10xf32, #tpu.memory_space<vmem>> -> memref<1x10xf32, #tpu.memory_space<vmem>>
        %parallel_loop3A_730 = arith.constant 0 : i32
        %parallel_loop3A_731 = tpu.memref_slice %arg7[%parallel_loop3A_727, %parallel_loop3A_730] : memref<1000000x10xf32, #tpu.memory_space<hbm>> -> memref<1x10xf32, #tpu.memory_space<hbm>>
        %parallel_loop3A_732 = arith.constant 0 : i32
        %parallel_loop3A_733 = tpu.memref_slice %arg16[%parallel_loop3A_715, %parallel_loop3A_732] : memref<128x10xf32, #tpu.memory_space<vmem>> -> memref<1x10xf32, #tpu.memory_space<vmem>>
        %parallel_loop3A_734 = arith.constant 0 : i32
        %parallel_loop3A_735 = tpu.memref_slice %arg7[%parallel_loop3A_727, %parallel_loop3A_734] : memref<1000000x10xf32, #tpu.memory_space<hbm>> -> memref<1x10xf32, #tpu.memory_space<hbm>>
        tpu.enqueue_dma source(%parallel_loop3A_735 : memref<1x10xf32, #tpu.memory_space<hbm>>) target(%parallel_loop3A_733 : memref<1x10xf32, #tpu.memory_space<vmem>>) target_semaphore(%arg21 : memref<!tpu.dma_semaphore, #tpu.memory_space<semaphore_mem>>)
        %parallel_loop3A_736 = vector.extract_strided_slice %parallel_loop3A_49 {offsets = [15], sizes = [1], strides = [1]} : vector<16xi32> to vector<1xi32>
        %parallel_loop3A_737 = vector.extract %parallel_loop3A_736[0] : i32 from vector<1xi32>
        %parallel_loop3A_738 = arith.constant 0 : i32
        %parallel_loop3A_739 = tpu.memref_slice %arg17[%parallel_loop3A_715, %parallel_loop3A_738] : memref<128x10xf32, #tpu.memory_space<vmem>> -> memref<1x10xf32, #tpu.memory_space<vmem>>
        %parallel_loop3A_740 = arith.constant 0 : i32
        %parallel_loop3A_741 = tpu.memref_slice %arg8[%parallel_loop3A_737, %parallel_loop3A_740] : memref<1000000x10xf32, #tpu.memory_space<hbm>> -> memref<1x10xf32, #tpu.memory_space<hbm>>
        %parallel_loop3A_742 = arith.constant 0 : i32
        %parallel_loop3A_743 = tpu.memref_slice %arg17[%parallel_loop3A_715, %parallel_loop3A_742] : memref<128x10xf32, #tpu.memory_space<vmem>> -> memref<1x10xf32, #tpu.memory_space<vmem>>
        %parallel_loop3A_744 = arith.constant 0 : i32
        %parallel_loop3A_745 = tpu.memref_slice %arg8[%parallel_loop3A_737, %parallel_loop3A_744] : memref<1000000x10xf32, #tpu.memory_space<hbm>> -> memref<1x10xf32, #tpu.memory_space<hbm>>
        tpu.enqueue_dma source(%parallel_loop3A_745 : memref<1x10xf32, #tpu.memory_space<hbm>>) target(%parallel_loop3A_743 : memref<1x10xf32, #tpu.memory_space<vmem>>) target_semaphore(%arg22 : memref<!tpu.dma_semaphore, #tpu.memory_space<semaphore_mem>>)
        %parallel_loop3A_746 = vector.extract_strided_slice %parallel_loop3A_51 {offsets = [15], sizes = [1], strides = [1]} : vector<16xi32> to vector<1xi32>
        %parallel_loop3A_747 = vector.extract %parallel_loop3A_746[0] : i32 from vector<1xi32>
        %parallel_loop3A_748 = arith.constant 0 : i32
        %parallel_loop3A_749 = tpu.memref_slice %arg18[%parallel_loop3A_715, %parallel_loop3A_748] : memref<128x12xf32, #tpu.memory_space<vmem>> -> memref<1x12xf32, #tpu.memory_space<vmem>>
        %parallel_loop3A_750 = arith.constant 0 : i32
        %parallel_loop3A_751 = tpu.memref_slice %arg9[%parallel_loop3A_747, %parallel_loop3A_750] : memref<1000000x12xf32, #tpu.memory_space<hbm>> -> memref<1x12xf32, #tpu.memory_space<hbm>>
        %parallel_loop3A_752 = arith.constant 0 : i32
        %parallel_loop3A_753 = tpu.memref_slice %arg18[%parallel_loop3A_715, %parallel_loop3A_752] : memref<128x12xf32, #tpu.memory_space<vmem>> -> memref<1x12xf32, #tpu.memory_space<vmem>>
        %parallel_loop3A_754 = arith.constant 0 : i32
        %parallel_loop3A_755 = tpu.memref_slice %arg9[%parallel_loop3A_747, %parallel_loop3A_754] : memref<1000000x12xf32, #tpu.memory_space<hbm>> -> memref<1x12xf32, #tpu.memory_space<hbm>>
        tpu.enqueue_dma source(%parallel_loop3A_755 : memref<1x12xf32, #tpu.memory_space<hbm>>) target(%parallel_loop3A_753 : memref<1x12xf32, #tpu.memory_space<vmem>>) target_semaphore(%arg23 : memref<!tpu.dma_semaphore, #tpu.memory_space<semaphore_mem>>)
      } {sc.loop_unroll_factor = 1 : i64, sc.parallel_access}
      %dma_wait3A = arith.constant 0 : i32
      %dma_wait3A_12 = arith.constant 0 : i32
      %dma_wait3A_13 = tpu.memref_slice %arg6[%dma_wait3A, %dma_wait3A_12] : memref<1000000x32xf32, #tpu.memory_space<hbm>> -> memref<128x32xf32, #tpu.memory_space<hbm>>
      %dma_wait3A_14 = arith.constant 0 : i32
      %dma_wait3A_15 = arith.constant 0 : i32
      %dma_wait3A_16 = tpu.memref_slice %arg6[%dma_wait3A_14, %dma_wait3A_15] : memref<1000000x32xf32, #tpu.memory_space<hbm>> -> memref<128x32xf32, #tpu.memory_space<hbm>>
      tpu.wait_dma2 semaphore(%arg20 : memref<!tpu.dma_semaphore, #tpu.memory_space<semaphore_mem>>) src(%dma_wait3A_16 : memref<128x32xf32, #tpu.memory_space<hbm>>) dst(%arg15 : memref<128x32xf32, #tpu.memory_space<vmem>>)
      %dma_wait3A_17 = arith.constant 0 : i32
      %dma_wait3A_18 = arith.constant 0 : i32
      %dma_wait3A_19 = tpu.memref_slice %arg7[%dma_wait3A_17, %dma_wait3A_18] : memref<1000000x10xf32, #tpu.memory_space<hbm>> -> memref<128x10xf32, #tpu.memory_space<hbm>>
      %dma_wait3A_20 = arith.constant 0 : i32
      %dma_wait3A_21 = arith.constant 0 : i32
      %dma_wait3A_22 = tpu.memref_slice %arg7[%dma_wait3A_20, %dma_wait3A_21] : memref<1000000x10xf32, #tpu.memory_space<hbm>> -> memref<128x10xf32, #tpu.memory_space<hbm>>
      tpu.wait_dma2 semaphore(%arg21 : memref<!tpu.dma_semaphore, #tpu.memory_space<semaphore_mem>>) src(%dma_wait3A_22 : memref<128x10xf32, #tpu.memory_space<hbm>>) dst(%arg16 : memref<128x10xf32, #tpu.memory_space<vmem>>)
      %dma_wait3A_23 = arith.constant 0 : i32
      %dma_wait3A_24 = arith.constant 0 : i32
      %dma_wait3A_25 = tpu.memref_slice %arg8[%dma_wait3A_23, %dma_wait3A_24] : memref<1000000x10xf32, #tpu.memory_space<hbm>> -> memref<128x10xf32, #tpu.memory_space<hbm>>
      %dma_wait3A_26 = arith.constant 0 : i32
      %dma_wait3A_27 = arith.constant 0 : i32
      %dma_wait3A_28 = tpu.memref_slice %arg8[%dma_wait3A_26, %dma_wait3A_27] : memref<1000000x10xf32, #tpu.memory_space<hbm>> -> memref<128x10xf32, #tpu.memory_space<hbm>>
      tpu.wait_dma2 semaphore(%arg22 : memref<!tpu.dma_semaphore, #tpu.memory_space<semaphore_mem>>) src(%dma_wait3A_28 : memref<128x10xf32, #tpu.memory_space<hbm>>) dst(%arg17 : memref<128x10xf32, #tpu.memory_space<vmem>>)
      %dma_wait3A_29 = arith.constant 0 : i32
      %dma_wait3A_30 = arith.constant 0 : i32
      %dma_wait3A_31 = tpu.memref_slice %arg9[%dma_wait3A_29, %dma_wait3A_30] : memref<1000000x12xf32, #tpu.memory_space<hbm>> -> memref<128x12xf32, #tpu.memory_space<hbm>>
      %dma_wait3A_32 = arith.constant 0 : i32
      %dma_wait3A_33 = arith.constant 0 : i32
      %dma_wait3A_34 = tpu.memref_slice %arg9[%dma_wait3A_32, %dma_wait3A_33] : memref<1000000x12xf32, #tpu.memory_space<hbm>> -> memref<128x12xf32, #tpu.memory_space<hbm>>
      tpu.wait_dma2 semaphore(%arg23 : memref<!tpu.dma_semaphore, #tpu.memory_space<semaphore_mem>>) src(%dma_wait3A_34 : memref<128x12xf32, #tpu.memory_space<hbm>>) dst(%arg18 : memref<128x12xf32, #tpu.memory_space<vmem>>)
      %scan3A_35 = arith.constant 0 : i32
      %scan3A_36 = arith.constant 8 : i32
      %scan3A_37 = arith.addi %scan3A_35, %scan3A_36 : i32
      %scan3A_38 = arith.constant 1 : i32
      scf.for %scan3A_40 = %scan3A_35 to %scan3A_37 step %scan3A_38  : i32 {
        %mul3A_41 = arith.constant 16 : i32
        %mul3A_42 = arith.muli %scan3A_40, %mul3A_41 : i32
        %iota3A = tpu.iota {dimensions = array<i32: 0>} : vector<16xi32>
        %add3A_43 = vector.broadcast %mul3A_42 : i32 to vector<16xi32>
        %add3A_44 = arith.addi %add3A_43, %iota3A : vector<16xi32>
        %broadcast_in_dim3A = arith.constant 0.000000e+00 : f32
        %broadcast_in_dim3A_45 = vector.broadcast %broadcast_in_dim3A : f32 to vector<16xf32>
        %broadcast_in_dim3A_46 = arith.constant 0 : i32
        %broadcast_in_dim3A_47 = vector.broadcast %broadcast_in_dim3A_46 : i32 to vector<16xi32>
        %gather3A = tpu.vector_load_idx %arg15[%add3A_44, %broadcast_in_dim3A_47] : memref<128x32xf32, #tpu.memory_space<vmem>>[vector<16xi32>, vector<16xi32>], vector<16xf32>,
        %gather3A_48 = tpu.vector_load_idx %arg16[%add3A_44, %broadcast_in_dim3A_47] : memref<128x10xf32, #tpu.memory_space<vmem>>[vector<16xi32>, vector<16xi32>], vector<16xf32>,
        %mul3A_49 = arith.mulf %gather3A, %gather3A_48 : vector<16xf32>
        %add3A_50 = arith.addf %broadcast_in_dim3A_45, %mul3A_49 : vector<16xf32>
        %broadcast_in_dim3A_51 = arith.constant 1 : i32
        %broadcast_in_dim3A_52 = vector.broadcast %broadcast_in_dim3A_51 : i32 to vector<16xi32>
        %gather3A_53 = tpu.vector_load_idx %arg15[%add3A_44, %broadcast_in_dim3A_52] : memref<128x32xf32, #tpu.memory_space<vmem>>[vector<16xi32>, vector<16xi32>], vector<16xf32>,
        %gather3A_54 = tpu.vector_load_idx %arg16[%add3A_44, %broadcast_in_dim3A_52] : memref<128x10xf32, #tpu.memory_space<vmem>>[vector<16xi32>, vector<16xi32>], vector<16xf32>,
        %mul3A_55 = arith.mulf %gather3A_53, %gather3A_54 : vector<16xf32>
        %add3A_56 = arith.addf %add3A_50, %mul3A_55 : vector<16xf32>
        %broadcast_in_dim3A_57 = arith.constant 2 : i32
        %broadcast_in_dim3A_58 = vector.broadcast %broadcast_in_dim3A_57 : i32 to vector<16xi32>
        %gather3A_59 = tpu.vector_load_idx %arg15[%add3A_44, %broadcast_in_dim3A_58] : memref<128x32xf32, #tpu.memory_space<vmem>>[vector<16xi32>, vector<16xi32>], vector<16xf32>,
        %gather3A_60 = tpu.vector_load_idx %arg16[%add3A_44, %broadcast_in_dim3A_58] : memref<128x10xf32, #tpu.memory_space<vmem>>[vector<16xi32>, vector<16xi32>], vector<16xf32>,
        %mul3A_61 = arith.mulf %gather3A_59, %gather3A_60 : vector<16xf32>
        %add3A_62 = arith.addf %add3A_56, %mul3A_61 : vector<16xf32>
        %broadcast_in_dim3A_63 = arith.constant 3 : i32
        %broadcast_in_dim3A_64 = vector.broadcast %broadcast_in_dim3A_63 : i32 to vector<16xi32>
        %gather3A_65 = tpu.vector_load_idx %arg15[%add3A_44, %broadcast_in_dim3A_64] : memref<128x32xf32, #tpu.memory_space<vmem>>[vector<16xi32>, vector<16xi32>], vector<16xf32>,
        %gather3A_66 = tpu.vector_load_idx %arg16[%add3A_44, %broadcast_in_dim3A_64] : memref<128x10xf32, #tpu.memory_space<vmem>>[vector<16xi32>, vector<16xi32>], vector<16xf32>,
        %mul3A_67 = arith.mulf %gather3A_65, %gather3A_66 : vector<16xf32>
        %add3A_68 = arith.addf %add3A_62, %mul3A_67 : vector<16xf32>
        %broadcast_in_dim3A_69 = arith.constant 4 : i32
        %broadcast_in_dim3A_70 = vector.broadcast %broadcast_in_dim3A_69 : i32 to vector<16xi32>
        %gather3A_71 = tpu.vector_load_idx %arg15[%add3A_44, %broadcast_in_dim3A_70] : memref<128x32xf32, #tpu.memory_space<vmem>>[vector<16xi32>, vector<16xi32>], vector<16xf32>,
        %gather3A_72 = tpu.vector_load_idx %arg16[%add3A_44, %broadcast_in_dim3A_70] : memref<128x10xf32, #tpu.memory_space<vmem>>[vector<16xi32>, vector<16xi32>], vector<16xf32>,
        %mul3A_73 = arith.mulf %gather3A_71, %gather3A_72 : vector<16xf32>
        %add3A_74 = arith.addf %add3A_68, %mul3A_73 : vector<16xf32>
        %broadcast_in_dim3A_75 = arith.constant 5 : i32
        %broadcast_in_dim3A_76 = vector.broadcast %broadcast_in_dim3A_75 : i32 to vector<16xi32>
        %gather3A_77 = tpu.vector_load_idx %arg15[%add3A_44, %broadcast_in_dim3A_76] : memref<128x32xf32, #tpu.memory_space<vmem>>[vector<16xi32>, vector<16xi32>], vector<16xf32>,
        %gather3A_78 = tpu.vector_load_idx %arg16[%add3A_44, %broadcast_in_dim3A_76] : memref<128x10xf32, #tpu.memory_space<vmem>>[vector<16xi32>, vector<16xi32>], vector<16xf32>,
        %mul3A_79 = arith.mulf %gather3A_77, %gather3A_78 : vector<16xf32>
        %add3A_80 = arith.addf %add3A_74, %mul3A_79 : vector<16xf32>
        %broadcast_in_dim3A_81 = arith.constant 6 : i32
        %broadcast_in_dim3A_82 = vector.broadcast %broadcast_in_dim3A_81 : i32 to vector<16xi32>
        %gather3A_83 = tpu.vector_load_idx %arg15[%add3A_44, %broadcast_in_dim3A_82] : memref<128x32xf32, #tpu.memory_space<vmem>>[vector<16xi32>, vector<16xi32>], vector<16xf32>,
        %gather3A_84 = tpu.vector_load_idx %arg16[%add3A_44, %broadcast_in_dim3A_82] : memref<128x10xf32, #tpu.memory_space<vmem>>[vector<16xi32>, vector<16xi32>], vector<16xf32>,
        %mul3A_85 = arith.mulf %gather3A_83, %gather3A_84 : vector<16xf32>
        %add3A_86 = arith.addf %add3A_80, %mul3A_85 : vector<16xf32>
        %broadcast_in_dim3A_87 = arith.constant 7 : i32
        %broadcast_in_dim3A_88 = vector.broadcast %broadcast_in_dim3A_87 : i32 to vector<16xi32>
        %gather3A_89 = tpu.vector_load_idx %arg15[%add3A_44, %broadcast_in_dim3A_88] : memref<128x32xf32, #tpu.memory_space<vmem>>[vector<16xi32>, vector<16xi32>], vector<16xf32>,
        %gather3A_90 = tpu.vector_load_idx %arg16[%add3A_44, %broadcast_in_dim3A_88] : memref<128x10xf32, #tpu.memory_space<vmem>>[vector<16xi32>, vector<16xi32>], vector<16xf32>,
        %mul3A_91 = arith.mulf %gather3A_89, %gather3A_90 : vector<16xf32>
        %add3A_92 = arith.addf %add3A_86, %mul3A_91 : vector<16xf32>
        %broadcast_in_dim3A_93 = arith.constant 8 : i32
        %broadcast_in_dim3A_94 = vector.broadcast %broadcast_in_dim3A_93 : i32 to vector<16xi32>
        %gather3A_95 = tpu.vector_load_idx %arg15[%add3A_44, %broadcast_in_dim3A_94] : memref<128x32xf32, #tpu.memory_space<vmem>>[vector<16xi32>, vector<16xi32>], vector<16xf32>,
        %gather3A_96 = tpu.vector_load_idx %arg16[%add3A_44, %broadcast_in_dim3A_94] : memref<128x10xf32, #tpu.memory_space<vmem>>[vector<16xi32>, vector<16xi32>], vector<16xf32>,
        %mul3A_97 = arith.mulf %gather3A_95, %gather3A_96 : vector<16xf32>
        %add3A_98 = arith.addf %add3A_92, %mul3A_97 : vector<16xf32>
        %broadcast_in_dim3A_99 = arith.constant 9 : i32
        %broadcast_in_dim3A_100 = vector.broadcast %broadcast_in_dim3A_99 : i32 to vector<16xi32>
        %gather3A_101 = tpu.vector_load_idx %arg15[%add3A_44, %broadcast_in_dim3A_100] : memref<128x32xf32, #tpu.memory_space<vmem>>[vector<16xi32>, vector<16xi32>], vector<16xf32>,
        %gather3A_102 = tpu.vector_load_idx %arg16[%add3A_44, %broadcast_in_dim3A_100] : memref<128x10xf32, #tpu.memory_space<vmem>>[vector<16xi32>, vector<16xi32>], vector<16xf32>,
        %mul3A_103 = arith.mulf %gather3A_101, %gather3A_102 : vector<16xf32>
        %add3A_104 = arith.addf %add3A_98, %mul3A_103 : vector<16xf32>
        %broadcast_in_dim3A_105 = arith.constant 10 : i32
        %broadcast_in_dim3A_106 = vector.broadcast %broadcast_in_dim3A_105 : i32 to vector<16xi32>
        %gather3A_107 = tpu.vector_load_idx %arg15[%add3A_44, %broadcast_in_dim3A_106] : memref<128x32xf32, #tpu.memory_space<vmem>>[vector<16xi32>, vector<16xi32>], vector<16xf32>,
        %broadcast_in_dim3A_108 = arith.constant 0 : i32
        %broadcast_in_dim3A_109 = vector.broadcast %broadcast_in_dim3A_108 : i32 to vector<16xi32>
        %gather3A_110 = tpu.vector_load_idx %arg17[%add3A_44, %broadcast_in_dim3A_109] : memref<128x10xf32, #tpu.memory_space<vmem>>[vector<16xi32>, vector<16xi32>], vector<16xf32>,
        %mul3A_111 = arith.mulf %gather3A_107, %gather3A_110 : vector<16xf32>
        %add3A_112 = arith.addf %add3A_104, %mul3A_111 : vector<16xf32>
        %broadcast_in_dim3A_113 = arith.constant 11 : i32
        %broadcast_in_dim3A_114 = vector.broadcast %broadcast_in_dim3A_113 : i32 to vector<16xi32>
        %gather3A_115 = tpu.vector_load_idx %arg15[%add3A_44, %broadcast_in_dim3A_114] : memref<128x32xf32, #tpu.memory_space<vmem>>[vector<16xi32>, vector<16xi32>], vector<16xf32>,
        %broadcast_in_dim3A_116 = arith.constant 1 : i32
        %broadcast_in_dim3A_117 = vector.broadcast %broadcast_in_dim3A_116 : i32 to vector<16xi32>
        %gather3A_118 = tpu.vector_load_idx %arg17[%add3A_44, %broadcast_in_dim3A_117] : memref<128x10xf32, #tpu.memory_space<vmem>>[vector<16xi32>, vector<16xi32>], vector<16xf32>,
        %mul3A_119 = arith.mulf %gather3A_115, %gather3A_118 : vector<16xf32>
        %add3A_120 = arith.addf %add3A_112, %mul3A_119 : vector<16xf32>
        %broadcast_in_dim3A_121 = arith.constant 12 : i32
        %broadcast_in_dim3A_122 = vector.broadcast %broadcast_in_dim3A_121 : i32 to vector<16xi32>
        %gather3A_123 = tpu.vector_load_idx %arg15[%add3A_44, %broadcast_in_dim3A_122] : memref<128x32xf32, #tpu.memory_space<vmem>>[vector<16xi32>, vector<16xi32>], vector<16xf32>,
        %broadcast_in_dim3A_124 = arith.constant 2 : i32
        %broadcast_in_dim3A_125 = vector.broadcast %broadcast_in_dim3A_124 : i32 to vector<16xi32>
        %gather3A_126 = tpu.vector_load_idx %arg17[%add3A_44, %broadcast_in_dim3A_125] : memref<128x10xf32, #tpu.memory_space<vmem>>[vector<16xi32>, vector<16xi32>], vector<16xf32>,
        %mul3A_127 = arith.mulf %gather3A_123, %gather3A_126 : vector<16xf32>
        %add3A_128 = arith.addf %add3A_120, %mul3A_127 : vector<16xf32>
        %broadcast_in_dim3A_129 = arith.constant 13 : i32
        %broadcast_in_dim3A_130 = vector.broadcast %broadcast_in_dim3A_129 : i32 to vector<16xi32>
        %gather3A_131 = tpu.vector_load_idx %arg15[%add3A_44, %broadcast_in_dim3A_130] : memref<128x32xf32, #tpu.memory_space<vmem>>[vector<16xi32>, vector<16xi32>], vector<16xf32>,
        %broadcast_in_dim3A_132 = arith.constant 3 : i32
        %broadcast_in_dim3A_133 = vector.broadcast %broadcast_in_dim3A_132 : i32 to vector<16xi32>
        %gather3A_134 = tpu.vector_load_idx %arg17[%add3A_44, %broadcast_in_dim3A_133] : memref<128x10xf32, #tpu.memory_space<vmem>>[vector<16xi32>, vector<16xi32>], vector<16xf32>,
        %mul3A_135 = arith.mulf %gather3A_131, %gather3A_134 : vector<16xf32>
        %add3A_136 = arith.addf %add3A_128, %mul3A_135 : vector<16xf32>
        %broadcast_in_dim3A_137 = arith.constant 14 : i32
        %broadcast_in_dim3A_138 = vector.broadcast %broadcast_in_dim3A_137 : i32 to vector<16xi32>
        %gather3A_139 = tpu.vector_load_idx %arg15[%add3A_44, %broadcast_in_dim3A_138] : memref<128x32xf32, #tpu.memory_space<vmem>>[vector<16xi32>, vector<16xi32>], vector<16xf32>,
        %broadcast_in_dim3A_140 = arith.constant 4 : i32
        %broadcast_in_dim3A_141 = vector.broadcast %broadcast_in_dim3A_140 : i32 to vector<16xi32>
        %gather3A_142 = tpu.vector_load_idx %arg17[%add3A_44, %broadcast_in_dim3A_141] : memref<128x10xf32, #tpu.memory_space<vmem>>[vector<16xi32>, vector<16xi32>], vector<16xf32>,
        %mul3A_143 = arith.mulf %gather3A_139, %gather3A_142 : vector<16xf32>
        %add3A_144 = arith.addf %add3A_136, %mul3A_143 : vector<16xf32>
        %broadcast_in_dim3A_145 = arith.constant 15 : i32
        %broadcast_in_dim3A_146 = vector.broadcast %broadcast_in_dim3A_145 : i32 to vector<16xi32>
        %gather3A_147 = tpu.vector_load_idx %arg15[%add3A_44, %broadcast_in_dim3A_146] : memref<128x32xf32, #tpu.memory_space<vmem>>[vector<16xi32>, vector<16xi32>], vector<16xf32>,
        %broadcast_in_dim3A_148 = arith.constant 5 : i32
        %broadcast_in_dim3A_149 = vector.broadcast %broadcast_in_dim3A_148 : i32 to vector<16xi32>
        %gather3A_150 = tpu.vector_load_idx %arg17[%add3A_44, %broadcast_in_dim3A_149] : memref<128x10xf32, #tpu.memory_space<vmem>>[vector<16xi32>, vector<16xi32>], vector<16xf32>,
        %mul3A_151 = arith.mulf %gather3A_147, %gather3A_150 : vector<16xf32>
        %add3A_152 = arith.addf %add3A_144, %mul3A_151 : vector<16xf32>
        %broadcast_in_dim3A_153 = arith.constant 16 : i32
        %broadcast_in_dim3A_154 = vector.broadcast %broadcast_in_dim3A_153 : i32 to vector<16xi32>
        %gather3A_155 = tpu.vector_load_idx %arg15[%add3A_44, %broadcast_in_dim3A_154] : memref<128x32xf32, #tpu.memory_space<vmem>>[vector<16xi32>, vector<16xi32>], vector<16xf32>,
        %broadcast_in_dim3A_156 = arith.constant 6 : i32
        %broadcast_in_dim3A_157 = vector.broadcast %broadcast_in_dim3A_156 : i32 to vector<16xi32>
        %gather3A_158 = tpu.vector_load_idx %arg17[%add3A_44, %broadcast_in_dim3A_157] : memref<128x10xf32, #tpu.memory_space<vmem>>[vector<16xi32>, vector<16xi32>], vector<16xf32>,
        %mul3A_159 = arith.mulf %gather3A_155, %gather3A_158 : vector<16xf32>
        %add3A_160 = arith.addf %add3A_152, %mul3A_159 : vector<16xf32>
        %broadcast_in_dim3A_161 = arith.constant 17 : i32
        %broadcast_in_dim3A_162 = vector.broadcast %broadcast_in_dim3A_161 : i32 to vector<16xi32>
        %gather3A_163 = tpu.vector_load_idx %arg15[%add3A_44, %broadcast_in_dim3A_162] : memref<128x32xf32, #tpu.memory_space<vmem>>[vector<16xi32>, vector<16xi32>], vector<16xf32>,
        %broadcast_in_dim3A_164 = arith.constant 7 : i32
        %broadcast_in_dim3A_165 = vector.broadcast %broadcast_in_dim3A_164 : i32 to vector<16xi32>
        %gather3A_166 = tpu.vector_load_idx %arg17[%add3A_44, %broadcast_in_dim3A_165] : memref<128x10xf32, #tpu.memory_space<vmem>>[vector<16xi32>, vector<16xi32>], vector<16xf32>,
        %mul3A_167 = arith.mulf %gather3A_163, %gather3A_166 : vector<16xf32>
        %add3A_168 = arith.addf %add3A_160, %mul3A_167 : vector<16xf32>
        %broadcast_in_dim3A_169 = arith.constant 18 : i32
        %broadcast_in_dim3A_170 = vector.broadcast %broadcast_in_dim3A_169 : i32 to vector<16xi32>
        %gather3A_171 = tpu.vector_load_idx %arg15[%add3A_44, %broadcast_in_dim3A_170] : memref<128x32xf32, #tpu.memory_space<vmem>>[vector<16xi32>, vector<16xi32>], vector<16xf32>,
        %broadcast_in_dim3A_172 = arith.constant 8 : i32
        %broadcast_in_dim3A_173 = vector.broadcast %broadcast_in_dim3A_172 : i32 to vector<16xi32>
        %gather3A_174 = tpu.vector_load_idx %arg17[%add3A_44, %broadcast_in_dim3A_173] : memref<128x10xf32, #tpu.memory_space<vmem>>[vector<16xi32>, vector<16xi32>], vector<16xf32>,
        %mul3A_175 = arith.mulf %gather3A_171, %gather3A_174 : vector<16xf32>
        %add3A_176 = arith.addf %add3A_168, %mul3A_175 : vector<16xf32>
        %broadcast_in_dim3A_177 = arith.constant 19 : i32
        %broadcast_in_dim3A_178 = vector.broadcast %broadcast_in_dim3A_177 : i32 to vector<16xi32>
        %gather3A_179 = tpu.vector_load_idx %arg15[%add3A_44, %broadcast_in_dim3A_178] : memref<128x32xf32, #tpu.memory_space<vmem>>[vector<16xi32>, vector<16xi32>], vector<16xf32>,
        %broadcast_in_dim3A_180 = arith.constant 9 : i32
        %broadcast_in_dim3A_181 = vector.broadcast %broadcast_in_dim3A_180 : i32 to vector<16xi32>
        %gather3A_182 = tpu.vector_load_idx %arg17[%add3A_44, %broadcast_in_dim3A_181] : memref<128x10xf32, #tpu.memory_space<vmem>>[vector<16xi32>, vector<16xi32>], vector<16xf32>,
        %mul3A_183 = arith.mulf %gather3A_179, %gather3A_182 : vector<16xf32>
        %add3A_184 = arith.addf %add3A_176, %mul3A_183 : vector<16xf32>
        %broadcast_in_dim3A_185 = arith.constant 20 : i32
        %broadcast_in_dim3A_186 = vector.broadcast %broadcast_in_dim3A_185 : i32 to vector<16xi32>
        %gather3A_187 = tpu.vector_load_idx %arg15[%add3A_44, %broadcast_in_dim3A_186] : memref<128x32xf32, #tpu.memory_space<vmem>>[vector<16xi32>, vector<16xi32>], vector<16xf32>,
        %broadcast_in_dim3A_188 = arith.constant 0 : i32
        %broadcast_in_dim3A_189 = vector.broadcast %broadcast_in_dim3A_188 : i32 to vector<16xi32>
        %gather3A_190 = tpu.vector_load_idx %arg18[%add3A_44, %broadcast_in_dim3A_189] : memref<128x12xf32, #tpu.memory_space<vmem>>[vector<16xi32>, vector<16xi32>], vector<16xf32>,
        %mul3A_191 = arith.mulf %gather3A_187, %gather3A_190 : vector<16xf32>
        %add3A_192 = arith.addf %add3A_184, %mul3A_191 : vector<16xf32>
        %broadcast_in_dim3A_193 = arith.constant 21 : i32
        %broadcast_in_dim3A_194 = vector.broadcast %broadcast_in_dim3A_193 : i32 to vector<16xi32>
        %gather3A_195 = tpu.vector_load_idx %arg15[%add3A_44, %broadcast_in_dim3A_194] : memref<128x32xf32, #tpu.memory_space<vmem>>[vector<16xi32>, vector<16xi32>], vector<16xf32>,
        %broadcast_in_dim3A_196 = arith.constant 1 : i32
        %broadcast_in_dim3A_197 = vector.broadcast %broadcast_in_dim3A_196 : i32 to vector<16xi32>
        %gather3A_198 = tpu.vector_load_idx %arg18[%add3A_44, %broadcast_in_dim3A_197] : memref<128x12xf32, #tpu.memory_space<vmem>>[vector<16xi32>, vector<16xi32>], vector<16xf32>,
        %mul3A_199 = arith.mulf %gather3A_195, %gather3A_198 : vector<16xf32>
        %add3A_200 = arith.addf %add3A_192, %mul3A_199 : vector<16xf32>
        %broadcast_in_dim3A_201 = arith.constant 22 : i32
        %broadcast_in_dim3A_202 = vector.broadcast %broadcast_in_dim3A_201 : i32 to vector<16xi32>
        %gather3A_203 = tpu.vector_load_idx %arg15[%add3A_44, %broadcast_in_dim3A_202] : memref<128x32xf32, #tpu.memory_space<vmem>>[vector<16xi32>, vector<16xi32>], vector<16xf32>,
        %broadcast_in_dim3A_204 = arith.constant 2 : i32
        %broadcast_in_dim3A_205 = vector.broadcast %broadcast_in_dim3A_204 : i32 to vector<16xi32>
        %gather3A_206 = tpu.vector_load_idx %arg18[%add3A_44, %broadcast_in_dim3A_205] : memref<128x12xf32, #tpu.memory_space<vmem>>[vector<16xi32>, vector<16xi32>], vector<16xf32>,
        %mul3A_207 = arith.mulf %gather3A_203, %gather3A_206 : vector<16xf32>
        %add3A_208 = arith.addf %add3A_200, %mul3A_207 : vector<16xf32>
        %broadcast_in_dim3A_209 = arith.constant 23 : i32
        %broadcast_in_dim3A_210 = vector.broadcast %broadcast_in_dim3A_209 : i32 to vector<16xi32>
        %gather3A_211 = tpu.vector_load_idx %arg15[%add3A_44, %broadcast_in_dim3A_210] : memref<128x32xf32, #tpu.memory_space<vmem>>[vector<16xi32>, vector<16xi32>], vector<16xf32>,
        %broadcast_in_dim3A_212 = arith.constant 3 : i32
        %broadcast_in_dim3A_213 = vector.broadcast %broadcast_in_dim3A_212 : i32 to vector<16xi32>
        %gather3A_214 = tpu.vector_load_idx %arg18[%add3A_44, %broadcast_in_dim3A_213] : memref<128x12xf32, #tpu.memory_space<vmem>>[vector<16xi32>, vector<16xi32>], vector<16xf32>,
        %mul3A_215 = arith.mulf %gather3A_211, %gather3A_214 : vector<16xf32>
        %add3A_216 = arith.addf %add3A_208, %mul3A_215 : vector<16xf32>
        %broadcast_in_dim3A_217 = arith.constant 24 : i32
        %broadcast_in_dim3A_218 = vector.broadcast %broadcast_in_dim3A_217 : i32 to vector<16xi32>
        %gather3A_219 = tpu.vector_load_idx %arg15[%add3A_44, %broadcast_in_dim3A_218] : memref<128x32xf32, #tpu.memory_space<vmem>>[vector<16xi32>, vector<16xi32>], vector<16xf32>,
        %broadcast_in_dim3A_220 = arith.constant 4 : i32
        %broadcast_in_dim3A_221 = vector.broadcast %broadcast_in_dim3A_220 : i32 to vector<16xi32>
        %gather3A_222 = tpu.vector_load_idx %arg18[%add3A_44, %broadcast_in_dim3A_221] : memref<128x12xf32, #tpu.memory_space<vmem>>[vector<16xi32>, vector<16xi32>], vector<16xf32>,
        %mul3A_223 = arith.mulf %gather3A_219, %gather3A_222 : vector<16xf32>
        %add3A_224 = arith.addf %add3A_216, %mul3A_223 : vector<16xf32>
        %broadcast_in_dim3A_225 = arith.constant 25 : i32
        %broadcast_in_dim3A_226 = vector.broadcast %broadcast_in_dim3A_225 : i32 to vector<16xi32>
        %gather3A_227 = tpu.vector_load_idx %arg15[%add3A_44, %broadcast_in_dim3A_226] : memref<128x32xf32, #tpu.memory_space<vmem>>[vector<16xi32>, vector<16xi32>], vector<16xf32>,
        %broadcast_in_dim3A_228 = arith.constant 5 : i32
        %broadcast_in_dim3A_229 = vector.broadcast %broadcast_in_dim3A_228 : i32 to vector<16xi32>
        %gather3A_230 = tpu.vector_load_idx %arg18[%add3A_44, %broadcast_in_dim3A_229] : memref<128x12xf32, #tpu.memory_space<vmem>>[vector<16xi32>, vector<16xi32>], vector<16xf32>,
        %mul3A_231 = arith.mulf %gather3A_227, %gather3A_230 : vector<16xf32>
        %add3A_232 = arith.addf %add3A_224, %mul3A_231 : vector<16xf32>
        %broadcast_in_dim3A_233 = arith.constant 26 : i32
        %broadcast_in_dim3A_234 = vector.broadcast %broadcast_in_dim3A_233 : i32 to vector<16xi32>
        %gather3A_235 = tpu.vector_load_idx %arg15[%add3A_44, %broadcast_in_dim3A_234] : memref<128x32xf32, #tpu.memory_space<vmem>>[vector<16xi32>, vector<16xi32>], vector<16xf32>,
        %broadcast_in_dim3A_236 = arith.constant 6 : i32
        %broadcast_in_dim3A_237 = vector.broadcast %broadcast_in_dim3A_236 : i32 to vector<16xi32>
        %gather3A_238 = tpu.vector_load_idx %arg18[%add3A_44, %broadcast_in_dim3A_237] : memref<128x12xf32, #tpu.memory_space<vmem>>[vector<16xi32>, vector<16xi32>], vector<16xf32>,
        %mul3A_239 = arith.mulf %gather3A_235, %gather3A_238 : vector<16xf32>
        %add3A_240 = arith.addf %add3A_232, %mul3A_239 : vector<16xf32>
        %broadcast_in_dim3A_241 = arith.constant 27 : i32
        %broadcast_in_dim3A_242 = vector.broadcast %broadcast_in_dim3A_241 : i32 to vector<16xi32>
        %gather3A_243 = tpu.vector_load_idx %arg15[%add3A_44, %broadcast_in_dim3A_242] : memref<128x32xf32, #tpu.memory_space<vmem>>[vector<16xi32>, vector<16xi32>], vector<16xf32>,
        %broadcast_in_dim3A_244 = arith.constant 7 : i32
        %broadcast_in_dim3A_245 = vector.broadcast %broadcast_in_dim3A_244 : i32 to vector<16xi32>
        %gather3A_246 = tpu.vector_load_idx %arg18[%add3A_44, %broadcast_in_dim3A_245] : memref<128x12xf32, #tpu.memory_space<vmem>>[vector<16xi32>, vector<16xi32>], vector<16xf32>,
        %mul3A_247 = arith.mulf %gather3A_243, %gather3A_246 : vector<16xf32>
        %add3A_248 = arith.addf %add3A_240, %mul3A_247 : vector<16xf32>
        %broadcast_in_dim3A_249 = arith.constant 28 : i32
        %broadcast_in_dim3A_250 = vector.broadcast %broadcast_in_dim3A_249 : i32 to vector<16xi32>
        %gather3A_251 = tpu.vector_load_idx %arg15[%add3A_44, %broadcast_in_dim3A_250] : memref<128x32xf32, #tpu.memory_space<vmem>>[vector<16xi32>, vector<16xi32>], vector<16xf32>,
        %broadcast_in_dim3A_252 = arith.constant 8 : i32
        %broadcast_in_dim3A_253 = vector.broadcast %broadcast_in_dim3A_252 : i32 to vector<16xi32>
        %gather3A_254 = tpu.vector_load_idx %arg18[%add3A_44, %broadcast_in_dim3A_253] : memref<128x12xf32, #tpu.memory_space<vmem>>[vector<16xi32>, vector<16xi32>], vector<16xf32>,
        %mul3A_255 = arith.mulf %gather3A_251, %gather3A_254 : vector<16xf32>
        %add3A_256 = arith.addf %add3A_248, %mul3A_255 : vector<16xf32>
        %broadcast_in_dim3A_257 = arith.constant 29 : i32
        %broadcast_in_dim3A_258 = vector.broadcast %broadcast_in_dim3A_257 : i32 to vector<16xi32>
        %gather3A_259 = tpu.vector_load_idx %arg15[%add3A_44, %broadcast_in_dim3A_258] : memref<128x32xf32, #tpu.memory_space<vmem>>[vector<16xi32>, vector<16xi32>], vector<16xf32>,
        %broadcast_in_dim3A_260 = arith.constant 9 : i32
        %broadcast_in_dim3A_261 = vector.broadcast %broadcast_in_dim3A_260 : i32 to vector<16xi32>
        %gather3A_262 = tpu.vector_load_idx %arg18[%add3A_44, %broadcast_in_dim3A_261] : memref<128x12xf32, #tpu.memory_space<vmem>>[vector<16xi32>, vector<16xi32>], vector<16xf32>,
        %mul3A_263 = arith.mulf %gather3A_259, %gather3A_262 : vector<16xf32>
        %add3A_264 = arith.addf %add3A_256, %mul3A_263 : vector<16xf32>
        %broadcast_in_dim3A_265 = arith.constant 30 : i32
        %broadcast_in_dim3A_266 = vector.broadcast %broadcast_in_dim3A_265 : i32 to vector<16xi32>
        %gather3A_267 = tpu.vector_load_idx %arg15[%add3A_44, %broadcast_in_dim3A_266] : memref<128x32xf32, #tpu.memory_space<vmem>>[vector<16xi32>, vector<16xi32>], vector<16xf32>,
        %broadcast_in_dim3A_268 = arith.constant 10 : i32
        %broadcast_in_dim3A_269 = vector.broadcast %broadcast_in_dim3A_268 : i32 to vector<16xi32>
        %gather3A_270 = tpu.vector_load_idx %arg18[%add3A_44, %broadcast_in_dim3A_269] : memref<128x12xf32, #tpu.memory_space<vmem>>[vector<16xi32>, vector<16xi32>], vector<16xf32>,
        %mul3A_271 = arith.mulf %gather3A_267, %gather3A_270 : vector<16xf32>
        %add3A_272 = arith.addf %add3A_264, %mul3A_271 : vector<16xf32>
        %broadcast_in_dim3A_273 = arith.constant 31 : i32
        %broadcast_in_dim3A_274 = vector.broadcast %broadcast_in_dim3A_273 : i32 to vector<16xi32>
        %gather3A_275 = tpu.vector_load_idx %arg15[%add3A_44, %broadcast_in_dim3A_274] : memref<128x32xf32, #tpu.memory_space<vmem>>[vector<16xi32>, vector<16xi32>], vector<16xf32>,
        %broadcast_in_dim3A_276 = arith.constant 11 : i32
        %broadcast_in_dim3A_277 = vector.broadcast %broadcast_in_dim3A_276 : i32 to vector<16xi32>
        %gather3A_278 = tpu.vector_load_idx %arg18[%add3A_44, %broadcast_in_dim3A_277] : memref<128x12xf32, #tpu.memory_space<vmem>>[vector<16xi32>, vector<16xi32>], vector<16xf32>,
        %mul3A_279 = arith.mulf %gather3A_275, %gather3A_278 : vector<16xf32>
        %add3A_280 = arith.addf %add3A_272, %mul3A_279 : vector<16xf32>
        %neg3A = arith.constant 0.000000e+00 : f32
        %neg3A_281 = vector.broadcast %neg3A : f32 to vector<16xf32>
        %neg3A_282 = arith.subf %neg3A_281, %add3A_280 : vector<16xf32>
        %exp3A = math.exp %neg3A_282 : vector<16xf32>
        %add3A_283 = arith.constant 1.000000e+00 : f32
        %add3A_284 = vector.broadcast %add3A_283 : f32 to vector<16xf32>
        %add3A_285 = arith.addf %add3A_284, %exp3A : vector<16xf32>
        %div3A = arith.constant 1.000000e+00 : f32
        %div3A_286 = vector.broadcast %div3A : f32 to vector<16xf32>
        %div3A_287 = arith.divf %div3A_286, %add3A_285 : vector<16xf32>
        %mul3A_288 = arith.constant 16 : i32
        %mul3A_289 = arith.muli %scan3A_40, %mul3A_288 : i32
        %add3A_290 = arith.addi %mul3A_9, %mul3A_289 : i32
        %swap3A = arith.index_cast %add3A_290 : i32 to index
        %swap3A_291 = tpu.vector_load %arg19[%swap3A] {strides = array<i32>} : memref<512xf32, #tpu.memory_space<vmem>>, vector<16xf32>,
        tpu.vector_store %arg19[%swap3A], %div3A_287 {strides = array<i32>} : memref<512xf32, #tpu.memory_space<vmem>>, vector<16xf32>,
      }
      %scan3A_39 = arith.constant 8 : i32
    }
    %scan3A_6 = arith.constant 4 : i32
    "tpu.region"() ({
      %run_scoped3A = tpu.sem_alloc : memref<!tpu.dma_semaphore, #tpu.memory_space<semaphore_mem>>
      %dma_start3A = tpu.memref_slice %arg10[%mul3A_2] : memref<16384xf32, #tpu.memory_space<hbm>> -> memref<512xf32, #tpu.memory_space<hbm>>
      %dma_start3A_7 = tpu.memref_slice %arg10[%mul3A_2] : memref<16384xf32, #tpu.memory_space<hbm>> -> memref<512xf32, #tpu.memory_space<hbm>>
      tpu.enqueue_dma source(%arg19 : memref<512xf32, #tpu.memory_space<vmem>>) target(%dma_start3A_7 : memref<512xf32, #tpu.memory_space<hbm>>) target_semaphore(%run_scoped3A : memref<!tpu.dma_semaphore, #tpu.memory_space<semaphore_mem>>)
      %dma_wait3A = tpu.memref_slice %arg10[%mul3A_2] : memref<16384xf32, #tpu.memory_space<hbm>> -> memref<512xf32, #tpu.memory_space<hbm>>
      %dma_wait3A_8 = tpu.memref_slice %arg10[%mul3A_2] : memref<16384xf32, #tpu.memory_space<hbm>> -> memref<512xf32, #tpu.memory_space<hbm>>
      tpu.wait_dma2 semaphore(%run_scoped3A : memref<!tpu.dma_semaphore, #tpu.memory_space<semaphore_mem>>) src(%arg19 : memref<512xf32, #tpu.memory_space<vmem>>) dst(%dma_wait3A_8 : memref<512xf32, #tpu.memory_space<hbm>>)
      tpu.yield
    }) : () -> ()
    return
  }
}

</mosaic_0001>

<sc_bundles>
// kernel: _run.3.cloned.1.call-start
scs
__scs_entry_jumppad:
0x0: {  	(pc) =	sbr.rel $0x88, $3  }
0x1: {  	(tag) =	ssettag $0x0;
	lr =	simm.s32 $0x1  }
0x2: {  	[smem:$0x3F99] =	sst lr;
	_ =	strace $0xD0000000  }
0x3: {  	_ = 	snop  }
0x4: {  	_ = 	snop  }
0x5: {  	_ = 	snop  }
0x6: {  	_ = 	snop  }
0x7: {  	_ = 	snop  }
__scs_overlays_trampoline_lowered:
0x8: {  	[smem:$0x3FA8] =	sst s0  }
0x9: {  	[smem:$0x3FA9] =	sst s1  }
0xa: {  	[smem:$0x3FAA] =	sst s2  }
0xb: {  	[smem:$0x3FAB] =	sst s3  }
0xc: {  	[smem:$0x3FAC] =	sst s4  }
0xd: {  	[smem:$0x3FAD] =	sst s5  }
0xe: {  	[smem:$0x3FAE] =	sst s6  }
0xf: {  	[smem:$0x3FAF] =	sst s7  }
0x10: {  	[smem:$0x3FB0] =	sst s8  }
0x11: {  	[smem:$0x3FB1] =	sst s9;
	s0 =	simm.s32 @!p0 $0x0  }
0x12: {  	s1 =	sld [smem:$0x3F97];
	s0 =	simm.s32 @p0 $0x1  }
0x13: {  	[smem:$0x3FB2] =	sst s0;
	s0 =	simm.s32 @!p1 $0x0  }
0x14: {  	s2 =	sld [smem:$0x3F96];
	s0 =	simm.s32 @p1 $0x1  }
0x15: {  	[smem:$0x3FB3] =	sst s0;
	s0 =	simm.s32 @!p2 $0x0  }
0x16: {  	s3 =	sld [smem:$0x3FDB];
	s0 =	simm.s32 @p2 $0x1  }
0x17: {  	s4 =	simm.s32 $0x1BF5;
	[smem:$0x3FB5] =	sst s0  }
0x18: {  	s0 =	sld [smem:$0x3F98];
	_ =	swait.ge [sflag:s4], $0x0  }
0x19: {  	s7 =	sld [smem:$0x3F99]  }
0x1a: {  	s8 =	sadd.s32 $0xFFFFE003, lr  }
0x1b: {  	s9 =	sadd.s32 $0xFFFFFEF7, lr;
	s5 =	simm.s32 $0xFFFFFFFF;
	p2 =	slt.u32 s8, $0xFFFFF086  }
0x1c: {  	p1 =	slt.u32 s9, $0xF7A;
	s5 =	simm.s32 @!p2 $0x0  }
0x1d: {  	s5 =	simm.s32 @p1 $0x1;
	p0 =	seq.s32 s7, s2  }
0x1e: {  	s7 =	smul.u32 @!p0 $0xF7A, s2;
	p2 =	seq.s32 @!p0 s5, $0x0  }
0x1f: {  	s9 =	smul.u32 $0xF7A, s1;
	s8 =	simm.s32 @!p0 $0x1BF5;
	p2 =	por !p2, p0  }
0x20: {  	[sflag:s8] =	ssyncset.s32 @!p0 $0xFFFFF086;
	s6 =	sadd.s32 @!p0 s3, s7;
	s7 =	simm.s32 @!p0 $0x108  }
0x21: {  	s3 =	sadd.s32 s3, s9;
	s6 =	sadd.s32 @!p0 $0x88, s6;
	s7 =	simm.s32 @p2 $0x1082  }
0x22: {  	[simem:s7], [sflag:s8] =	dma.local @!p0 [hbm:s6], $0xF7A  }
0x23: {  	s9 =	sor.u32 $0xD0000000, s2;
	s6 =	simm.s32 $0x108;
	_ =	swait.ge @!p0 [sflag:s8], $0x0  }
0x24: {  	s3 =	sadd.s32 $0x88, s3;
	s6 =	simm.s32 @!p1 $0x1082;
	[sflag:s4] =	ssyncset.s32 $0xFFFFF086  }
0x25: {  	[simem:s6], [sflag:s4] =	dma.local [hbm:s3], $0xF7A  }
0x26: {  	[smem:$0x3F99] =	sst s1;
	(tag) =	ssettag s2;
	_ =	strace s9  }
0x27: {  	s1 =	sld [smem:$0x3FA9]  }
0x28: {  	s2 =	sld [smem:$0x3FAA]  }
0x29: {  	s4 =	sld [smem:$0x3FAC]  }
0x2a: {  	p0 =	seq.s32 s5, $0x0;
	s5 =	sld [smem:$0x3FAD]  }
0x2b: {  	s6 =	sld [smem:$0x3FAE]  }
0x2c: {  	s7 =	sld [smem:$0x3FAF]  }
0x2d: {  	s3 =	simm.s32 $0x108;
	s8 =	sld [smem:$0x3FB0]  }
0x2e: {  	s3 =	simm.s32 @!p0 $0x1082;
	s9 =	sld [smem:$0x3FB1]  }
0x2f: {  	lr =	sadd.s32 s0, s3;
	s0 =	sld [smem:$0x3FA8]  }
0x30: {  	s3 =	sld [smem:$0x3FAB]  }
0x31: {  	[smem:$0x3FB4] =	sst s10  }
0x32: {  	s10 =	sld [smem:$0x3FB2];
	_ =	sdelay $0x3  }
0x33: {  	p0 =	seq.s32 s10, $0x1;
	s10 =	sld [smem:$0x3FB4];
	_ =	sdelay $0x3  }
0x34: {  	[smem:$0x3FB4] =	sst s10  }
0x35: {  	s10 =	sld [smem:$0x3FB3];
	_ =	sdelay $0x3  }
0x36: {  	p1 =	seq.s32 s10, $0x1;
	s10 =	sld [smem:$0x3FB4];
	_ =	sdelay $0x3  }
0x37: {  	[smem:$0x3FB4] =	sst s10  }
0x38: {  	s10 =	sld [smem:$0x3FB5]  }
0x39: {  	_ = 	snop;
	(pc) =	sbr.ind lr, $3  }
0x3a: {  	_ = 	snop  }
0x3b: {  	_ = 	snop  }
0x3c: {  	p2 =	seq.s32 s10, $0x1;
	s10 =	sld [smem:$0x3FB4]  }
0x3d: {  	_ =	shalt  }
0x3e: {  	_ =	shalt  }
0x3f: {  	_ =	shalt  }
0x40: {  	_ =	shalt  }
0x41: {  	_ =	shalt  }
0x42: {  	_ =	shalt  }
0x43: {  	_ =	shalt  }
0x44: {  	_ =	shalt  }
0x45: {  	_ =	shalt  }
0x46: {  	_ =	shalt  }
0x47: {  	_ =	shalt  }
0x48: {  	_ =	shalt  }
0x49: {  	_ =	shalt  }
0x4a: {  	_ =	shalt  }
0x4b: {  	_ =	shalt  }
0x4c: {  	_ =	shalt  }
0x4d: {  	_ =	shalt  }
0x4e: {  	_ =	shalt  }
0x4f: {  	_ =	shalt  }
0x50: {  	_ =	shalt  }
0x51: {  	_ =	shalt  }
0x52: {  	_ =	shalt  }
0x53: {  	_ =	shalt  }
0x54: {  	_ =	shalt  }
0x55: {  	_ =	shalt  }
0x56: {  	_ =	shalt  }
0x57: {  	_ =	shalt  }
0x58: {  	_ =	shalt  }
0x59: {  	_ =	shalt  }
0x5a: {  	_ =	shalt  }
0x5b: {  	_ =	shalt  }
0x5c: {  	_ =	shalt  }
0x5d: {  	_ =	shalt  }
0x5e: {  	_ =	shalt  }
0x5f: {  	_ =	shalt  }
0x60: {  	_ =	shalt  }
0x61: {  	_ =	shalt  }
0x62: {  	_ =	shalt  }
0x63: {  	_ =	shalt  }
0x64: {  	_ =	shalt  }
0x65: {  	_ =	shalt  }
0x66: {  	_ =	shalt  }
0x67: {  	_ =	shalt  }
0x68: {  	_ =	shalt  }
0x69: {  	_ =	shalt  }
0x6a: {  	_ =	shalt  }
0x6b: {  	_ =	shalt  }
0x6c: {  	_ =	shalt  }
0x6d: {  	_ =	shalt  }
0x6e: {  	_ =	shalt  }
0x6f: {  	_ =	shalt  }
0x70: {  	_ =	shalt  }
0x71: {  	_ =	shalt  }
0x72: {  	_ =	shalt  }
0x73: {  	_ =	shalt  }
0x74: {  	_ =	shalt  }
0x75: {  	_ =	shalt  }
0x76: {  	_ =	shalt  }
0x77: {  	_ =	shalt  }
0x78: {  	_ =	shalt  }
0x79: {  	_ =	shalt  }
0x7a: {  	_ =	shalt  }
0x7b: {  	_ =	shalt  }
0x7c: {  	_ =	shalt  }
0x7d: {  	_ =	shalt  }
0x7e: {  	_ =	shalt  }
0x7f: {  	_ =	shalt  }
0x80: {  	_ =	shalt  }
0x81: {  	_ =	shalt  }
0x82: {  	_ =	shalt  }
0x83: {  	_ =	shalt  }
0x84: {  	_ =	shalt  }
0x85: {  	_ =	shalt  }
0x86: {  	_ =	shalt  }
0x87: {  	_ =	shalt  }
.Lfunc_end0:
.L_simem_size_0:
called_computation_lowered:
.L_overlay_start_0:
0x88: {  	s2 =	sld [smem:$0x3FD9]  }
0x89: {  	s3 =	sld [smem:$0x3FFE];
	_ =	sdelay $0x1  }
0x8a: {  	s1 =	srdreg.scid  }
0x8b: {  	s0 =	sand.u32 $0x1, s1  }
0x8c: {  	s17 =	sshll.u32 s0, $0xA;
	s2 =	sadd.s32 s3, s2  }
0x8d: {  	s2 =	sadd.s32 s2, s17  }
0x8e: {  	[smem:$0x3FC0] =	sst s2  }
0x8f: {  	_ = 	snop  }
0x90: {  	s2 =	sld [smem:$0x3FC9]  }
0x91: {  	s18 =	sld [smem:$0x3FC8]  }
0x92: {  	s4 =	sld [smem:$0x3FC7]  }
0x93: {  	s5 =	sld [smem:$0x3FC6]  }
0x94: {  	s6 =	sld [smem:$0x3FD0];
	(tm) =	ssettm $0x1  }
0x95: {  	s7 =	sld [smem:$0x3FFB];
	_ =	sdelay $0x3  }
0x96: {  	_ =	strace s7  }
0x97: {  	s7 =	sld [smem:$0x3FFC];
	_ =	sdelay $0x3  }
0x98: {  	_ =	strace s7  }
0x99: {  	s7 =	sld [smem:$0x3FFD];
	_ =	sdelay $0x3  }
0x9a: {  	_ =	strace s7  }
0x9b: {  	_ =	strace $0x8FFFFFFF  }
0x9c: {  	s19 =	sld [smem:$0x3FDB];
	_ =	sdelay $0x1  }
0x9d: {  	s8 =	simm.s32 $_scs_section_size  }
0x9e: {  	s9 =	simm.s32 $_size__tile_overlayer_lowered;
	s10 =	simm.s32 $_tile_overlayer_lowered  }
0x9f: {  	s22 =	simm.s32 $0x1BFF;
	s21 =	sshll.u32 s10, $0x1;
	s7 =	sadd.s32 s8, s19  }
0xa0: {  	s11 =	simm.s32 $0x0;
	s20 =	sshll.u32 s9, $0x1;
	s9 =	sadd.s32 s21, s7  }
0xa1: {  	[timem:s11], [sflag:s22] =	dma.local [hbm:s9], s20  }
0xa2: {  	_ =	swait.ge [sflag:s22], s20  }
0xa3: {  	s8 =	ssub.s32 $0x0, s20;
	[sflag:s22] =	ssyncset.done $0x0  }
0xa4: {  	[sflag:s22] =	ssyncadd.s32 s8;
	_ =	sdelay $0x1  }
0xa5: {  	s23 =	simm.s32 $0x1B8B  }
0xa6: {  	_ =	swait.ge [sflag:s23], $0x1  }
0xa7: {  	[sflag:s23] =	ssyncset.done $0x0  }
0xa8: {  	s25 =	simm.s32 $0x1B8E;
	s24 =	sld [smem:$0x3FFE];
	[sflag:s23] =	ssyncadd.s32 $0xFFFFFFFF  }
0xa9: {  	s26 =	simm.s32 $execute0_lowered;
	[smem:$0x3FD2] =	sst s25  }
0xaa: {  	s9 =	sshll.u32 s26, $0x1;
	_ =	strace $0x80000046;
	[dreg:$0x1] =	wrdreg $0xFFFFFFFF  }
0xab: {  	s28 =	simm.s32 $_size_execute0_lowered;
	s7 =	sadd.s32 s7, s9;
	[dreg:$0x0] =	wrdreg $0x0  }
0xac: {  	s9 =	sshll.u32 s28, $0x1;
	[dreg:$0x2] =	wrdreg s7  }
0xad: {  	[dreg:$0x3] =	wrdreg s9  }
0xae: {  	[dreg:$0x4] =	wrdreg $0xC0  }
0xaf: {  	_ =	task [dreg:s11], $0x5FFFF  }
0xb0: {  	[dreg:$0x1] =	wrdreg $0xFFFFFFFF  }
0xb1: {  	[dreg:$0x0] =	wrdreg $0x60  }
0xb2: {  	[dreg:$0x2] =	wrdreg s2  }
0xb3: {  	[dreg:$0x3] =	wrdreg s18  }
0xb4: {  	[dreg:$0x4] =	wrdreg s4  }
0xb5: {  	[dreg:$0x5] =	wrdreg s5  }
0xb6: {  	[dreg:$0x6] =	wrdreg s24  }
0xb7: {  	[dreg:$0x7] =	wrdreg s6  }
0xb8: {  	[dreg:$0x8] =	wrdreg $0x9  }
0xb9: {  	_ =	task.clear_ibuf [dreg:s11], $0x9FFFF;
	_ =	strace $0x90000046  }
0xba: {  	s29 =	simm.s32 $0x9;
	_ =	strace $0x80000048  }
0xbb: {  	_ =	swait.ge [sflag:s29], $0x1  }
0xbc: {  	[sflag:s29] =	ssyncadd.s32 $0xFFFFFFFF  }
0xbd: {  	_ =	strace $0x90000048  }
0xbe: {  	_ =	sfence  }
0xbf: {  	s30 =	sld [smem:$0x0];
	_ =	sdelay $0x2  }
0xc0: {  	s31 =	sshll.u32 s1, $0xD;
	s1 =	sshrl.u32 s1, $0x2  }
0xc1: {  	s3 =	sand.u32 $0x4000, s31;
	s1 =	sadd.s32 s1, s30  }
0xc2: {  	s0 =	sor.u32 s3, s0;
	s1 =	sshll.u32 s1, $0x11  }
0xc3: {  	s0 =	sor.u32 s1, s0  }
0xc4: {  	s0 =	sadd.s32 $0x8F2B, s0  }
0xc5: {  	[sflag:s0] =	ssyncadd.remote.s32 $0x1  }
0xc6: {  	_ =	sfence.sel $0xFFFF  }
0xc7: {  	[dreg:$0x0] =	wrdreg $0xFFFFFFFF;
	(pc) =	sbr.abs _section_cstart, $3  }
0xc8: {  	[dreg:$0x1] =	wrdreg $0xFFFFFFFF  }
0xc9: {  	_ =	task.clear_ibuf [dreg:s11], $0x2FFFF;
	_ =	strace $0x9FFFFFFF  }
0xca: {  	(tm) =	ssettm $0x7FFFFFFF  }
0xcb: {  	_ =	shalt  }
tec
execute0_lowered:
.L_overlay_start_1:
0x0: {  	(tag) =	ssettag $0x1  }
0x1: {  	s0 =	rddreg [dreg:$0x0]  }
0x2: {  	s2 =	rddreg [dreg:$0x1]  }
0x3: {  	s3 =	rddreg [dreg:$0x2]  }
0x4: {  	s7 =	rddreg [dreg:$0x3]  }
0x5: {  	s6 =	rddreg [dreg:$0x4]  }
0x6: {  	s9 =	rddreg [dreg:$0x5];
	s10 =	srdreg.scid  }
0x7: {  	s1 =	simm.s32 $0x0;
	s4 =	stileid.u32;
	s10 =	sand.u32 $0x1, s10  }
0x8: {  	s12 =	sshll.u32 s4, $0x7;
	s11 =	ssub.s32 $0x2, s10;
	s10 =	sshll.u32 s10, $0x6  }
0x9: {  	[smem:$0x7FF] =	sst s1;
	s10 =	sor.u32 s10, s12  }
0xa: {  	s28 =	sadd.s32 $0x400, s6;
	s26 =	sadd.s32 $0xF42800, s6;
	s0 =	sadd.s32 s0, s10  }
0xb: {  	_ =	strace $0x80000047;
	s24 =	sadd.s32 s2, s10;
	[smem:$0x7F8] =	sst s0  }
0xc: {  	s23 =	sadd.s32 $0x1E84C00, s6;
	s25 =	sadd.s32 s3, s10;
	[smem:$0x7F9] =	sst s24  }
0xd: {  	s13 =	sshrl.u32 s11, $0x1;
	s29 =	sadd.s32 s7, s10;
	[smem:$0x7FA] =	sst s25  }
0xe: {  	v0 =	vlaneseq.u32;
	s11 =	ssub.s32 s11, s13;
	s30 =	sadd.s32 s9, s10;
	[smem:$0x7FB] =	sst s29  }
0xf: {  	s22 =	sadd.s32 $0x2DC7000, s6;
	v0 =	vmul.u32 $0x80, v0;
	[smem:$0x7FC] =	sst s30;
	s31 =	smax.u32 s11, $0x1  }
0x10: {  	s2 =	simm.s32 $0x5;
	s3 =	simm.s32 $0x0;
	[smem:$0x7FD] =	sst s31  }
.LBB2_1:
0x11: {  	s0 =	sld [smem:$0x7F8];
	_ =	sdelay $0x1  }
0x12: {  	[smem:$0x7F7] =	sst s3  }
0x13: {  	[tilespmem:s1], [sflag:$0x5] =	stream.linear.gather [hbm4b:s0+s1], $0x200, $0x38;
	[tilespmem:$0x10A00] =	vst v63  }
0x14: {  	_ =	swait.ge [sflag:s2], $0x200  }
0x15: {  	s25 =	sld [smem:$0x7F9]  }
0x16: {  	[sflag:s2] =	ssyncset.done $0x0  }
0x17: {  	s24 =	simm.s32 $0x200;
	[sflag:s2] =	ssyncadd.s32 $0xFFFFFE00  }
0x18: {  	[tilespmem:s24], [sflag:$0x5] =	stream.linear.gather [hbm4b:s25+s1], $0x200, $0x38;
	[tilespmem:$0x10A00] =	vst v63  }
0x19: {  	_ =	swait.ge [sflag:s2], $0x200  }
0x1a: {  	s30 =	sld [smem:$0x7FA]  }
0x1b: {  	[sflag:s2] =	ssyncset.done $0x0  }
0x1c: {  	s25 =	simm.s32 $0x400;
	[sflag:s2] =	ssyncadd.s32 $0xFFFFFE00  }
0x1d: {  	[tilespmem:s25], [sflag:$0x5] =	stream.linear.gather [hbm4b:s30+s1], $0x200, $0x38;
	[tilespmem:$0x10A00] =	vst v63  }
0x1e: {  	_ =	swait.ge [sflag:s2], $0x200  }
0x1f: {  	s31 =	sld [smem:$0x7FB]  }
0x20: {  	[sflag:s2] =	ssyncset.done $0x0  }
0x21: {  	s21 =	simm.s32 $0x600;
	[sflag:s2] =	ssyncadd.s32 $0xFFFFFE00  }
0x22: {  	[tilespmem:s21], [sflag:$0x5] =	stream.linear.gather [hbm4b:s31+s1], $0x200, $0x38;
	[tilespmem:$0x10A00] =	vst v63  }
0x23: {  	_ =	swait.ge [sflag:s2], $0x200  }
0x24: {  	s7 =	simm.s32 $0x10800;
	[sflag:s2] =	ssyncset.done $0x0  }
0x25: {  	s29 =	simm.s32 $0x0;
	[sflag:s2] =	ssyncadd.s32 $0xFFFFFE00;
	s2 =	simm.s32 $0x0  }
.LBB2_2:
0x26: {  	[smem:$0x7F1] =	sst s2  }
0x27: {  	[smem:$0x7F2] =	sst s7  }
0x28: {  	v1 =	vld [tilespmem:s29+$0x0];
	[smem:$0x7F3] =	sst s24  }
0x29: {  	[smem:$0x7F4] =	sst s25  }
0x2a: {  	[smem:$0x7F5] =	sst s21  }
0x2b: {  	s31 =	simm.s32 $0x0;
	s7 =	simm.s32 $0x2000;
	[smem:$0x7F6] =	sst s29  }
.LBB2_3:
0x2c: {  	s0 =	sadd.s32 $0xF80, s31  }
0x2d: {  	s17 =	sadd.s32 $0x4F80, s31;
	[dreg:$0x8] =	wrdreg s0  }
0x2e: {  	s18 =	sadd.s32 $0x4F00, s31;
	[dreg:$0x7] =	wrdreg s17  }
0x2f: {  	s19 =	sadd.s32 $0x8F00, s31;
	[dreg:$0xb] =	wrdreg s18  }
0x30: {  	s20 =	sadd.s32 $0xCF00, s31;
	[dreg:$0xa] =	wrdreg s19  }
0x31: {  	s30 =	sadd.s32 $0x8E80, s31;
	[dreg:$0x9] =	wrdreg s20  }
0x32: {  	s2 =	sadd.s32 $0xCE80, s31;
	[dreg:$0xe] =	wrdreg s30  }
0x33: {  	s3 =	sadd.s32 $0xF00, s31;
	[dreg:$0xd] =	wrdreg s2  }
0x34: {  	s4 =	sadd.s32 $0xCE00, s31;
	[dreg:$0xc] =	wrdreg s3  }
0x35: {  	s5 =	sadd.s32 $0xE80, s31;
	[dreg:$0x11] =	wrdreg s4  }
0x36: {  	s6 =	sadd.s32 $0x4E80, s31;
	[dreg:$0x10] =	wrdreg s5  }
0x37: {  	s8 =	sadd.s32 $0xE00, s31;
	[dreg:$0xf] =	wrdreg s6  }
0x38: {  	s9 =	sadd.s32 $0x4E00, s31;
	[dreg:$0x14] =	wrdreg s8  }
0x39: {  	s10 =	sadd.s32 $0x8E00, s31;
	[dreg:$0x13] =	wrdreg s9  }
0x3a: {  	s11 =	sadd.s32 $0x4D80, s31;
	[dreg:$0x12] =	wrdreg s10  }
0x3b: {  	s12 =	sadd.s32 $0x8D80, s31;
	[dreg:$0x17] =	wrdreg s11  }
0x3c: {  	s13 =	sadd.s32 $0xCD80, s31;
	[dreg:$0x16] =	wrdreg s12  }
0x3d: {  	s14 =	sadd.s32 $0x8D00, s31;
	[dreg:$0x15] =	wrdreg s13  }
0x3e: {  	s15 =	sadd.s32 $0xCD00, s31;
	[dreg:$0x1a] =	wrdreg s14  }
0x3f: {  	s16 =	sadd.s32 $0xD80, s31;
	[dreg:$0x19] =	wrdreg s15  }
0x40: {  	[dreg:$0x18] =	wrdreg s16;
	s17 =	sadd.s32 $0xCC80, s31  }
0x41: {  	s18 =	sadd.s32 $0xD00, s31;
	[dreg:$0x1d] =	wrdreg s17  }
0x42: {  	s19 =	sadd.s32 $0x4D00, s31;
	[dreg:$0x1c] =	wrdreg s18  }
0x43: {  	s20 =	sadd.s32 $0xC80, s31;
	[dreg:$0x1b] =	wrdreg s19  }
0x44: {  	s30 =	sadd.s32 $0x4C80, s31;
	[smem:$0x7F0] =	sst s20  }
0x45: {  	s2 =	sadd.s32 $0x8C80, s31;
	[dreg:$0x1f] =	wrdreg s30  }
0x46: {  	s3 =	sadd.s32 $0x4C00, s31;
	[dreg:$0x1e] =	wrdreg s2  }
0x47: {  	s4 =	sadd.s32 $0x8C00, s31;
	[smem:$0x7ED] =	sst s3  }
0x48: {  	v2 =	vld [tilespmem:s24+$0x0];
	s5 =	sadd.s32 $0xCC00, s31;
	[smem:$0x7EE] =	sst s4  }
0x49: {  	v4 =	vld [tilespmem:s25+$0x0];
	s6 =	sadd.s32 $0x8B80, s31;
	[smem:$0x7EF] =	sst s5  }
0x4a: {  	s8 =	sadd.s32 $0xCB80, s31;
	[smem:$0x7EA] =	sst s6  }
0x4b: {  	v5 =	vld [tilespmem:s21+$0x0];
	s9 =	sadd.s32 $0xC00, s31;
	[smem:$0x7EB] =	sst s8  }
0x4c: {  	s10 =	sadd.s32 $0xCB00, s31;
	[smem:$0x7EC] =	sst s9;
	v3 =	vshll.u32 v1, $0x4  }
0x4d: {  	s11 =	sadd.s32 $0xB80, s31;
	[smem:$0x7E7] =	sst s10;
	v2 =	vshll.u32 v2, $0x4;
	(v2sf) =	vpush v3, $0x0  }
0x4e: {  	s12 =	sadd.s32 $0x4B80, s31;
	[smem:$0x7E8] =	sst s11;
	v1 =	vshll.u32 v4, $0x4;
	(v2sf) =	vpush v2, $0x0  }
0x4f: {  	s13 =	sadd.s32 $0xB00, s31;
	[smem:$0x7E9] =	sst s12;
	(v2sf) =	vpush v1, $0x0  }
0x50: {  	p0 =	sne.s32 s7, $0xE000;
	s14 =	sadd.s32 $0x4B00, s31;
	[smem:$0x7E4] =	sst s13;
	v63 =	vshll.u32 v5, $0x4  }
0x51: {  	s21 =	sadd.s32 $0x10, s21;
	s15 =	sadd.s32 $0x8B00, s31;
	[smem:$0x7E5] =	sst s14;
	(v2sf) =	vpush v63, $0x0  }
0x52: {  	s25 =	sadd.s32 $0x10, s25;
	s16 =	sadd.s32 $0x4A80, s31;
	[smem:$0x7E6] =	sst s15  }
0x53: {  	s29 =	sadd.s32 $0x10, s29;
	s0 =	sadd.s32 $0x8800, s31;
	[smem:$0x7E1] =	sst s16;
	(v2sf) =	vpush v3, $0x1  }
0x54: {  	s17 =	sadd.s32 $0x8A80, s31;
	s18 =	sadd.s32 $0xCA80, s31;
	s19 =	sadd.s32 $0x8A00, s31  }
0x55: {  	s20 =	sadd.s32 $0xCA00, s31;
	s30 =	sadd.s32 $0xA80, s31;
	s2 =	sadd.s32 $0x4A00, s31;
	(v2sf) =	vpush v2, $0x1  }
0x56: {  	s15 =	sadd.s32 $0x980, s31;
	s16 =	sadd.s32 $0x4980, s31;
	s12 =	sadd.s32 $0x4900, s31  }
0x57: {  	s13 =	sadd.s32 $0x8900, s31;
	s14 =	sadd.s32 $0xC900, s31;
	[smem:$0x7E2] =	sst s17;
	(v2sf) =	vpush v1, $0x1  }
0x58: {  	s9 =	sadd.s32 $0x8880, s31;
	s10 =	sadd.s32 $0xC880, s31;
	[smem:$0x7E3] =	sst s18  }
0x59: {  	s11 =	sadd.s32 $0x900, s31;
	s8 =	sadd.s32 $0xC800, s31;
	[smem:$0x7DE] =	sst s19;
	(v2sf) =	vpush v63, $0x1  }
0x5a: {  	s4 =	sadd.s32 $0x880, s31;
	s5 =	sadd.s32 $0x4880, s31;
	[smem:$0x7DF] =	sst s20  }
0x5b: {  	s6 =	sadd.s32 $0x4800, s31;
	[smem:$0x7E0] =	sst s30;
	s19 =	sadd.s32 $0xC980, s31;
	(v2sf) =	vpush v3, $0x2  }
0x5c: {  	[smem:$0x7DD] =	sst s2;
	s30 =	smov.u32 s26;
	s18 =	spop (v2sf)  }
0x5d: {  	s26 =	sadd.s32 $0x800, s31;
	s18 =	sand.u32 $0x1FFFFFF0, s18;
	s2 =	spop (v2sf);
	(v2sf) =	vpush v2, $0x2  }
0x5e: {  	s18 =	sadd.s32 s28, s18;
	s2 =	sand.u32 $0x1FFFFFF0, s2;
	s3 =	spop (v2sf)  }
0x5f: {  	(v2sf) =	vpush v1, $0x2;
	[tilespmem:s26], [sflag:$0x1] =	stream.linear.gather [hbm4b:s18+s1], $0x80, $0x38;
	[tilespmem:$0x10A00] =	vst v63  }
0x60: {  	s2 =	sadd.s32 s30, s2;
	s3 =	sand.u32 $0x1FFFFFF0, s3;
	s18 =	spop (v2sf);
	(v2sf) =	vpush v63, $0x2  }
0x61: {  	[tilespmem:s6], [sflag:$0x2] =	stream.linear.gather [hbm4b:s2+s1], $0x80, $0x38;
	[tilespmem:$0x10A00] =	vst v63  }
0x62: {  	s3 =	sadd.s32 s23, s3;
	s6 =	sand.u32 $0x1FFFFFF0, s18;
	s18 =	spop (v2sf);
	(v2sf) =	vpush v3, $0x3  }
0x63: {  	[tilespmem:s0], [sflag:$0x3] =	stream.linear.gather [hbm4b:s3+s1], $0x80, $0x38;
	[tilespmem:$0x10A00] =	vst v63  }
0x64: {  	s3 =	sadd.s32 s22, s6;
	s6 =	sand.u32 $0x1FFFFFF0, s18;
	s18 =	spop (v2sf);
	(v2sf) =	vpush v2, $0x3  }
0x65: {  	[tilespmem:s8], [sflag:$0x4] =	stream.linear.gather [hbm4b:s3+s1], $0x80, $0x38;
	[tilespmem:$0x10A00] =	vst v63  }
0x66: {  	s6 =	sadd.s32 s28, s6;
	s8 =	sand.u32 $0x1FFFFFF0, s18;
	s18 =	spop (v2sf);
	(v2sf) =	vpush v1, $0x3  }
0x67: {  	[tilespmem:s4], [sflag:$0x1] =	stream.linear.gather [hbm4b:s6+s1], $0x80, $0x38;
	[tilespmem:$0x10A00] =	vst v63  }
0x68: {  	s2 =	sadd.s32 s30, s8;
	s3 =	sand.u32 $0x1FFFFFF0, s18;
	s4 =	spop (v2sf);
	(v2sf) =	vpush v63, $0x3  }
0x69: {  	[tilespmem:s5], [sflag:$0x2] =	stream.linear.gather [hbm4b:s2+s1], $0x80, $0x38;
	[tilespmem:$0x10A00] =	vst v63  }
0x6a: {  	s6 =	sadd.s32 s23, s3;
	s8 =	sand.u32 $0x1FFFFFF0, s4;
	s18 =	spop (v2sf);
	(v2sf) =	vpush v3, $0x4  }
0x6b: {  	[tilespmem:s9], [sflag:$0x3] =	stream.linear.gather [hbm4b:s6+s1], $0x80, $0x38;
	[tilespmem:$0x10A00] =	vst v63  }
0x6c: {  	s20 =	sadd.s32 $0xA00, s31;
	s2 =	sadd.s32 s22, s8;
	s5 =	spop (v2sf)  }
0x6d: {  	[tilespmem:s10], [sflag:$0x4] =	stream.linear.gather [hbm4b:s2+s1], $0x80, $0x38;
	[tilespmem:$0x10A00] =	vst v63  }
0x6e: {  	s17 =	sadd.s32 $0x8980, s31;
	s4 =	sand.u32 $0x1FFFFFF0, s18;
	(v2sf) =	vpush v2, $0x4;
	s9 =	spop (v2sf)  }
0x6f: {  	s6 =	sadd.s32 s28, s4;
	s8 =	sand.u32 $0x1FFFFFF0, s5;
	(v2sf) =	vpush v1, $0x4;
	s18 =	spop (v2sf)  }
0x70: {  	[tilespmem:s11], [sflag:$0x1] =	stream.linear.gather [hbm4b:s6+s1], $0x80, $0x38;
	[tilespmem:$0x10A00] =	vst v63  }
0x71: {  	s10 =	sadd.s32 s30, s8;
	s11 =	sand.u32 $0x1FFFFFF0, s9;
	s6 =	spop (v2sf)  }
0x72: {  	(v2sf) =	vpush v63, $0x4;
	[tilespmem:s12], [sflag:$0x2] =	stream.linear.gather [hbm4b:s10+s1], $0x80, $0x38;
	[tilespmem:$0x10A00] =	vst v63  }
0x73: {  	s5 =	sand.u32 $0x1FFFFFF0, s18;
	s4 =	sadd.s32 s23, s11;
	s10 =	spop (v2sf)  }
0x74: {  	(v2sf) =	vpush v3, $0x5;
	[tilespmem:s13], [sflag:$0x3] =	stream.linear.gather [hbm4b:s4+s1], $0x80, $0x38;
	[tilespmem:$0x10A00] =	vst v63  }
0x75: {  	s8 =	sadd.s32 s22, s5;
	s9 =	sand.u32 $0x1FFFFFF0, s6;
	s13 =	spop (v2sf)  }
0x76: {  	(v2sf) =	vpush v2, $0x5;
	[tilespmem:s14], [sflag:$0x4] =	stream.linear.gather [hbm4b:s8+s1], $0x80, $0x38;
	[tilespmem:$0x10A00] =	vst v63  }
0x77: {  	s11 =	sadd.s32 s28, s9;
	s12 =	sand.u32 $0x1FFFFFF0, s10;
	s18 =	spop (v2sf)  }
0x78: {  	(v2sf) =	vpush v1, $0x5;
	[tilespmem:s15], [sflag:$0x1] =	stream.linear.gather [hbm4b:s11+s1], $0x80, $0x38;
	[tilespmem:$0x10A00] =	vst v63  }
0x79: {  	s14 =	sadd.s32 s30, s12;
	s15 =	sand.u32 $0x1FFFFFF0, s13;
	s5 =	spop (v2sf)  }
0x7a: {  	[tilespmem:s16], [sflag:$0x2] =	stream.linear.gather [hbm4b:s14+s1], $0x80, $0x38;
	[tilespmem:$0x10A00] =	vst v63  }
0x7b: {  	(v2sf) =	vpush v63, $0x5;
	s4 =	sand.u32 $0x1FFFFFF0, s18;
	s2 =	sadd.s32 s23, s15;
	s8 =	sand.u32 $0x1FFFFFF0, s5  }
0x7c: {  	(v2sf) =	vpush v3, $0x6;
	[tilespmem:s17], [sflag:$0x3] =	stream.linear.gather [hbm4b:s2+s1], $0x80, $0x38;
	[tilespmem:$0x10A00] =	vst v63  }
0x7d: {  	s6 =	sadd.s32 s22, s4;
	s10 =	sadd.s32 s28, s8;
	s9 =	spop (v2sf)  }
0x7e: {  	s16 =	sld [smem:$0x7DD];
	s11 =	sand.u32 $0x1FFFFFF0, s9;
	s12 =	spop (v2sf)  }
0x7f: {  	[tilespmem:s19], [sflag:$0x4] =	stream.linear.gather [hbm4b:s6+s1], $0x80, $0x38;
	[tilespmem:$0x10A00] =	vst v63  }
0x80: {  	s8 =	sld [smem:$0x7DF];
	(v2sf) =	vpush v2, $0x6;
	s13 =	sadd.s32 s30, s11;
	s14 =	sand.u32 $0x1FFFFFF0, s12  }
0x81: {  	s15 =	spop (v2sf);
	s12 =	sld [smem:$0x7E0];
	s17 =	sadd.s32 s23, s14  }
0x82: {  	(v2sf) =	vpush v1, $0x6;
	[tilespmem:s20], [sflag:$0x1] =	stream.linear.gather [hbm4b:s10+s1], $0x80, $0x38;
	[tilespmem:$0x10A00] =	vst v63  }
0x83: {  	(v2sf) =	vpush v63, $0x6;
	s18 =	sand.u32 $0x1FFFFFF0, s15;
	s19 =	spop (v2sf);
	s20 =	sld [smem:$0x7DE]  }
0x84: {  	[tilespmem:s16], [sflag:$0x2] =	stream.linear.gather [hbm4b:s13+s1], $0x80, $0x38;
	[tilespmem:$0x10A00] =	vst v63  }
0x85: {  	(v2sf) =	vpush v3, $0x7;
	s4 =	sadd.s32 s22, s18;
	s5 =	sand.u32 $0x1FFFFFF0, s19;
	s6 =	spop (v2sf)  }
0x86: {  	[tilespmem:s20], [sflag:$0x3] =	stream.linear.gather [hbm4b:s17+s1], $0x80, $0x38;
	[tilespmem:$0x10A00] =	vst v63  }
0x87: {  	s9 =	sadd.s32 s28, s5;
	s10 =	sand.u32 $0x1FFFFFF0, s6;
	s11 =	spop (v2sf)  }
0x88: {  	(v2sf) =	vpush v2, $0x7;
	s16 =	sld [smem:$0x7E1];
	s13 =	sadd.s32 s30, s10;
	s14 =	sand.u32 $0x1FFFFFF0, s11  }
0x89: {  	[tilespmem:s8], [sflag:$0x4] =	stream.linear.gather [hbm4b:s4+s1], $0x80, $0x38;
	[tilespmem:$0x10A00] =	vst v63  }
0x8a: {  	(v2sf) =	vpush v1, $0x7;
	s20 =	sld [smem:$0x7E2];
	s15 =	spop (v2sf);
	s17 =	sadd.s32 s23, s14  }
0x8b: {  	s8 =	sld [smem:$0x7E3];
	s18 =	sand.u32 $0x1FFFFFF0, s15;
	s19 =	spop (v2sf)  }
0x8c: {  	(v2sf) =	vpush v63, $0x7;
	[tilespmem:s12], [sflag:$0x1] =	stream.linear.gather [hbm4b:s9+s1], $0x80, $0x38;
	[tilespmem:$0x10A00] =	vst v63  }
0x8d: {  	s4 =	sadd.s32 s22, s18;
	s5 =	sand.u32 $0x1FFFFFF0, s19;
	s12 =	sld [smem:$0x7E4]  }
0x8e: {  	(v2sf) =	vpush v3, $0x8;
	[tilespmem:s16], [sflag:$0x2] =	stream.linear.gather [hbm4b:s13+s1], $0x80, $0x38;
	[tilespmem:$0x10A00] =	vst v63  }
0x8f: {  	s9 =	sadd.s32 s28, s5;
	s16 =	sld [smem:$0x7E5];
	s6 =	spop (v2sf)  }
0x90: {  	[tilespmem:s20], [sflag:$0x3] =	stream.linear.gather [hbm4b:s17+s1], $0x80, $0x38;
	[tilespmem:$0x10A00] =	vst v63  }
0x91: {  	s10 =	sand.u32 $0x1FFFFFF0, s6;
	s11 =	spop (v2sf);
	s20 =	sld [smem:$0x7E6]  }
0x92: {  	(v2sf) =	vpush v2, $0x8;
	s13 =	sadd.s32 s30, s10;
	s14 =	sand.u32 $0x1FFFFFF0, s11;
	s15 =	spop (v2sf)  }
0x93: {  	(v2sf) =	vpush v1, $0x8;
	[tilespmem:s8], [sflag:$0x4] =	stream.linear.gather [hbm4b:s4+s1], $0x80, $0x38;
	[tilespmem:$0x10A00] =	vst v63  }
0x94: {  	s17 =	sadd.s32 s23, s14;
	s18 =	sand.u32 $0x1FFFFFF0, s15;
	s19 =	spop (v2sf)  }
0x95: {  	(v2sf) =	vpush v63, $0x8;
	[tilespmem:s12], [sflag:$0x1] =	stream.linear.gather [hbm4b:s9+s1], $0x80, $0x38;
	[tilespmem:$0x10A00] =	vst v63  }
0x96: {  	s8 =	sld [smem:$0x7E7];
	s4 =	sadd.s32 s22, s18;
	s5 =	sand.u32 $0x1FFFFFF0, s19  }
0x97: {  	s12 =	sld [smem:$0x7E8];
	s6 =	spop (v2sf);
	s9 =	sadd.s32 s28, s5  }
0x98: {  	(v2sf) =	vpush v3, $0x9;
	[tilespmem:s16], [sflag:$0x2] =	stream.linear.gather [hbm4b:s13+s1], $0x80, $0x38;
	[tilespmem:$0x10A00] =	vst v63  }
0x99: {  	s10 =	sand.u32 $0x1FFFFFF0, s6;
	s16 =	sld [smem:$0x7E9];
	s11 =	spop (v2sf)  }
0x9a: {  	(v2sf) =	vpush v2, $0x9;
	[tilespmem:s20], [sflag:$0x3] =	stream.linear.gather [hbm4b:s17+s1], $0x80, $0x38;
	[tilespmem:$0x10A00] =	vst v63  }
0x9b: {  	s13 =	sadd.s32 s30, s10;
	s14 =	sand.u32 $0x1FFFFFF0, s11;
	s15 =	spop (v2sf)  }
0x9c: {  	(v2sf) =	vpush v1, $0x9;
	[tilespmem:s8], [sflag:$0x4] =	stream.linear.gather [hbm4b:s4+s1], $0x80, $0x38;
	[tilespmem:$0x10A00] =	vst v63  }
0x9d: {  	s20 =	sld [smem:$0x7EA];
	s17 =	sadd.s32 s23, s14;
	s19 =	spop (v2sf)  }
0x9e: {  	[tilespmem:s12], [sflag:$0x1] =	stream.linear.gather [hbm4b:s9+s1], $0x80, $0x38;
	[tilespmem:$0x10A00] =	vst v63  }
0x9f: {  	(v2sf) =	vpush v63, $0x9;
	s18 =	sand.u32 $0x1FFFFFF0, s15;
	s8 =	sld [smem:$0x7EB];
	s5 =	sand.u32 $0x1FFFFFF0, s19  }
0xa0: {  	(v2sf) =	vpush v3, $0xA;
	[tilespmem:s16], [sflag:$0x2] =	stream.linear.gather [hbm4b:s13+s1], $0x80, $0x38;
	[tilespmem:$0x10A00] =	vst v63  }
0xa1: {  	s4 =	sadd.s32 s22, s18;
	s9 =	sadd.s32 s28, s5;
	s6 =	spop (v2sf)  }
0xa2: {  	s12 =	sld [smem:$0x7EC];
	s10 =	sand.u32 $0x1FFFFFF0, s6;
	s11 =	spop (v2sf)  }
0xa3: {  	[tilespmem:s20], [sflag:$0x3] =	stream.linear.gather [hbm4b:s17+s1], $0x80, $0x38;
	[tilespmem:$0x10A00] =	vst v63  }
0xa4: {  	(v2sf) =	vpush v2, $0xA;
	s16 =	sld [smem:$0x7ED];
	s13 =	sadd.s32 s30, s10;
	s15 =	spop (v2sf)  }
0xa5: {  	s14 =	sand.u32 $0x1FFFFFF0, s11;
	s20 =	sld [smem:$0x7EE];
	s18 =	sand.u32 $0x1FFFFFF0, s15  }
0xa6: {  	(v2sf) =	vpush v1, $0xA;
	[tilespmem:s8], [sflag:$0x4] =	stream.linear.gather [hbm4b:s4+s1], $0x80, $0x38;
	[tilespmem:$0x10A00] =	vst v63  }
0xa7: {  	(v2sf) =	vpush v63, $0xA;
	s17 =	sadd.s32 s23, s14;
	s19 =	spop (v2sf);
	s4 =	sadd.s32 s22, s18  }
0xa8: {  	[tilespmem:s12], [sflag:$0x1] =	stream.linear.gather [hbm4b:s9+s1], $0x80, $0x38;
	[tilespmem:$0x10A00] =	vst v63  }
0xa9: {  	(v2sf) =	vpush v3, $0xB;
	s8 =	sld [smem:$0x7EF];
	s5 =	sand.u32 $0x1FFFFFF0, s19;
	s6 =	spop (v2sf)  }
0xaa: {  	[tilespmem:s16], [sflag:$0x2] =	stream.linear.gather [hbm4b:s13+s1], $0x80, $0x38;
	[tilespmem:$0x10A00] =	vst v63  }
0xab: {  	s9 =	sadd.s32 s28, s5;
	s10 =	sand.u32 $0x1FFFFFF0, s6;
	s11 =	spop (v2sf)  }
0xac: {  	s12 =	sld [smem:$0x7F0];
	s13 =	sadd.s32 s30, s10;
	s14 =	sand.u32 $0x1FFFFFF0, s11  }
0xad: {  	(v2sf) =	vpush v2, $0xB;
	[tilespmem:s20], [sflag:$0x3] =	stream.linear.gather [hbm4b:s17+s1], $0x80, $0x38;
	[tilespmem:$0x10A00] =	vst v63  }
0xae: {  	(v2sf) =	vpush v1, $0xB;
	s16 =	rddreg [dreg:$0x1f];
	s15 =	spop (v2sf);
	s17 =	sadd.s32 s23, s14  }
0xaf: {  	s20 =	rddreg [dreg:$0x1e];
	s18 =	sand.u32 $0x1FFFFFF0, s15;
	s19 =	spop (v2sf)  }
0xb0: {  	(v2sf) =	vpush v63, $0xB;
	[tilespmem:s8], [sflag:$0x4] =	stream.linear.gather [hbm4b:s4+s1], $0x80, $0x38;
	[tilespmem:$0x10A00] =	vst v63  }
0xb1: {  	s4 =	sadd.s32 s22, s18;
	s5 =	sand.u32 $0x1FFFFFF0, s19;
	s8 =	rddreg [dreg:$0x1d]  }
0xb2: {  	(v2sf) =	vpush v3, $0xC;
	[tilespmem:s12], [sflag:$0x1] =	stream.linear.gather [hbm4b:s9+s1], $0x80, $0x38;
	[tilespmem:$0x10A00] =	vst v63  }
0xb3: {  	s9 =	sadd.s32 s28, s5;
	s12 =	rddreg [dreg:$0x1c];
	s6 =	spop (v2sf)  }
0xb4: {  	[tilespmem:s16], [sflag:$0x2] =	stream.linear.gather [hbm4b:s13+s1], $0x80, $0x38;
	[tilespmem:$0x10A00] =	vst v63  }
0xb5: {  	s10 =	sand.u32 $0x1FFFFFF0, s6;
	s11 =	spop (v2sf);
	s16 =	rddreg [dreg:$0x1b]  }
0xb6: {  	(v2sf) =	vpush v2, $0xC;
	s13 =	sadd.s32 s30, s10;
	s14 =	sand.u32 $0x1FFFFFF0, s11;
	s15 =	spop (v2sf)  }
0xb7: {  	(v2sf) =	vpush v1, $0xC;
	[tilespmem:s20], [sflag:$0x3] =	stream.linear.gather [hbm4b:s17+s1], $0x80, $0x38;
	[tilespmem:$0x10A00] =	vst v63  }
0xb8: {  	s17 =	sadd.s32 s23, s14;
	s18 =	sand.u32 $0x1FFFFFF0, s15;
	s19 =	spop (v2sf)  }
0xb9: {  	(v2sf) =	vpush v63, $0xC;
	[tilespmem:s8], [sflag:$0x4] =	stream.linear.gather [hbm4b:s4+s1], $0x80, $0x38;
	[tilespmem:$0x10A00] =	vst v63  }
0xba: {  	s20 =	rddreg [dreg:$0x1a];
	s4 =	sadd.s32 s22, s18;
	s5 =	sand.u32 $0x1FFFFFF0, s19  }
0xbb: {  	[tilespmem:s12], [sflag:$0x1] =	stream.linear.gather [hbm4b:s9+s1], $0x80, $0x38;
	[tilespmem:$0x10A00] =	vst v63  }
0xbc: {  	(v2sf) =	vpush v3, $0xD;
	s8 =	rddreg [dreg:$0x19];
	s6 =	spop (v2sf);
	s9 =	sadd.s32 s28, s5  }
0xbd: {  	s10 =	sand.u32 $0x1FFFFFF0, s6;
	s12 =	rddreg [dreg:$0x18];
	s11 =	spop (v2sf)  }
0xbe: {  	(v2sf) =	vpush v2, $0xD;
	[tilespmem:s16], [sflag:$0x2] =	stream.linear.gather [hbm4b:s13+s1], $0x80, $0x38;
	[tilespmem:$0x10A00] =	vst v63  }
0xbf: {  	s13 =	sadd.s32 s30, s10;
	s14 =	sand.u32 $0x1FFFFFF0, s11;
	s15 =	spop (v2sf)  }
0xc0: {  	(v2sf) =	vpush v1, $0xD;
	[tilespmem:s20], [sflag:$0x3] =	stream.linear.gather [hbm4b:s17+s1], $0x80, $0x38;
	[tilespmem:$0x10A00] =	vst v63  }
0xc1: {  	s16 =	rddreg [dreg:$0x17];
	s17 =	sadd.s32 s23, s14;
	s19 =	spop (v2sf)  }
0xc2: {  	[tilespmem:s8], [sflag:$0x4] =	stream.linear.gather [hbm4b:s4+s1], $0x80, $0x38;
	[tilespmem:$0x10A00] =	vst v63  }
0xc3: {  	(v2sf) =	vpush v63, $0xD;
	s18 =	sand.u32 $0x1FFFFFF0, s15;
	s20 =	rddreg [dreg:$0x16];
	s5 =	sand.u32 $0x1FFFFFF0, s19  }
0xc4: {  	[tilespmem:s12], [sflag:$0x1] =	stream.linear.gather [hbm4b:s9+s1], $0x80, $0x38;
	[tilespmem:$0x10A00] =	vst v63  }
0xc5: {  	(v2sf) =	vpush v3, $0xE;
	s4 =	sadd.s32 s22, s18;
	s8 =	rddreg [dreg:$0x15];
	s6 =	spop (v2sf)  }
0xc6: {  	s9 =	sadd.s32 s28, s5;
	s10 =	sand.u32 $0x1FFFFFF0, s6;
	s11 =	spop (v2sf)  }
0xc7: {  	(v2sf) =	vpush v2, $0xE;
	[tilespmem:s16], [sflag:$0x2] =	stream.linear.gather [hbm4b:s13+s1], $0x80, $0x38;
	[tilespmem:$0x10A00] =	vst v63  }
0xc8: {  	s12 =	rddreg [dreg:$0x14];
	s13 =	sadd.s32 s30, s10;
	s15 =	spop (v2sf)  }
0xc9: {  	s14 =	sand.u32 $0x1FFFFFF0, s11;
	s16 =	rddreg [dreg:$0x13];
	s18 =	sand.u32 $0x1FFFFFF0, s15  }
0xca: {  	[tilespmem:s20], [sflag:$0x3] =	stream.linear.gather [hbm4b:s17+s1], $0x80, $0x38;
	[tilespmem:$0x10A00] =	vst v63  }
0xcb: {  	(v2sf) =	vpush v1, $0xE;
	s17 =	sadd.s32 s23, s14;
	s19 =	spop (v2sf);
	s20 =	rddreg [dreg:$0x12]  }
0xcc: {  	[tilespmem:s8], [sflag:$0x4] =	stream.linear.gather [hbm4b:s4+s1], $0x80, $0x38;
	[tilespmem:$0x10A00] =	vst v63  }
0xcd: {  	(v2sf) =	vpush v63, $0xE;
	s5 =	sand.u32 $0x1FFFFFF0, s19;
	s4 =	sadd.s32 s22, s18;
	s6 =	spop (v2sf)  }
0xce: {  	[tilespmem:s12], [sflag:$0x1] =	stream.linear.gather [hbm4b:s9+s1], $0x80, $0x38;
	[tilespmem:$0x10A00] =	vst v63  }
0xcf: {  	s8 =	rddreg [dreg:$0x11];
	s10 =	sand.u32 $0x1FFFFFF0, s6;
	s11 =	spop (v2sf)  }
0xd0: {  	s9 =	sadd.s32 s28, s5;
	s12 =	rddreg [dreg:$0x10];
	s14 =	sand.u32 $0x1FFFFFF0, s11  }
0xd1: {  	(v2sf) =	vpush v3, $0xF;
	[tilespmem:s16], [sflag:$0x2] =	stream.linear.gather [hbm4b:s13+s1], $0x80, $0x38;
	[tilespmem:$0x10A00] =	vst v63  }
0xd2: {  	s13 =	sadd.s32 s30, s10;
	s15 =	spop (v2sf);
	s16 =	rddreg [dreg:$0xf]  }
0xd3: {  	(v2sf) =	vpush v2, $0xF;
	[tilespmem:s20], [sflag:$0x3] =	stream.linear.gather [hbm4b:s17+s1], $0x80, $0x38;
	[tilespmem:$0x10A00] =	vst v63  }
0xd4: {  	s18 =	sand.u32 $0x1FFFFFF0, s15;
	s19 =	spop (v2sf);
	s17 =	sadd.s32 s23, s14  }
0xd5: {  	[tilespmem:s8], [sflag:$0x4] =	stream.linear.gather [hbm4b:s4+s1], $0x80, $0x38;
	[tilespmem:$0x10A00] =	vst v63  }
0xd6: {  	s20 =	rddreg [dreg:$0xe];
	s6 =	sand.u32 $0x1FFFFFF0, s19;
	s8 =	spop (v2sf)  }
0xd7: {  	(v2sf) =	vpush v1, $0xF;
	[tilespmem:s12], [sflag:$0x1] =	stream.linear.gather [hbm4b:s9+s1], $0x80, $0x38;
	[tilespmem:$0x10A00] =	vst v63  }
0xd8: {  	s5 =	sadd.s32 s22, s18;
	s10 =	sadd.s32 s28, s6;
	s11 =	sand.u32 $0x1FFFFFF0, s8  }
0xd9: {  	(v2sf) =	vpush v63, $0xF;
	[tilespmem:s16], [sflag:$0x2] =	stream.linear.gather [hbm4b:s13+s1], $0x80, $0x38;
	[tilespmem:$0x10A00] =	vst v63  }
0xda: {  	s9 =	rddreg [dreg:$0xd];
	s12 =	spop (v2sf);
	s14 =	sadd.s32 s30, s11  }
0xdb: {  	[tilespmem:s20], [sflag:$0x3] =	stream.linear.gather [hbm4b:s17+s1], $0x80, $0x38;
	[tilespmem:$0x10A00] =	vst v63  }
0xdc: {  	s15 =	sand.u32 $0x1FFFFFF0, s12;
	s13 =	rddreg [dreg:$0xc];
	s16 =	spop (v2sf)  }
0xdd: {  	[tilespmem:s9], [sflag:$0x4] =	stream.linear.gather [hbm4b:s5+s1], $0x80, $0x38;
	[tilespmem:$0x10A00] =	vst v63  }
0xde: {  	s18 =	sadd.s32 s23, s15;
	s19 =	sand.u32 $0x1FFFFFF0, s16;
	s17 =	rddreg [dreg:$0xb]  }
0xdf: {  	[tilespmem:s13], [sflag:$0x1] =	stream.linear.gather [hbm4b:s10+s1], $0x80, $0x38;
	[tilespmem:$0x10A00] =	vst v63  }
0xe0: {  	s20 =	spop (v2sf);
	s6 =	sadd.s32 s22, s19;
	s19 =	sadd.s32 $0x8F80, s31  }
0xe1: {  	[tilespmem:s17], [sflag:$0x2] =	stream.linear.gather [hbm4b:s14+s1], $0x80, $0x38;
	[tilespmem:$0x10A00] =	vst v63  }
0xe2: {  	s8 =	sand.u32 $0x1FFFFFF0, s20;
	s5 =	rddreg [dreg:$0xa];
	s9 =	spop (v2sf)  }
0xe3: {  	[tilespmem:s5], [sflag:$0x3] =	stream.linear.gather [hbm4b:s18+s1], $0x80, $0x38;
	[tilespmem:$0x10A00] =	vst v63  }
0xe4: {  	s11 =	sadd.s32 s28, s8;
	s12 =	sand.u32 $0x1FFFFFF0, s9;
	s10 =	rddreg [dreg:$0x9]  }
0xe5: {  	[tilespmem:s10], [sflag:$0x4] =	stream.linear.gather [hbm4b:s6+s1], $0x80, $0x38;
	[tilespmem:$0x10A00] =	vst v63  }
0xe6: {  	s13 =	spop (v2sf);
	s15 =	sadd.s32 s30, s12;
	s14 =	rddreg [dreg:$0x8]  }
0xe7: {  	[tilespmem:s14], [sflag:$0x1] =	stream.linear.gather [hbm4b:s11+s1], $0x80, $0x38;
	[tilespmem:$0x10A00] =	vst v63  }
0xe8: {  	s16 =	sand.u32 $0x1FFFFFF0, s13;
	s17 =	spop (v2sf);
	s18 =	rddreg [dreg:$0x7]  }
0xe9: {  	[tilespmem:s18], [sflag:$0x2] =	stream.linear.gather [hbm4b:s15+s1], $0x80, $0x38;
	[tilespmem:$0x10A00] =	vst v63  }
.Ltmp0:
0xea: {  	s2 =	sadd.s32 s23, s16;
	s3 =	sand.u32 $0x1FFFFFF0, s17;
	(pc) =	sbr.rel @p0 .LBB2_3-.Ltmp0, $4  }
0xeb: {  	[tilespmem:s19], [sflag:$0x3] =	stream.linear.gather [hbm4b:s2+s1], $0x80, $0x38;
	[tilespmem:$0x10A00] =	vst v63  }
0xec: {  	s26 =	smov.u32 s30;
	s20 =	sadd.s32 $0xCF80, s31;
	s30 =	sadd.s32 s22, s3  }
0xed: {  	[tilespmem:s20], [sflag:$0x4] =	stream.linear.gather [hbm4b:s30+s1], $0x80, $0x38;
	[tilespmem:$0x10A00] =	vst v63  }
0xee: {  	s24 =	sadd.s32 $0x10, s24;
	s31 =	sshra.s32 s7, $0x2;
	s7 =	sadd.s32 $0x2000, s7;
	v1 =	vld [tilespmem:s29+$0x0]  }
0xef: {  	_ = 	snop  }
0xf0: {  	v2 =	vld [tilespmem:s24+$0x0];
	_ =	sdelay $0x2  }
0xf1: {  	v4 =	vshll.u32 v1, $0x4  }
0xf2: {  	(v2sf) =	vpush v4, $0x0  }
0xf3: {  	v1 =	vld [tilespmem:s25+$0x0];
	v3 =	vshll.u32 v2, $0x4  }
0xf4: {  	(v2sf) =	vpush v3, $0x0  }
0xf5: {  	v5 =	vld [tilespmem:s21+$0x0];
	_ =	sdelay $0x2  }
0xf6: {  	v2 =	vshll.u32 v1, $0x4  }
0xf7: {  	(v2sf) =	vpush v2, $0x0  }
0xf8: {  	v1 =	vshll.u32 v5, $0x4  }
0xf9: {  	(v2sf) =	vpush v1, $0x0;
	_ =	sdelay $0x5  }
0xfa: {  	s0 =	spop (v2sf);
	(v2sf) =	vpush v4, $0x1;
	_ =	sdelay $0x1  }
0xfb: {  	s14 =	spop (v2sf);
	(v2sf) =	vpush v3, $0x1;
	_ =	sdelay $0x4  }
0xfc: {  	s16 =	spop (v2sf);
	(v2sf) =	vpush v2, $0x1;
	_ =	sdelay $0x1  }
0xfd: {  	s18 =	spop (v2sf);
	(v2sf) =	vpush v1, $0x1;
	_ =	sdelay $0x5  }
0xfe: {  	s20 =	spop (v2sf);
	(v2sf) =	vpush v4, $0x2;
	_ =	sdelay $0x1  }
0xff: {  	s24 =	spop (v2sf);
	(v2sf) =	vpush v3, $0x2;
	_ =	sdelay $0x3  }
0x100: {  	s0 =	sand.u32 $0x1FFFFFF0, s0  }
0x101: {  	s2 =	sadd.s32 $0x800, s31;
	s0 =	sadd.s32 s28, s0;
	s29 =	spop (v2sf);
	(v2sf) =	vpush v2, $0x2  }
0x102: {  	[tilespmem:s2], [sflag:$0x1] =	stream.linear.gather [hbm4b:s0+s1], $0x80, $0x38;
	[tilespmem:$0x10A00] =	vst v63  }
0x103: {  	s2 =	spop (v2sf);
	(v2sf) =	vpush v1, $0x2;
	_ =	sdelay $0x4  }
0x104: {  	s0 =	sand.u32 $0x1FFFFFF0, s14  }
0x105: {  	s15 =	sadd.s32 $0x4800, s31;
	s0 =	sadd.s32 s26, s0;
	s4 =	spop (v2sf);
	(v2sf) =	vpush v4, $0x3  }
0x106: {  	[tilespmem:s15], [sflag:$0x2] =	stream.linear.gather [hbm4b:s0+s1], $0x80, $0x38;
	[tilespmem:$0x10A00] =	vst v63  }
0x107: {  	s6 =	spop (v2sf);
	(v2sf) =	vpush v3, $0x3  }
0x108: {  	s0 =	sand.u32 $0x1FFFFFF0, s16  }
0x109: {  	s17 =	sadd.s32 $0x8800, s31;
	s0 =	sadd.s32 s23, s0  }
0x10a: {  	[tilespmem:s17], [sflag:$0x3] =	stream.linear.gather [hbm4b:s0+s1], $0x80, $0x38;
	[tilespmem:$0x10A00] =	vst v63  }
0x10b: {  	s0 =	sand.u32 $0x1FFFFFF0, s18  }
0x10c: {  	s19 =	sadd.s32 $0xC800, s31;
	s0 =	sadd.s32 s22, s0;
	s8 =	spop (v2sf);
	(v2sf) =	vpush v2, $0x3  }
0x10d: {  	[tilespmem:s19], [sflag:$0x4] =	stream.linear.gather [hbm4b:s0+s1], $0x80, $0x38;
	[tilespmem:$0x10A00] =	vst v63  }
0x10e: {  	s0 =	sand.u32 $0x1FFFFFF0, s20;
	s10 =	spop (v2sf);
	(v2sf) =	vpush v1, $0x3  }
0x10f: {  	s21 =	sadd.s32 $0x880, s31;
	s0 =	sadd.s32 s28, s0  }
0x110: {  	[tilespmem:s21], [sflag:$0x1] =	stream.linear.gather [hbm4b:s0+s1], $0x80, $0x38;
	[tilespmem:$0x10A00] =	vst v63  }
0x111: {  	s0 =	sand.u32 $0x1FFFFFF0, s24  }
0x112: {  	s25 =	sadd.s32 $0x4880, s31;
	s0 =	sadd.s32 s26, s0  }
0x113: {  	[tilespmem:s25], [sflag:$0x2] =	stream.linear.gather [hbm4b:s0+s1], $0x80, $0x38;
	[tilespmem:$0x10A00] =	vst v63  }
0x114: {  	s12 =	spop (v2sf);
	(v2sf) =	vpush v4, $0x4  }
0x115: {  	s0 =	sand.u32 $0x1FFFFFF0, s29  }
0x116: {  	s30 =	sadd.s32 $0x8880, s31;
	s0 =	sadd.s32 s23, s0;
	s14 =	spop (v2sf);
	(v2sf) =	vpush v3, $0x4  }
0x117: {  	[tilespmem:s30], [sflag:$0x3] =	stream.linear.gather [hbm4b:s0+s1], $0x80, $0x38;
	[tilespmem:$0x10A00] =	vst v63  }
0x118: {  	s0 =	sand.u32 $0x1FFFFFF0, s2  }
0x119: {  	s3 =	sadd.s32 $0xC880, s31;
	s0 =	sadd.s32 s22, s0  }
0x11a: {  	[tilespmem:s3], [sflag:$0x4] =	stream.linear.gather [hbm4b:s0+s1], $0x80, $0x38;
	[tilespmem:$0x10A00] =	vst v63  }
0x11b: {  	s16 =	spop (v2sf);
	(v2sf) =	vpush v2, $0x4  }
0x11c: {  	s0 =	sand.u32 $0x1FFFFFF0, s4  }
0x11d: {  	s5 =	sadd.s32 $0x900, s31;
	s0 =	sadd.s32 s28, s0;
	s18 =	spop (v2sf);
	(v2sf) =	vpush v1, $0x4  }
0x11e: {  	[tilespmem:s5], [sflag:$0x1] =	stream.linear.gather [hbm4b:s0+s1], $0x80, $0x38;
	[tilespmem:$0x10A00] =	vst v63  }
0x11f: {  	s0 =	sand.u32 $0x1FFFFFF0, s6  }
0x120: {  	s7 =	sadd.s32 $0x4900, s31;
	s0 =	sadd.s32 s26, s0  }
0x121: {  	[tilespmem:s7], [sflag:$0x2] =	stream.linear.gather [hbm4b:s0+s1], $0x80, $0x38;
	[tilespmem:$0x10A00] =	vst v63  }
0x122: {  	s0 =	sand.u32 $0x1FFFFFF0, s8  }
0x123: {  	s9 =	sadd.s32 $0x8900, s31;
	s0 =	sadd.s32 s23, s0;
	s20 =	spop (v2sf);
	(v2sf) =	vpush v4, $0x5  }
0x124: {  	[tilespmem:s9], [sflag:$0x3] =	stream.linear.gather [hbm4b:s0+s1], $0x80, $0x38;
	[tilespmem:$0x10A00] =	vst v63  }
0x125: {  	s24 =	spop (v2sf);
	(v2sf) =	vpush v3, $0x5  }
0x126: {  	s0 =	sand.u32 $0x1FFFFFF0, s10  }
0x127: {  	s11 =	sadd.s32 $0xC900, s31;
	s0 =	sadd.s32 s22, s0  }
0x128: {  	[tilespmem:s11], [sflag:$0x4] =	stream.linear.gather [hbm4b:s0+s1], $0x80, $0x38;
	[tilespmem:$0x10A00] =	vst v63  }
0x129: {  	s0 =	sand.u32 $0x1FFFFFF0, s12  }
0x12a: {  	s13 =	sadd.s32 $0x980, s31;
	s0 =	sadd.s32 s28, s0;
	s29 =	spop (v2sf);
	(v2sf) =	vpush v2, $0x5  }
0x12b: {  	[tilespmem:s13], [sflag:$0x1] =	stream.linear.gather [hbm4b:s0+s1], $0x80, $0x38;
	[tilespmem:$0x10A00] =	vst v63  }
0x12c: {  	s0 =	sand.u32 $0x1FFFFFF0, s14;
	s2 =	spop (v2sf);
	(v2sf) =	vpush v1, $0x5  }
0x12d: {  	s15 =	sadd.s32 $0x4980, s31;
	s0 =	sadd.s32 s26, s0  }
0x12e: {  	[tilespmem:s15], [sflag:$0x2] =	stream.linear.gather [hbm4b:s0+s1], $0x80, $0x38;
	[tilespmem:$0x10A00] =	vst v63  }
0x12f: {  	s0 =	sand.u32 $0x1FFFFFF0, s16  }
0x130: {  	s17 =	sadd.s32 $0x8980, s31;
	s0 =	sadd.s32 s23, s0  }
0x131: {  	[tilespmem:s17], [sflag:$0x3] =	stream.linear.gather [hbm4b:s0+s1], $0x80, $0x38;
	[tilespmem:$0x10A00] =	vst v63  }
0x132: {  	s4 =	spop (v2sf);
	(v2sf) =	vpush v4, $0x6  }
0x133: {  	s0 =	sand.u32 $0x1FFFFFF0, s18  }
0x134: {  	s19 =	sadd.s32 $0xC980, s31;
	s0 =	sadd.s32 s22, s0;
	s6 =	spop (v2sf);
	(v2sf) =	vpush v3, $0x6  }
0x135: {  	[tilespmem:s19], [sflag:$0x4] =	stream.linear.gather [hbm4b:s0+s1], $0x80, $0x38;
	[tilespmem:$0x10A00] =	vst v63  }
0x136: {  	s0 =	sand.u32 $0x1FFFFFF0, s20  }
0x137: {  	s21 =	sadd.s32 $0xA00, s31;
	s0 =	sadd.s32 s28, s0  }
0x138: {  	[tilespmem:s21], [sflag:$0x1] =	stream.linear.gather [hbm4b:s0+s1], $0x80, $0x38;
	[tilespmem:$0x10A00] =	vst v63  }
0x139: {  	s8 =	spop (v2sf);
	(v2sf) =	vpush v2, $0x6  }
0x13a: {  	s0 =	sand.u32 $0x1FFFFFF0, s24  }
0x13b: {  	s25 =	sadd.s32 $0x4A00, s31;
	s0 =	sadd.s32 s26, s0;
	s10 =	spop (v2sf);
	(v2sf) =	vpush v1, $0x6  }
0x13c: {  	[tilespmem:s25], [sflag:$0x2] =	stream.linear.gather [hbm4b:s0+s1], $0x80, $0x38;
	[tilespmem:$0x10A00] =	vst v63  }
0x13d: {  	s0 =	sand.u32 $0x1FFFFFF0, s29  }
0x13e: {  	s30 =	sadd.s32 $0x8A00, s31;
	s0 =	sadd.s32 s23, s0  }
0x13f: {  	[tilespmem:s30], [sflag:$0x3] =	stream.linear.gather [hbm4b:s0+s1], $0x80, $0x38;
	[tilespmem:$0x10A00] =	vst v63  }
0x140: {  	s0 =	sand.u32 $0x1FFFFFF0, s2  }
0x141: {  	s3 =	sadd.s32 $0xCA00, s31;
	s0 =	sadd.s32 s22, s0;
	s12 =	spop (v2sf);
	(v2sf) =	vpush v4, $0x7  }
0x142: {  	[tilespmem:s3], [sflag:$0x4] =	stream.linear.gather [hbm4b:s0+s1], $0x80, $0x38;
	[tilespmem:$0x10A00] =	vst v63  }
0x143: {  	s14 =	spop (v2sf);
	(v2sf) =	vpush v3, $0x7  }
0x144: {  	s0 =	sand.u32 $0x1FFFFFF0, s4  }
0x145: {  	s5 =	sadd.s32 $0xA80, s31;
	s0 =	sadd.s32 s28, s0  }
0x146: {  	[tilespmem:s5], [sflag:$0x1] =	stream.linear.gather [hbm4b:s0+s1], $0x80, $0x38;
	[tilespmem:$0x10A00] =	vst v63  }
0x147: {  	s0 =	sand.u32 $0x1FFFFFF0, s6  }
0x148: {  	s7 =	sadd.s32 $0x4A80, s31;
	s0 =	sadd.s32 s26, s0;
	s16 =	spop (v2sf);
	(v2sf) =	vpush v2, $0x7  }
0x149: {  	[tilespmem:s7], [sflag:$0x2] =	stream.linear.gather [hbm4b:s0+s1], $0x80, $0x38;
	[tilespmem:$0x10A00] =	vst v63  }
0x14a: {  	s0 =	sand.u32 $0x1FFFFFF0, s8;
	s18 =	spop (v2sf);
	(v2sf) =	vpush v1, $0x7  }
0x14b: {  	s9 =	sadd.s32 $0x8A80, s31;
	s0 =	sadd.s32 s23, s0  }
0x14c: {  	[tilespmem:s9], [sflag:$0x3] =	stream.linear.gather [hbm4b:s0+s1], $0x80, $0x38;
	[tilespmem:$0x10A00] =	vst v63  }
0x14d: {  	s0 =	sand.u32 $0x1FFFFFF0, s10  }
0x14e: {  	s11 =	sadd.s32 $0xCA80, s31;
	s0 =	sadd.s32 s22, s0  }
0x14f: {  	[tilespmem:s11], [sflag:$0x4] =	stream.linear.gather [hbm4b:s0+s1], $0x80, $0x38;
	[tilespmem:$0x10A00] =	vst v63  }
0x150: {  	s20 =	spop (v2sf);
	(v2sf) =	vpush v4, $0x8  }
0x151: {  	s0 =	sand.u32 $0x1FFFFFF0, s12  }
0x152: {  	s13 =	sadd.s32 $0xB00, s31;
	s0 =	sadd.s32 s28, s0;
	s24 =	spop (v2sf);
	(v2sf) =	vpush v3, $0x8  }
0x153: {  	[tilespmem:s13], [sflag:$0x1] =	stream.linear.gather [hbm4b:s0+s1], $0x80, $0x38;
	[tilespmem:$0x10A00] =	vst v63  }
0x154: {  	s0 =	sand.u32 $0x1FFFFFF0, s14  }
0x155: {  	s15 =	sadd.s32 $0x4B00, s31;
	s0 =	sadd.s32 s26, s0  }
0x156: {  	[tilespmem:s15], [sflag:$0x2] =	stream.linear.gather [hbm4b:s0+s1], $0x80, $0x38;
	[tilespmem:$0x10A00] =	vst v63  }
0x157: {  	s29 =	spop (v2sf);
	(v2sf) =	vpush v2, $0x8  }
0x158: {  	s0 =	sand.u32 $0x1FFFFFF0, s16  }
0x159: {  	s17 =	sadd.s32 $0x8B00, s31;
	s0 =	sadd.s32 s23, s0;
	s2 =	spop (v2sf);
	(v2sf) =	vpush v1, $0x8  }
0x15a: {  	[tilespmem:s17], [sflag:$0x3] =	stream.linear.gather [hbm4b:s0+s1], $0x80, $0x38;
	[tilespmem:$0x10A00] =	vst v63  }
0x15b: {  	s0 =	sand.u32 $0x1FFFFFF0, s18  }
0x15c: {  	s19 =	sadd.s32 $0xCB00, s31;
	s0 =	sadd.s32 s22, s0  }
0x15d: {  	[tilespmem:s19], [sflag:$0x4] =	stream.linear.gather [hbm4b:s0+s1], $0x80, $0x38;
	[tilespmem:$0x10A00] =	vst v63  }
0x15e: {  	s0 =	sand.u32 $0x1FFFFFF0, s20  }
0x15f: {  	s21 =	sadd.s32 $0xB80, s31;
	s0 =	sadd.s32 s28, s0;
	s4 =	spop (v2sf);
	(v2sf) =	vpush v4, $0x9  }
0x160: {  	[tilespmem:s21], [sflag:$0x1] =	stream.linear.gather [hbm4b:s0+s1], $0x80, $0x38;
	[tilespmem:$0x10A00] =	vst v63  }
0x161: {  	s6 =	spop (v2sf);
	(v2sf) =	vpush v3, $0x9  }
0x162: {  	s0 =	sand.u32 $0x1FFFFFF0, s24  }
0x163: {  	s25 =	sadd.s32 $0x4B80, s31;
	s0 =	sadd.s32 s26, s0  }
0x164: {  	[tilespmem:s25], [sflag:$0x2] =	stream.linear.gather [hbm4b:s0+s1], $0x80, $0x38;
	[tilespmem:$0x10A00] =	vst v63  }
0x165: {  	s0 =	sand.u32 $0x1FFFFFF0, s29  }
0x166: {  	s30 =	sadd.s32 $0x8B80, s31;
	s0 =	sadd.s32 s23, s0;
	s8 =	spop (v2sf);
	(v2sf) =	vpush v2, $0x9  }
0x167: {  	[tilespmem:s30], [sflag:$0x3] =	stream.linear.gather [hbm4b:s0+s1], $0x80, $0x38;
	[tilespmem:$0x10A00] =	vst v63  }
0x168: {  	s0 =	sand.u32 $0x1FFFFFF0, s2;
	s10 =	spop (v2sf);
	(v2sf) =	vpush v1, $0x9  }
0x169: {  	s3 =	sadd.s32 $0xCB80, s31;
	s0 =	sadd.s32 s22, s0  }
0x16a: {  	[tilespmem:s3], [sflag:$0x4] =	stream.linear.gather [hbm4b:s0+s1], $0x80, $0x38;
	[tilespmem:$0x10A00] =	vst v63  }
0x16b: {  	s0 =	sand.u32 $0x1FFFFFF0, s4  }
0x16c: {  	s5 =	sadd.s32 $0xC00, s31;
	s0 =	sadd.s32 s28, s0  }
0x16d: {  	[tilespmem:s5], [sflag:$0x1] =	stream.linear.gather [hbm4b:s0+s1], $0x80, $0x38;
	[tilespmem:$0x10A00] =	vst v63  }
0x16e: {  	s12 =	spop (v2sf);
	(v2sf) =	vpush v4, $0xA  }
0x16f: {  	s0 =	sand.u32 $0x1FFFFFF0, s6  }
0x170: {  	s7 =	sadd.s32 $0x4C00, s31;
	s0 =	sadd.s32 s26, s0;
	s14 =	spop (v2sf);
	(v2sf) =	vpush v3, $0xA  }
0x171: {  	[tilespmem:s7], [sflag:$0x2] =	stream.linear.gather [hbm4b:s0+s1], $0x80, $0x38;
	[tilespmem:$0x10A00] =	vst v63  }
0x172: {  	s0 =	sand.u32 $0x1FFFFFF0, s8  }
0x173: {  	s9 =	sadd.s32 $0x8C00, s31;
	s0 =	sadd.s32 s23, s0  }
0x174: {  	[tilespmem:s9], [sflag:$0x3] =	stream.linear.gather [hbm4b:s0+s1], $0x80, $0x38;
	[tilespmem:$0x10A00] =	vst v63  }
0x175: {  	s16 =	spop (v2sf);
	(v2sf) =	vpush v2, $0xA  }
0x176: {  	s0 =	sand.u32 $0x1FFFFFF0, s10  }
0x177: {  	s11 =	sadd.s32 $0xCC00, s31;
	s0 =	sadd.s32 s22, s0;
	s18 =	spop (v2sf);
	(v2sf) =	vpush v1, $0xA  }
0x178: {  	[tilespmem:s11], [sflag:$0x4] =	stream.linear.gather [hbm4b:s0+s1], $0x80, $0x38;
	[tilespmem:$0x10A00] =	vst v63  }
0x179: {  	s0 =	sand.u32 $0x1FFFFFF0, s12  }
0x17a: {  	s13 =	sadd.s32 $0xC80, s31;
	s0 =	sadd.s32 s28, s0  }
0x17b: {  	[tilespmem:s13], [sflag:$0x1] =	stream.linear.gather [hbm4b:s0+s1], $0x80, $0x38;
	[tilespmem:$0x10A00] =	vst v63  }
0x17c: {  	s0 =	sand.u32 $0x1FFFFFF0, s14  }
0x17d: {  	s15 =	sadd.s32 $0x4C80, s31;
	s0 =	sadd.s32 s26, s0;
	s20 =	spop (v2sf);
	(v2sf) =	vpush v4, $0xB  }
0x17e: {  	[tilespmem:s15], [sflag:$0x2] =	stream.linear.gather [hbm4b:s0+s1], $0x80, $0x38;
	[tilespmem:$0x10A00] =	vst v63  }
0x17f: {  	s24 =	spop (v2sf);
	(v2sf) =	vpush v3, $0xB  }
0x180: {  	s0 =	sand.u32 $0x1FFFFFF0, s16  }
0x181: {  	s17 =	sadd.s32 $0x8C80, s31;
	s0 =	sadd.s32 s23, s0  }
0x182: {  	[tilespmem:s17], [sflag:$0x3] =	stream.linear.gather [hbm4b:s0+s1], $0x80, $0x38;
	[tilespmem:$0x10A00] =	vst v63  }
0x183: {  	s0 =	sand.u32 $0x1FFFFFF0, s18  }
0x184: {  	s19 =	sadd.s32 $0xCC80, s31;
	s0 =	sadd.s32 s22, s0;
	s29 =	spop (v2sf);
	(v2sf) =	vpush v2, $0xB  }
0x185: {  	[tilespmem:s19], [sflag:$0x4] =	stream.linear.gather [hbm4b:s0+s1], $0x80, $0x38;
	[tilespmem:$0x10A00] =	vst v63  }
0x186: {  	s0 =	sand.u32 $0x1FFFFFF0, s20;
	s2 =	spop (v2sf);
	(v2sf) =	vpush v1, $0xB  }
0x187: {  	s21 =	sadd.s32 $0xD00, s31;
	s0 =	sadd.s32 s28, s0  }
0x188: {  	[tilespmem:s21], [sflag:$0x1] =	stream.linear.gather [hbm4b:s0+s1], $0x80, $0x38;
	[tilespmem:$0x10A00] =	vst v63  }
0x189: {  	s0 =	sand.u32 $0x1FFFFFF0, s24  }
0x18a: {  	s25 =	sadd.s32 $0x4D00, s31;
	s0 =	sadd.s32 s26, s0  }
0x18b: {  	[tilespmem:s25], [sflag:$0x2] =	stream.linear.gather [hbm4b:s0+s1], $0x80, $0x38;
	[tilespmem:$0x10A00] =	vst v63  }
0x18c: {  	s4 =	spop (v2sf);
	(v2sf) =	vpush v4, $0xC  }
0x18d: {  	s0 =	sand.u32 $0x1FFFFFF0, s29  }
0x18e: {  	s30 =	sadd.s32 $0x8D00, s31;
	s0 =	sadd.s32 s23, s0;
	s6 =	spop (v2sf);
	(v2sf) =	vpush v3, $0xC  }
0x18f: {  	[tilespmem:s30], [sflag:$0x3] =	stream.linear.gather [hbm4b:s0+s1], $0x80, $0x38;
	[tilespmem:$0x10A00] =	vst v63  }
0x190: {  	s0 =	sand.u32 $0x1FFFFFF0, s2  }
0x191: {  	s3 =	sadd.s32 $0xCD00, s31;
	s0 =	sadd.s32 s22, s0  }
0x192: {  	[tilespmem:s3], [sflag:$0x4] =	stream.linear.gather [hbm4b:s0+s1], $0x80, $0x38;
	[tilespmem:$0x10A00] =	vst v63  }
0x193: {  	s8 =	spop (v2sf);
	(v2sf) =	vpush v2, $0xC  }
0x194: {  	s0 =	sand.u32 $0x1FFFFFF0, s4  }
0x195: {  	s5 =	sadd.s32 $0xD80, s31;
	s0 =	sadd.s32 s28, s0;
	s10 =	spop (v2sf);
	(v2sf) =	vpush v1, $0xC  }
0x196: {  	[tilespmem:s5], [sflag:$0x1] =	stream.linear.gather [hbm4b:s0+s1], $0x80, $0x38;
	[tilespmem:$0x10A00] =	vst v63  }
0x197: {  	s0 =	sand.u32 $0x1FFFFFF0, s6  }
0x198: {  	s7 =	sadd.s32 $0x4D80, s31;
	s0 =	sadd.s32 s26, s0  }
0x199: {  	[tilespmem:s7], [sflag:$0x2] =	stream.linear.gather [hbm4b:s0+s1], $0x80, $0x38;
	[tilespmem:$0x10A00] =	vst v63  }
0x19a: {  	s0 =	sand.u32 $0x1FFFFFF0, s8  }
0x19b: {  	s9 =	sadd.s32 $0x8D80, s31;
	s0 =	sadd.s32 s23, s0;
	s12 =	spop (v2sf);
	(v2sf) =	vpush v4, $0xD  }
0x19c: {  	[tilespmem:s9], [sflag:$0x3] =	stream.linear.gather [hbm4b:s0+s1], $0x80, $0x38;
	[tilespmem:$0x10A00] =	vst v63  }
0x19d: {  	s14 =	spop (v2sf);
	(v2sf) =	vpush v3, $0xD  }
0x19e: {  	s0 =	sand.u32 $0x1FFFFFF0, s10  }
0x19f: {  	s11 =	sadd.s32 $0xCD80, s31;
	s0 =	sadd.s32 s22, s0  }
0x1a0: {  	[tilespmem:s11], [sflag:$0x4] =	stream.linear.gather [hbm4b:s0+s1], $0x80, $0x38;
	[tilespmem:$0x10A00] =	vst v63  }
0x1a1: {  	s0 =	sand.u32 $0x1FFFFFF0, s12  }
0x1a2: {  	s13 =	sadd.s32 $0xE00, s31;
	s0 =	sadd.s32 s28, s0;
	s16 =	spop (v2sf);
	(v2sf) =	vpush v2, $0xD  }
0x1a3: {  	[tilespmem:s13], [sflag:$0x1] =	stream.linear.gather [hbm4b:s0+s1], $0x80, $0x38;
	[tilespmem:$0x10A00] =	vst v63  }
0x1a4: {  	s0 =	sand.u32 $0x1FFFFFF0, s14;
	s18 =	spop (v2sf);
	(v2sf) =	vpush v1, $0xD  }
0x1a5: {  	s15 =	sadd.s32 $0x4E00, s31;
	s0 =	sadd.s32 s26, s0  }
0x1a6: {  	[tilespmem:s15], [sflag:$0x2] =	stream.linear.gather [hbm4b:s0+s1], $0x80, $0x38;
	[tilespmem:$0x10A00] =	vst v63  }
0x1a7: {  	s0 =	sand.u32 $0x1FFFFFF0, s16  }
0x1a8: {  	s17 =	sadd.s32 $0x8E00, s31;
	s0 =	sadd.s32 s23, s0  }
0x1a9: {  	[tilespmem:s17], [sflag:$0x3] =	stream.linear.gather [hbm4b:s0+s1], $0x80, $0x38;
	[tilespmem:$0x10A00] =	vst v63  }
0x1aa: {  	s20 =	spop (v2sf);
	(v2sf) =	vpush v4, $0xE  }
0x1ab: {  	s0 =	sand.u32 $0x1FFFFFF0, s18  }
0x1ac: {  	s19 =	sadd.s32 $0xCE00, s31;
	s0 =	sadd.s32 s22, s0;
	s24 =	spop (v2sf);
	(v2sf) =	vpush v3, $0xE  }
0x1ad: {  	[tilespmem:s19], [sflag:$0x4] =	stream.linear.gather [hbm4b:s0+s1], $0x80, $0x38;
	[tilespmem:$0x10A00] =	vst v63  }
0x1ae: {  	s0 =	sand.u32 $0x1FFFFFF0, s20  }
0x1af: {  	s21 =	sadd.s32 $0xE80, s31;
	s0 =	sadd.s32 s28, s0  }
0x1b0: {  	[tilespmem:s21], [sflag:$0x1] =	stream.linear.gather [hbm4b:s0+s1], $0x80, $0x38;
	[tilespmem:$0x10A00] =	vst v63  }
0x1b1: {  	s29 =	spop (v2sf);
	(v2sf) =	vpush v2, $0xE  }
0x1b2: {  	s0 =	sand.u32 $0x1FFFFFF0, s24  }
0x1b3: {  	s25 =	sadd.s32 $0x4E80, s31;
	s0 =	sadd.s32 s26, s0;
	s2 =	spop (v2sf);
	(v2sf) =	vpush v1, $0xE  }
0x1b4: {  	[tilespmem:s25], [sflag:$0x2] =	stream.linear.gather [hbm4b:s0+s1], $0x80, $0x38;
	[tilespmem:$0x10A00] =	vst v63  }
0x1b5: {  	s0 =	sand.u32 $0x1FFFFFF0, s29  }
0x1b6: {  	s30 =	sadd.s32 $0x8E80, s31;
	s0 =	sadd.s32 s23, s0  }
0x1b7: {  	[tilespmem:s30], [sflag:$0x3] =	stream.linear.gather [hbm4b:s0+s1], $0x80, $0x38;
	[tilespmem:$0x10A00] =	vst v63  }
0x1b8: {  	s0 =	sand.u32 $0x1FFFFFF0, s2  }
0x1b9: {  	s3 =	sadd.s32 $0xCE80, s31;
	s0 =	sadd.s32 s22, s0;
	s4 =	spop (v2sf);
	(v2sf) =	vpush v4, $0xF  }
0x1ba: {  	[tilespmem:s3], [sflag:$0x4] =	stream.linear.gather [hbm4b:s0+s1], $0x80, $0x38;
	[tilespmem:$0x10A00] =	vst v63  }
0x1bb: {  	s6 =	spop (v2sf);
	(v2sf) =	vpush v3, $0xF  }
0x1bc: {  	s0 =	sand.u32 $0x1FFFFFF0, s4  }
0x1bd: {  	s5 =	sadd.s32 $0xF00, s31;
	s0 =	sadd.s32 s28, s0  }
0x1be: {  	[tilespmem:s5], [sflag:$0x1] =	stream.linear.gather [hbm4b:s0+s1], $0x80, $0x38;
	[tilespmem:$0x10A00] =	vst v63  }
0x1bf: {  	s0 =	sand.u32 $0x1FFFFFF0, s6  }
0x1c0: {  	s7 =	sadd.s32 $0x4F00, s31;
	s0 =	sadd.s32 s26, s0;
	s8 =	spop (v2sf);
	(v2sf) =	vpush v2, $0xF  }
0x1c1: {  	[tilespmem:s7], [sflag:$0x2] =	stream.linear.gather [hbm4b:s0+s1], $0x80, $0x38;
	[tilespmem:$0x10A00] =	vst v63  }
0x1c2: {  	s0 =	sand.u32 $0x1FFFFFF0, s8;
	s10 =	spop (v2sf);
	(v2sf) =	vpush v1, $0xF  }
0x1c3: {  	s9 =	sadd.s32 $0x8F00, s31;
	s0 =	sadd.s32 s23, s0  }
0x1c4: {  	[tilespmem:s9], [sflag:$0x3] =	stream.linear.gather [hbm4b:s0+s1], $0x80, $0x38;
	[tilespmem:$0x10A00] =	vst v63  }
0x1c5: {  	s0 =	sand.u32 $0x1FFFFFF0, s10  }
0x1c6: {  	s11 =	sadd.s32 $0xCF00, s31;
	s0 =	sadd.s32 s22, s0  }
0x1c7: {  	[tilespmem:s11], [sflag:$0x4] =	stream.linear.gather [hbm4b:s0+s1], $0x80, $0x38;
	[tilespmem:$0x10A00] =	vst v63  }
0x1c8: {  	s12 =	spop (v2sf)  }
0x1c9: {  	s0 =	sand.u32 $0x1FFFFFF0, s12  }
0x1ca: {  	s13 =	sadd.s32 $0xF80, s31;
	s14 =	spop (v2sf);
	s0 =	sadd.s32 s28, s0  }
0x1cb: {  	[tilespmem:s13], [sflag:$0x1] =	stream.linear.gather [hbm4b:s0+s1], $0x80, $0x38;
	[tilespmem:$0x10A00] =	vst v63  }
0x1cc: {  	s0 =	sand.u32 $0x1FFFFFF0, s14  }
0x1cd: {  	s15 =	sadd.s32 $0x4F80, s31;
	s0 =	sadd.s32 s26, s0  }
0x1ce: {  	[tilespmem:s15], [sflag:$0x2] =	stream.linear.gather [hbm4b:s0+s1], $0x80, $0x38;
	[tilespmem:$0x10A00] =	vst v63  }
0x1cf: {  	s16 =	spop (v2sf)  }
0x1d0: {  	s0 =	sand.u32 $0x1FFFFFF0, s16  }
0x1d1: {  	s17 =	sadd.s32 $0x8F80, s31;
	s18 =	spop (v2sf);
	s0 =	sadd.s32 s23, s0  }
0x1d2: {  	[tilespmem:s17], [sflag:$0x3] =	stream.linear.gather [hbm4b:s0+s1], $0x80, $0x38;
	[tilespmem:$0x10A00] =	vst v63  }
0x1d3: {  	s0 =	sand.u32 $0x1FFFFFF0, s18  }
0x1d4: {  	s19 =	sadd.s32 $0xCF80, s31;
	s20 =	simm.s32 $0x1;
	s0 =	sadd.s32 s22, s0  }
0x1d5: {  	[tilespmem:s19], [sflag:$0x4] =	stream.linear.gather [hbm4b:s0+s1], $0x80, $0x38;
	[tilespmem:$0x10A00] =	vst v63  }
0x1d6: {  	_ =	swait.ge [sflag:s20], $0x4000  }
0x1d7: {  	[sflag:s20] =	ssyncset.done $0x0  }
0x1d8: {  	s21 =	simm.s32 $0x2;
	[sflag:s20] =	ssyncadd.s32 $0xFFFFC000  }
0x1d9: {  	_ =	swait.ge [sflag:s21], $0x4000  }
0x1da: {  	s24 =	simm.s32 $0x0;
	[sflag:s21] =	ssyncset.done $0x0  }
0x1db: {  	s25 =	simm.s32 $0x3;
	v1 =	vmov s24;
	[sflag:s21] =	ssyncadd.s32 $0xFFFFC000  }
0x1dc: {  	v1 =	vshll.u32 v1, $0x7;
	_ =	swait.ge [sflag:s25], $0x4000  }
0x1dd: {  	v1 =	vor.u32 v0, v1;
	[sflag:s25] =	ssyncset.done $0x0  }
0x1de: {  	s29 =	simm.s32 $0x4;
	[sflag:s25] =	ssyncadd.s32 $0xFFFFC000  }
0x1df: {  	v2 =	vor.u32 $0x1, v1;
	_ =	swait.ge [sflag:s29], $0x4000  }
0x1e0: {  	[sflag:s29] =	ssyncset.done $0x0  }
0x1e1: {  	s4 =	simm.s32 $0x4800;
	v3 =	vor.u32 $0x2, v1;
	[sflag:s29] =	ssyncadd.s32 $0xFFFFC000  }
0x1e2: {  	s3 =	simm.s32 $0x800;
	v43 =	vld.idx.msk [tilespmem:v1+s4+$0x0], $0xffff  }
0x1e3: {  	v6 =	vor.u32 $0x3, v1;
	v44 =	vld.idx.msk [tilespmem:v1+s3+$0x0], $0xffff  }
0x1e4: {  	v7 =	vld.idx.msk [tilespmem:v2+s3+$0x0], $0xffff  }
0x1e5: {  	v9 =	vor.u32 $0x4, v1;
	v8 =	vld.idx.msk [tilespmem:v2+s4+$0x0], $0xffff  }
0x1e6: {  	v10 =	vld.idx.msk [tilespmem:v3+s3+$0x0], $0xffff  }
0x1e7: {  	v12 =	vor.u32 $0x5, v1;
	v11 =	vld.idx.msk [tilespmem:v3+s4+$0x0], $0xffff  }
0x1e8: {  	v13 =	vld.idx.msk [tilespmem:v6+s3+$0x0], $0xffff;
	v4 =	vmul.f32 v43, v44  }
0x1e9: {  	v14 =	vor.u32 $0x6, v1;
	v45 =	vld.idx.msk [tilespmem:v6+s4+$0x0], $0xffff  }
0x1ea: {  	v15 =	vld.idx.msk [tilespmem:v9+s3+$0x0], $0xffff;
	v7 =	vmul.f32 v8, v7;
	v4 =	vadd.f32 $0.0e+00, v4  }
0x1eb: {  	v16 =	vor.u32 $0x7, v1;
	v46 =	vld.idx.msk [tilespmem:v9+s4+$0x0], $0xffff  }
0x1ec: {  	v17 =	vld.idx.msk [tilespmem:v12+s3+$0x0], $0xffff;
	v47 =	vmul.f32 v11, v10;
	v4 =	vadd.f32 v7, v4  }
0x1ed: {  	v48 =	vld.idx.msk [tilespmem:v12+s4+$0x0], $0xffff;
	v11 =	vor.u32 $0x8, v1  }
0x1ee: {  	v18 =	vld.idx.msk [tilespmem:v14+s3+$0x0], $0xffff;
	v5 =	vmul.f32 v45, v13;
	v4 =	vadd.f32 v47, v4  }
0x1ef: {  	v49 =	vld.idx.msk [tilespmem:v14+s4+$0x0], $0xffff;
	v13 =	vor.u32 $0x9, v1  }
0x1f0: {  	v19 =	vld.idx.msk [tilespmem:v16+s3+$0x0], $0xffff;
	v50 =	vmul.f32 v46, v15;
	v4 =	vadd.f32 v5, v4  }
0x1f1: {  	v51 =	vld.idx.msk [tilespmem:v16+s4+$0x0], $0xffff  }
0x1f2: {  	v15 =	vor.u32 $0xA, v1;
	v52 =	vmul.f32 v48, v17;
	v20 =	vld.idx.msk [tilespmem:v11+s3+$0x0], $0xffff;
	v4 =	vadd.f32 v50, v4  }
0x1f3: {  	v53 =	vld.idx.msk [tilespmem:v11+s4+$0x0], $0xffff  }
0x1f4: {  	v17 =	vor.u32 $0xB, v1;
	v54 =	vmul.f32 v49, v18;
	v21 =	vld.idx.msk [tilespmem:v13+s3+$0x0], $0xffff;
	v4 =	vadd.f32 v52, v4  }
0x1f5: {  	s5 =	simm.s32 $0x8800;
	v55 =	vld.idx.msk [tilespmem:v13+s4+$0x0], $0xffff  }
0x1f6: {  	v56 =	vor.u32 $0xC, v1;
	v58 =	vld.idx.msk [tilespmem:v1+s5+$0x0], $0xffff;
	v57 =	vmul.f32 v51, v19;
	v4 =	vadd.f32 v54, v4  }
0x1f7: {  	v22 =	vld.idx.msk [tilespmem:v15+s3+$0x0], $0xffff  }
0x1f8: {  	v59 =	vor.u32 $0xD, v1;
	v61 =	vld.idx.msk [tilespmem:v2+s5+$0x0], $0xffff;
	v60 =	vmul.f32 v53, v20;
	v4 =	vadd.f32 v57, v4  }
0x1f9: {  	v23 =	vld.idx.msk [tilespmem:v17+s3+$0x0], $0xffff  }
0x1fa: {  	v62 =	vor.u32 $0xE, v1;
	v24 =	vld.idx.msk [tilespmem:v3+s5+$0x0], $0xffff;
	v63 =	vmul.f32 v55, v21;
	v4 =	vadd.f32 v60, v4  }
0x1fb: {  	v18 =	vld.idx.msk [tilespmem:v56+s3+$0x0], $0xffff  }
0x1fc: {  	v25 =	vor.u32 $0xF, v1;
	v27 =	vld.idx.msk [tilespmem:v6+s5+$0x0], $0xffff;
	v26 =	vmul.f32 v58, v22;
	v4 =	vadd.f32 v63, v4  }
0x1fd: {  	v19 =	vld.idx.msk [tilespmem:v59+s3+$0x0], $0xffff  }
0x1fe: {  	v28 =	vor.u32 $0x10, v1;
	v30 =	vld.idx.msk [tilespmem:v9+s5+$0x0], $0xffff;
	v29 =	vmul.f32 v61, v23;
	v4 =	vadd.f32 v26, v4  }
0x1ff: {  	v20 =	vld.idx.msk [tilespmem:v62+s3+$0x0], $0xffff  }
0x200: {  	v31 =	vor.u32 $0x11, v1;
	v33 =	vld.idx.msk [tilespmem:v12+s5+$0x0], $0xffff;
	v32 =	vmul.f32 v24, v18;
	v4 =	vadd.f32 v29, v4  }
0x201: {  	v34 =	vor.u32 $0x12, v1;
	v21 =	vld.idx.msk [tilespmem:v25+s3+$0x0], $0xffff  }
0x202: {  	v36 =	vld.idx.msk [tilespmem:v14+s5+$0x0], $0xffff;
	v35 =	vmul.f32 v27, v19;
	v4 =	vadd.f32 v32, v4  }
0x203: {  	v37 =	vor.u32 $0x13, v1;
	v22 =	vld.idx.msk [tilespmem:v28+s3+$0x0], $0xffff  }
0x204: {  	v39 =	vld.idx.msk [tilespmem:v16+s5+$0x0], $0xffff;
	v38 =	vmul.f32 v30, v20;
	v4 =	vadd.f32 v35, v4  }
0x205: {  	v23 =	vld.idx.msk [tilespmem:v31+s3+$0x0], $0xffff  }
0x206: {  	v40 =	vor.u32 $0x14, v1;
	v18 =	vld.idx.msk [tilespmem:v34+s3+$0x0], $0xffff;
	v41 =	vmul.f32 v33, v21;
	v4 =	vadd.f32 v38, v4  }
0x207: {  	v42 =	vld.idx.msk [tilespmem:v11+s5+$0x0], $0xffff  }
0x208: {  	v43 =	vor.u32 $0x15, v1;
	v19 =	vld.idx.msk [tilespmem:v37+s3+$0x0], $0xffff;
	v44 =	vmul.f32 v36, v22;
	v4 =	vadd.f32 v41, v4  }
0x209: {  	s6 =	simm.s32 $0xC800;
	v45 =	vld.idx.msk [tilespmem:v13+s5+$0x0], $0xffff  }
0x20a: {  	v46 =	vor.u32 $0x16, v1;
	v48 =	vld.idx.msk [tilespmem:v1+s6+$0x0], $0xffff;
	v47 =	vmul.f32 v39, v23;
	v4 =	vadd.f32 v44, v4  }
0x20b: {  	v20 =	vld.idx.msk [tilespmem:v40+s3+$0x0], $0xffff  }
0x20c: {  	v2 =	vld.idx.msk [tilespmem:v2+s6+$0x0], $0xffff;
	v49 =	vor.u32 $0x17, v1;
	v50 =	vmul.f32 v42, v18;
	v4 =	vadd.f32 v47, v4  }
0x20d: {  	v51 =	vor.u32 $0x18, v1;
	v21 =	vld.idx.msk [tilespmem:v43+s3+$0x0], $0xffff  }
0x20e: {  	v3 =	vld.idx.msk [tilespmem:v3+s6+$0x0], $0xffff;
	v53 =	vmul.f32 v45, v19;
	v4 =	vadd.f32 v50, v4  }
0x20f: {  	v52 =	vld.idx.msk [tilespmem:v46+s3+$0x0], $0xffff  }
0x210: {  	v6 =	vld.idx.msk [tilespmem:v6+s6+$0x0], $0xffff;
	v54 =	vor.u32 $0x19, v1;
	v56 =	vmul.f32 v48, v20;
	v4 =	vadd.f32 v53, v4  }
0x211: {  	v55 =	vld.idx.msk [tilespmem:v49+s3+$0x0], $0xffff  }
0x212: {  	v7 =	vld.idx.msk [tilespmem:v51+s3+$0x0], $0xffff;
	v57 =	vor.u32 $0x1A, v1;
	v2 =	vmul.f32 v2, v21;
	v4 =	vadd.f32 v56, v4  }
0x213: {  	v58 =	vld.idx.msk [tilespmem:v9+s6+$0x0], $0xffff  }
0x214: {  	v59 =	vor.u32 $0x1B, v1;
	v3 =	vmul.f32 v3, v52;
	v60 =	vld.idx.msk [tilespmem:v12+s6+$0x0], $0xffff;
	v2 =	vadd.f32 v2, v4  }
0x215: {  	v8 =	vld.idx.msk [tilespmem:v54+s3+$0x0], $0xffff  }
0x216: {  	v61 =	vor.u32 $0x1C, v1;
	v62 =	vld.idx.msk [tilespmem:v14+s6+$0x0], $0xffff;
	v2 =	vadd.f32 v3, v2;
	v3 =	vmul.f32 v6, v55  }
0x217: {  	v10 =	vld.idx.msk [tilespmem:v57+s3+$0x0], $0xffff  }
0x218: {  	v16 =	vld.idx.msk [tilespmem:v16+s6+$0x0], $0xffff;
	v63 =	vor.u32 $0x1D, v1;
	v2 =	vadd.f32 v3, v2;
	v3 =	vmul.f32 v58, v7  }
0x219: {  	v9 =	vld.idx.msk [tilespmem:v59+s3+$0x0], $0xffff  }
0x21a: {  	v18 =	vor.u32 $0x1E, v1;
	v19 =	vld.idx.msk [tilespmem:v11+s6+$0x0], $0xffff;
	v2 =	vadd.f32 v3, v2;
	v3 =	vmul.f32 v60, v8  }
0x21b: {  	v12 =	vld.idx.msk [tilespmem:v61+s3+$0x0], $0xffff  }
0x21c: {  	v1 =	vor.u32 $0x1F, v1;
	v21 =	vld.idx.msk [tilespmem:v13+s6+$0x0], $0xffff;
	v2 =	vadd.f32 v3, v2;
	v3 =	vmul.f32 v62, v10  }
0x21d: {  	v20 =	vld.idx.msk [tilespmem:v63+s3+$0x0], $0xffff  }
0x21e: {  	v22 =	vld.idx.msk [tilespmem:v15+s6+$0x0], $0xffff;
	v2 =	vadd.f32 v3, v2;
	v3 =	vmul.f32 v16, v9  }
0x21f: {  	v7 =	vld.idx.msk [tilespmem:v18+s3+$0x0], $0xffff  }
0x220: {  	v23 =	vld.idx.msk [tilespmem:v17+s6+$0x0], $0xffff;
	v2 =	vadd.f32 v3, v2;
	v3 =	vmul.f32 v19, v12  }
0x221: {  	v1 =	vld.idx.msk [tilespmem:v1+s3+$0x0], $0xffff  }
0x222: {  	v2 =	vadd.f32 v3, v2;
	v3 =	vmul.f32 v21, v20;
	_ =	sdelay $0x1  }
0x223: {  	v2 =	vadd.f32 v3, v2;
	v3 =	vmul.f32 v22, v7;
	_ =	sdelay $0x1  }
0x224: {  	v1 =	vmul.f32 v23, v1;
	v2 =	vadd.f32 v3, v2;
	_ =	sdelay $0x1  }
0x225: {  	v1 =	vadd.f32 v1, v2;
	_ =	sdelay $0x1  }
0x226: {  	v1 =	vsub.f32 $0.0e+00, v1;
	_ =	sdelay $0x1  }
0x227: {  	v1 =	vmul.f32 $1.442695020e+00, v1;
	_ =	sdelay $0x1  }
0x228: {  	(erf) = vpow2.f32 v1;
	_ =	sdelay $0x8  }
0x229: {  	v1 =	vpop (erf)  }
0x22a: {  	v1 =	vadd.f32 $1.000000000e+00, v1;
	_ =	sdelay $0x1  }
0x22b: {  	(erf) = vrcp.f32 v1;
	_ =	sdelay $0x2  }
0x22c: {  	s30 =	simm.s32 $0x10  }
0x22d: {  	v1 =	vmov s30  }
0x22e: {  	v1 =	vshll.u32 v1, $0x7  }
0x22f: {  	v1 =	vor.u32 v0, v1  }
0x230: {  	s7 =	sld [smem:$0x7F2]  }
0x231: {  	v2 =	vor.u32 $0x1, v1  }
0x232: {  	v3 =	vpop (erf)  }
0x233: {  	v4 =	vor.u32 $0x2, v1;
	[tilespmem:s7+$0x0] =	vst v3  }
0x234: {  	v3 =	vld.idx.msk [tilespmem:v1+s4+$0x0], $0xffff  }
0x235: {  	v6 =	vor.u32 $0x3, v1;
	v24 =	vld.idx.msk [tilespmem:v1+s3+$0x0], $0xffff  }
0x236: {  	v25 =	vld.idx.msk [tilespmem:v2+s3+$0x0], $0xffff  }
0x237: {  	v9 =	vor.u32 $0x4, v1;
	v26 =	vld.idx.msk [tilespmem:v2+s4+$0x0], $0xffff  }
0x238: {  	v27 =	vld.idx.msk [tilespmem:v4+s3+$0x0], $0xffff  }
0x239: {  	v12 =	vor.u32 $0x5, v1;
	v28 =	vld.idx.msk [tilespmem:v4+s4+$0x0], $0xffff  }
0x23a: {  	v29 =	vld.idx.msk [tilespmem:v6+s3+$0x0], $0xffff;
	v3 =	vmul.f32 v3, v24  }
0x23b: {  	v14 =	vor.u32 $0x6, v1;
	v30 =	vld.idx.msk [tilespmem:v6+s4+$0x0], $0xffff  }
0x23c: {  	v31 =	vld.idx.msk [tilespmem:v9+s3+$0x0], $0xffff;
	v7 =	vmul.f32 v26, v25;
	v3 =	vadd.f32 $0.0e+00, v3  }
0x23d: {  	v16 =	vor.u32 $0x7, v1;
	v32 =	vld.idx.msk [tilespmem:v9+s4+$0x0], $0xffff  }
0x23e: {  	v33 =	vld.idx.msk [tilespmem:v12+s3+$0x0], $0xffff;
	v34 =	vmul.f32 v28, v27;
	v3 =	vadd.f32 v7, v3  }
0x23f: {  	v11 =	vor.u32 $0x8, v1;
	v35 =	vld.idx.msk [tilespmem:v12+s4+$0x0], $0xffff  }
0x240: {  	v36 =	vld.idx.msk [tilespmem:v14+s3+$0x0], $0xffff;
	v5 =	vmul.f32 v30, v29;
	v3 =	vadd.f32 v34, v3  }
0x241: {  	v13 =	vor.u32 $0x9, v1;
	v37 =	vld.idx.msk [tilespmem:v14+s4+$0x0], $0xffff  }
0x242: {  	v38 =	vld.idx.msk [tilespmem:v16+s3+$0x0], $0xffff;
	v39 =	vmul.f32 v32, v31;
	v3 =	vadd.f32 v5, v3  }
0x243: {  	v15 =	vor.u32 $0xA, v1;
	v40 =	vld.idx.msk [tilespmem:v16+s4+$0x0], $0xffff  }
0x244: {  	v41 =	vld.idx.msk [tilespmem:v11+s3+$0x0], $0xffff;
	v42 =	vmul.f32 v35, v33;
	v3 =	vadd.f32 v39, v3  }
0x245: {  	v17 =	vor.u32 $0xB, v1;
	v43 =	vld.idx.msk [tilespmem:v11+s4+$0x0], $0xffff  }
0x246: {  	v44 =	vld.idx.msk [tilespmem:v13+s3+$0x0], $0xffff;
	v45 =	vmul.f32 v37, v36;
	v3 =	vadd.f32 v42, v3  }
0x247: {  	v47 =	vor.u32 $0xC, v1;
	v46 =	vld.idx.msk [tilespmem:v13+s4+$0x0], $0xffff  }
0x248: {  	v48 =	vld.idx.msk [tilespmem:v15+s3+$0x0], $0xffff;
	v49 =	vmul.f32 v40, v38;
	v3 =	vadd.f32 v45, v3  }
0x249: {  	v51 =	vor.u32 $0xD, v1;
	v50 =	vld.idx.msk [tilespmem:v1+s5+$0x0], $0xffff  }
0x24a: {  	v52 =	vld.idx.msk [tilespmem:v17+s3+$0x0], $0xffff;
	v53 =	vmul.f32 v43, v41;
	v3 =	vadd.f32 v49, v3  }
0x24b: {  	v55 =	vor.u32 $0xE, v1;
	v54 =	vld.idx.msk [tilespmem:v2+s5+$0x0], $0xffff  }
0x24c: {  	v18 =	vld.idx.msk [tilespmem:v47+s3+$0x0], $0xffff;
	v56 =	vmul.f32 v46, v44;
	v3 =	vadd.f32 v53, v3  }
0x24d: {  	v58 =	vor.u32 $0xF, v1;
	v57 =	vld.idx.msk [tilespmem:v4+s5+$0x0], $0xffff  }
0x24e: {  	v19 =	vld.idx.msk [tilespmem:v51+s3+$0x0], $0xffff;
	v59 =	vmul.f32 v50, v48;
	v3 =	vadd.f32 v56, v3  }
0x24f: {  	v61 =	vor.u32 $0x10, v1;
	v60 =	vld.idx.msk [tilespmem:v6+s5+$0x0], $0xffff  }
0x250: {  	v20 =	vld.idx.msk [tilespmem:v55+s3+$0x0], $0xffff;
	v62 =	vmul.f32 v54, v52;
	v3 =	vadd.f32 v59, v3  }
0x251: {  	v63 =	vld.idx.msk [tilespmem:v9+s5+$0x0], $0xffff  }
0x252: {  	v21 =	vld.idx.msk [tilespmem:v58+s3+$0x0], $0xffff;
	v24 =	vor.u32 $0x11, v1;
	v25 =	vmul.f32 v57, v18;
	v3 =	vadd.f32 v62, v3  }
0x253: {  	v26 =	vld.idx.msk [tilespmem:v12+s5+$0x0], $0xffff  }
0x254: {  	v22 =	vld.idx.msk [tilespmem:v61+s3+$0x0], $0xffff;
	v27 =	vor.u32 $0x12, v1;
	v28 =	vmul.f32 v60, v19;
	v3 =	vadd.f32 v25, v3  }
0x255: {  	v29 =	vld.idx.msk [tilespmem:v14+s5+$0x0], $0xffff  }
0x256: {  	v30 =	vor.u32 $0x13, v1;
	v31 =	vmul.f32 v63, v20;
	v32 =	vld.idx.msk [tilespmem:v16+s5+$0x0], $0xffff;
	v3 =	vadd.f32 v28, v3  }
0x257: {  	v23 =	vld.idx.msk [tilespmem:v24+s3+$0x0], $0xffff  }
0x258: {  	v33 =	vor.u32 $0x14, v1;
	v35 =	vld.idx.msk [tilespmem:v11+s5+$0x0], $0xffff;
	v34 =	vmul.f32 v26, v21;
	v3 =	vadd.f32 v31, v3  }
0x259: {  	v18 =	vld.idx.msk [tilespmem:v27+s3+$0x0], $0xffff  }
0x25a: {  	v36 =	vor.u32 $0x15, v1;
	v38 =	vld.idx.msk [tilespmem:v13+s5+$0x0], $0xffff;
	v37 =	vmul.f32 v29, v22;
	v3 =	vadd.f32 v34, v3  }
0x25b: {  	v19 =	vld.idx.msk [tilespmem:v30+s3+$0x0], $0xffff  }
0x25c: {  	v41 =	vld.idx.msk [tilespmem:v1+s6+$0x0], $0xffff;
	v39 =	vor.u32 $0x16, v1;
	v40 =	vmul.f32 v32, v23;
	v3 =	vadd.f32 v37, v3  }
0x25d: {  	v20 =	vld.idx.msk [tilespmem:v33+s3+$0x0], $0xffff  }
0x25e: {  	v2 =	vld.idx.msk [tilespmem:v2+s6+$0x0], $0xffff;
	v43 =	vmul.f32 v35, v18;
	v42 =	vor.u32 $0x17, v1;
	v3 =	vadd.f32 v40, v3  }
0x25f: {  	v21 =	vld.idx.msk [tilespmem:v36+s3+$0x0], $0xffff  }
0x260: {  	v4 =	vld.idx.msk [tilespmem:v4+s6+$0x0], $0xffff;
	v44 =	vor.u32 $0x18, v1;
	v46 =	vmul.f32 v38, v19;
	v3 =	vadd.f32 v43, v3  }
0x261: {  	v47 =	vor.u32 $0x19, v1;
	v45 =	vld.idx.msk [tilespmem:v39+s3+$0x0], $0xffff  }
0x262: {  	v6 =	vld.idx.msk [tilespmem:v6+s6+$0x0], $0xffff;
	v49 =	vmul.f32 v41, v20;
	v3 =	vadd.f32 v46, v3  }
0x263: {  	v48 =	vld.idx.msk [tilespmem:v42+s3+$0x0], $0xffff  }
0x264: {  	v51 =	vld.idx.msk [tilespmem:v9+s6+$0x0], $0xffff;
	v50 =	vor.u32 $0x1A, v1;
	v2 =	vmul.f32 v2, v21;
	v3 =	vadd.f32 v49, v3  }
0x265: {  	v7 =	vld.idx.msk [tilespmem:v44+s3+$0x0], $0xffff  }
0x266: {  	v52 =	vor.u32 $0x1B, v1;
	v8 =	vld.idx.msk [tilespmem:v47+s3+$0x0], $0xffff;
	v2 =	vadd.f32 v2, v3;
	v3 =	vmul.f32 v4, v45  }
0x267: {  	v54 =	vor.u32 $0x1C, v1;
	v53 =	vld.idx.msk [tilespmem:v12+s6+$0x0], $0xffff  }
0x268: {  	v55 =	vld.idx.msk [tilespmem:v14+s6+$0x0], $0xffff;
	v2 =	vadd.f32 v3, v2;
	v3 =	vmul.f32 v6, v48  }
0x269: {  	v10 =	vld.idx.msk [tilespmem:v50+s3+$0x0], $0xffff  }
0x26a: {  	v57 =	vld.idx.msk [tilespmem:v16+s6+$0x0], $0xffff;
	v56 =	vor.u32 $0x1D, v1;
	v2 =	vadd.f32 v3, v2;
	v3 =	vmul.f32 v51, v7  }
0x26b: {  	v9 =	vld.idx.msk [tilespmem:v52+s3+$0x0], $0xffff  }
0x26c: {  	v58 =	vor.u32 $0x1E, v1;
	v12 =	vld.idx.msk [tilespmem:v54+s3+$0x0], $0xffff;
	v2 =	vadd.f32 v3, v2;
	v3 =	vmul.f32 v53, v8  }
0x26d: {  	v59 =	vld.idx.msk [tilespmem:v11+s6+$0x0], $0xffff  }
0x26e: {  	v61 =	vld.idx.msk [tilespmem:v13+s6+$0x0], $0xffff;
	v1 =	vor.u32 $0x1F, v1;
	v2 =	vadd.f32 v3, v2;
	v3 =	vmul.f32 v55, v10  }
0x26f: {  	v60 =	vld.idx.msk [tilespmem:v56+s3+$0x0], $0xffff  }
0x270: {  	v62 =	vld.idx.msk [tilespmem:v15+s6+$0x0], $0xffff;
	v2 =	vadd.f32 v3, v2;
	v3 =	vmul.f32 v57, v9  }
0x271: {  	v7 =	vld.idx.msk [tilespmem:v58+s3+$0x0], $0xffff  }
0x272: {  	v63 =	vld.idx.msk [tilespmem:v17+s6+$0x0], $0xffff;
	v2 =	vadd.f32 v3, v2;
	v3 =	vmul.f32 v59, v12  }
0x273: {  	v1 =	vld.idx.msk [tilespmem:v1+s3+$0x0], $0xffff  }
0x274: {  	v2 =	vadd.f32 v3, v2;
	v3 =	vmul.f32 v61, v60;
	_ =	sdelay $0x1  }
0x275: {  	v2 =	vadd.f32 v3, v2;
	v3 =	vmul.f32 v62, v7;
	_ =	sdelay $0x1  }
0x276: {  	v1 =	vmul.f32 v63, v1;
	v2 =	vadd.f32 v3, v2;
	_ =	sdelay $0x1  }
0x277: {  	v1 =	vadd.f32 v1, v2;
	_ =	sdelay $0x1  }
0x278: {  	v1 =	vsub.f32 $0.0e+00, v1;
	_ =	sdelay $0x1  }
0x279: {  	v1 =	vmul.f32 $1.442695020e+00, v1;
	_ =	sdelay $0x1  }
0x27a: {  	(erf) = vpow2.f32 v1;
	_ =	sdelay $0x8  }
0x27b: {  	v1 =	vpop (erf)  }
0x27c: {  	v1 =	vadd.f32 $1.000000000e+00, v1;
	_ =	sdelay $0x1  }
0x27d: {  	(erf) = vrcp.f32 v1;
	_ =	sdelay $0x2  }
0x27e: {  	s31 =	simm.s32 $0x20  }
0x27f: {  	v2 =	vmov s31  }
0x280: {  	s2 =	simm.s32 $0x30;
	s0 =	smov.u32 s7;
	v1 =	vshll.u32 v2, $0x7  }
.LBB2_5:
0x281: {  	p0 =	sne.s32 s2, $0x70;
	v1 =	vor.u32 v0, v1;
	_ =	sdelay $0x1  }
0x282: {  	v12 =	vor.u32 $0x1, v1  }
0x283: {  	s0 =	sadd.s32 $0x10, s0;
	v2 =	vpop (erf)  }
0x284: {  	v11 =	vor.u32 $0x2, v1;
	[tilespmem:s0+$0x0] =	vst v2  }
0x285: {  	v2 =	vld.idx.msk [tilespmem:v1+s4+$0x0], $0xffff  }
0x286: {  	v10 =	vor.u32 $0x3, v1;
	v3 =	vld.idx.msk [tilespmem:v1+s3+$0x0], $0xffff  }
0x287: {  	v4 =	vld.idx.msk [tilespmem:v12+s3+$0x0], $0xffff  }
0x288: {  	v9 =	vor.u32 $0x4, v1;
	v5 =	vld.idx.msk [tilespmem:v12+s4+$0x0], $0xffff  }
0x289: {  	v7 =	vld.idx.msk [tilespmem:v11+s3+$0x0], $0xffff  }
0x28a: {  	v6 =	vor.u32 $0x5, v1;
	v8 =	vld.idx.msk [tilespmem:v11+s4+$0x0], $0xffff  }
0x28b: {  	v13 =	vld.idx.msk [tilespmem:v10+s3+$0x0], $0xffff  }
0x28c: {  	v3 =	vmul.f32 v2, v3;
	v2 =	vor.u32 $0x6, v1;
	v14 =	vld.idx.msk [tilespmem:v10+s4+$0x0], $0xffff  }
0x28d: {  	v15 =	vld.idx.msk [tilespmem:v9+s3+$0x0], $0xffff  }
0x28e: {  	v16 =	vadd.f32 $0.0e+00, v3;
	v4 =	vmul.f32 v5, v4;
	v3 =	vor.u32 $0x7, v1;
	v17 =	vld.idx.msk [tilespmem:v9+s4+$0x0], $0xffff  }
0x28f: {  	v18 =	vld.idx.msk [tilespmem:v6+s3+$0x0], $0xffff  }
0x290: {  	v5 =	vadd.f32 v4, v16;
	v7 =	vmul.f32 v8, v7;
	v4 =	vor.u32 $0x8, v1;
	v8 =	vld.idx.msk [tilespmem:v6+s4+$0x0], $0xffff  }
0x291: {  	v16 =	vld.idx.msk [tilespmem:v2+s3+$0x0], $0xffff  }
0x292: {  	v7 =	vadd.f32 v7, v5;
	v13 =	vmul.f32 v14, v13;
	v5 =	vor.u32 $0x9, v1;
	v14 =	vld.idx.msk [tilespmem:v2+s4+$0x0], $0xffff  }
0x293: {  	v19 =	vld.idx.msk [tilespmem:v3+s3+$0x0], $0xffff  }
0x294: {  	v13 =	vadd.f32 v13, v7;
	v15 =	vmul.f32 v17, v15;
	v7 =	vor.u32 $0xA, v1;
	v17 =	vld.idx.msk [tilespmem:v3+s4+$0x0], $0xffff  }
0x295: {  	v20 =	vld.idx.msk [tilespmem:v4+s3+$0x0], $0xffff  }
0x296: {  	v13 =	vadd.f32 v15, v13;
	v15 =	vmul.f32 v8, v18;
	v8 =	vor.u32 $0xB, v1;
	v18 =	vld.idx.msk [tilespmem:v4+s4+$0x0], $0xffff  }
0x297: {  	v21 =	vld.idx.msk [tilespmem:v5+s3+$0x0], $0xffff  }
0x298: {  	v13 =	vadd.f32 v15, v13;
	v14 =	vmul.f32 v14, v16;
	v16 =	vor.u32 $0xC, v1;
	v15 =	vld.idx.msk [tilespmem:v5+s4+$0x0], $0xffff  }
0x299: {  	v22 =	vld.idx.msk [tilespmem:v7+s3+$0x0], $0xffff  }
0x29a: {  	v13 =	vadd.f32 v14, v13;
	v14 =	vmul.f32 v17, v19;
	v19 =	vor.u32 $0xD, v1;
	v17 =	vld.idx.msk [tilespmem:v1+s5+$0x0], $0xffff  }
0x29b: {  	v23 =	vld.idx.msk [tilespmem:v8+s3+$0x0], $0xffff  }
0x29c: {  	v13 =	vadd.f32 v14, v13;
	v14 =	vmul.f32 v18, v20;
	v20 =	vor.u32 $0xE, v1;
	v18 =	vld.idx.msk [tilespmem:v12+s5+$0x0], $0xffff  }
0x29d: {  	v16 =	vld.idx.msk [tilespmem:v16+s3+$0x0], $0xffff  }
0x29e: {  	v13 =	vadd.f32 v14, v13;
	v14 =	vmul.f32 v15, v21;
	v21 =	vor.u32 $0xF, v1;
	v15 =	vld.idx.msk [tilespmem:v11+s5+$0x0], $0xffff  }
0x29f: {  	v19 =	vld.idx.msk [tilespmem:v19+s3+$0x0], $0xffff  }
0x2a0: {  	v13 =	vadd.f32 v14, v13;
	v14 =	vmul.f32 v17, v22;
	v22 =	vor.u32 $0x10, v1;
	v17 =	vld.idx.msk [tilespmem:v10+s5+$0x0], $0xffff  }
0x2a1: {  	v20 =	vld.idx.msk [tilespmem:v20+s3+$0x0], $0xffff  }
0x2a2: {  	v13 =	vadd.f32 v14, v13;
	v14 =	vmul.f32 v18, v23;
	v23 =	vor.u32 $0x11, v1;
	v18 =	vld.idx.msk [tilespmem:v9+s5+$0x0], $0xffff  }
0x2a3: {  	v21 =	vld.idx.msk [tilespmem:v21+s3+$0x0], $0xffff  }
0x2a4: {  	v13 =	vadd.f32 v14, v13;
	v14 =	vmul.f32 v15, v16;
	v16 =	vor.u32 $0x12, v1;
	v15 =	vld.idx.msk [tilespmem:v6+s5+$0x0], $0xffff  }
0x2a5: {  	v22 =	vld.idx.msk [tilespmem:v22+s3+$0x0], $0xffff  }
0x2a6: {  	v13 =	vadd.f32 v14, v13;
	v14 =	vmul.f32 v17, v19;
	v19 =	vor.u32 $0x13, v1;
	v17 =	vld.idx.msk [tilespmem:v2+s5+$0x0], $0xffff  }
0x2a7: {  	v23 =	vld.idx.msk [tilespmem:v23+s3+$0x0], $0xffff  }
0x2a8: {  	v13 =	vadd.f32 v14, v13;
	v14 =	vmul.f32 v18, v20;
	v20 =	vor.u32 $0x14, v1;
	v18 =	vld.idx.msk [tilespmem:v3+s5+$0x0], $0xffff  }
0x2a9: {  	v16 =	vld.idx.msk [tilespmem:v16+s3+$0x0], $0xffff  }
0x2aa: {  	v13 =	vadd.f32 v14, v13;
	v14 =	vmul.f32 v15, v21;
	v21 =	vor.u32 $0x15, v1;
	v15 =	vld.idx.msk [tilespmem:v4+s5+$0x0], $0xffff  }
0x2ab: {  	v19 =	vld.idx.msk [tilespmem:v19+s3+$0x0], $0xffff  }
0x2ac: {  	v13 =	vadd.f32 v14, v13;
	v14 =	vmul.f32 v17, v22;
	v22 =	vor.u32 $0x16, v1;
	v17 =	vld.idx.msk [tilespmem:v5+s5+$0x0], $0xffff  }
0x2ad: {  	v20 =	vld.idx.msk [tilespmem:v20+s3+$0x0], $0xffff  }
0x2ae: {  	v13 =	vadd.f32 v14, v13;
	v14 =	vmul.f32 v18, v23;
	v23 =	vor.u32 $0x17, v1;
	v18 =	vld.idx.msk [tilespmem:v1+s6+$0x0], $0xffff  }
0x2af: {  	v21 =	vld.idx.msk [tilespmem:v21+s3+$0x0], $0xffff  }
0x2b0: {  	v13 =	vadd.f32 v14, v13;
	v14 =	vmul.f32 v15, v16;
	v15 =	vor.u32 $0x18, v1;
	v12 =	vld.idx.msk [tilespmem:v12+s6+$0x0], $0xffff  }
0x2b1: {  	v16 =	vld.idx.msk [tilespmem:v22+s3+$0x0], $0xffff  }
0x2b2: {  	v13 =	vadd.f32 v14, v13;
	v14 =	vmul.f32 v17, v19;
	v17 =	vor.u32 $0x19, v1;
	v11 =	vld.idx.msk [tilespmem:v11+s6+$0x0], $0xffff  }
0x2b3: {  	v19 =	vld.idx.msk [tilespmem:v23+s3+$0x0], $0xffff  }
0x2b4: {  	v13 =	vadd.f32 v14, v13;
	v14 =	vmul.f32 v18, v20;
	v18 =	vor.u32 $0x1A, v1;
	v10 =	vld.idx.msk [tilespmem:v10+s6+$0x0], $0xffff  }
0x2b5: {  	v15 =	vld.idx.msk [tilespmem:v15+s3+$0x0], $0xffff  }
0x2b6: {  	v13 =	vadd.f32 v14, v13;
	v12 =	vmul.f32 v12, v21;
	v14 =	vor.u32 $0x1B, v1;
	v9 =	vld.idx.msk [tilespmem:v9+s6+$0x0], $0xffff  }
0x2b7: {  	v17 =	vld.idx.msk [tilespmem:v17+s3+$0x0], $0xffff  }
0x2b8: {  	v12 =	vadd.f32 v12, v13;
	v11 =	vmul.f32 v11, v16;
	v13 =	vor.u32 $0x1C, v1;
	v6 =	vld.idx.msk [tilespmem:v6+s6+$0x0], $0xffff  }
0x2b9: {  	v16 =	vld.idx.msk [tilespmem:v18+s3+$0x0], $0xffff  }
0x2ba: {  	v11 =	vadd.f32 v11, v12;
	v10 =	vmul.f32 v10, v19;
	v12 =	vor.u32 $0x1D, v1;
	v2 =	vld.idx.msk [tilespmem:v2+s6+$0x0], $0xffff  }
0x2bb: {  	v14 =	vld.idx.msk [tilespmem:v14+s3+$0x0], $0xffff  }
0x2bc: {  	v10 =	vadd.f32 v10, v11;
	v9 =	vmul.f32 v9, v15;
	v11 =	vor.u32 $0x1E, v1;
	v3 =	vld.idx.msk [tilespmem:v3+s6+$0x0], $0xffff  }
0x2bd: {  	v13 =	vld.idx.msk [tilespmem:v13+s3+$0x0], $0xffff  }
0x2be: {  	v1 =	vor.u32 $0x1F, v1;
	v9 =	vadd.f32 v9, v10;
	v6 =	vmul.f32 v6, v17;
	v4 =	vld.idx.msk [tilespmem:v4+s6+$0x0], $0xffff  }
0x2bf: {  	v10 =	vld.idx.msk [tilespmem:v12+s3+$0x0], $0xffff  }
0x2c0: {  	v6 =	vadd.f32 v6, v9;
	v2 =	vmul.f32 v2, v16;
	v5 =	vld.idx.msk [tilespmem:v5+s6+$0x0], $0xffff  }
0x2c1: {  	v9 =	vld.idx.msk [tilespmem:v11+s3+$0x0], $0xffff  }
0x2c2: {  	v2 =	vadd.f32 v2, v6;
	v3 =	vmul.f32 v3, v14;
	v6 =	vld.idx.msk [tilespmem:v7+s6+$0x0], $0xffff  }
0x2c3: {  	v1 =	vld.idx.msk [tilespmem:v1+s3+$0x0], $0xffff  }
0x2c4: {  	v2 =	vadd.f32 v3, v2;
	v3 =	vmul.f32 v4, v13;
	v4 =	vld.idx.msk [tilespmem:v8+s6+$0x0], $0xffff;
	_ =	sdelay $0x1  }
0x2c5: {  	v2 =	vadd.f32 v3, v2;
	v3 =	vmul.f32 v5, v10;
	_ =	sdelay $0x1  }
0x2c6: {  	v2 =	vadd.f32 v3, v2;
	v3 =	vmul.f32 v6, v9;
	_ =	sdelay $0x1  }
0x2c7: {  	v2 =	vadd.f32 v3, v2;
	v1 =	vmul.f32 v4, v1;
	_ =	sdelay $0x1  }
0x2c8: {  	v1 =	vadd.f32 v1, v2;
	_ =	sdelay $0x1  }
0x2c9: {  	v1 =	vsub.f32 $0.0e+00, v1;
	_ =	sdelay $0x1  }
0x2ca: {  	v1 =	vmul.f32 $1.442695020e+00, v1;
	_ =	sdelay $0x1  }
0x2cb: {  	(erf) = vpow2.f32 v1;
	_ =	sdelay $0x8  }
0x2cc: {  	v1 =	vpop (erf)  }
0x2cd: {  	v1 =	vadd.f32 $1.000000000e+00, v1;
	_ =	sdelay $0x1  }
0x2ce: {  	(erf) = vrcp.f32 v1  }
.Ltmp1:
0x2cf: {  	(pc) =	sbr.rel @p0 .LBB2_5-.Ltmp1, $3  }
0x2d0: {  	_ =	sdelay $0x1  }
0x2d1: {  	v1 =	vmov s2  }
0x2d2: {  	s2 =	sadd.s32 $0x10, s2;
	v1 =	vshll.u32 v1, $0x7  }
0x2d3: {  	v1 =	vor.u32 v0, v1;
	_ =	sdelay $0x1  }
0x2d4: {  	v2 =	vor.u32 $0x1, v1  }
0x2d5: {  	s0 =	sadd.s32 $0x10, s0;
	v3 =	vpop (erf)  }
0x2d6: {  	v4 =	vor.u32 $0x2, v1;
	[tilespmem:s0+$0x0] =	vst v3  }
0x2d7: {  	v3 =	vld.idx.msk [tilespmem:v1+s4+$0x0], $0xffff  }
0x2d8: {  	v6 =	vor.u32 $0x3, v1;
	v5 =	vld.idx.msk [tilespmem:v1+s3+$0x0], $0xffff  }
0x2d9: {  	v7 =	vld.idx.msk [tilespmem:v2+s3+$0x0], $0xffff  }
0x2da: {  	v9 =	vor.u32 $0x4, v1;
	v8 =	vld.idx.msk [tilespmem:v2+s4+$0x0], $0xffff  }
0x2db: {  	v10 =	vld.idx.msk [tilespmem:v4+s3+$0x0], $0xffff  }
0x2dc: {  	v12 =	vor.u32 $0x5, v1;
	v11 =	vld.idx.msk [tilespmem:v4+s4+$0x0], $0xffff  }
0x2dd: {  	v13 =	vld.idx.msk [tilespmem:v6+s3+$0x0], $0xffff;
	v3 =	vmul.f32 v3, v5  }
0x2de: {  	v14 =	vor.u32 $0x6, v1;
	v38 =	vld.idx.msk [tilespmem:v6+s4+$0x0], $0xffff  }
0x2df: {  	v15 =	vld.idx.msk [tilespmem:v9+s3+$0x0], $0xffff;
	v7 =	vmul.f32 v8, v7;
	v3 =	vadd.f32 $0.0e+00, v3  }
0x2e0: {  	v16 =	vor.u32 $0x7, v1;
	v39 =	vld.idx.msk [tilespmem:v9+s4+$0x0], $0xffff  }
0x2e1: {  	v17 =	vld.idx.msk [tilespmem:v12+s3+$0x0], $0xffff;
	v40 =	vmul.f32 v11, v10;
	v3 =	vadd.f32 v7, v3  }
0x2e2: {  	v41 =	vld.idx.msk [tilespmem:v12+s4+$0x0], $0xffff;
	v11 =	vor.u32 $0x8, v1  }
0x2e3: {  	v18 =	vld.idx.msk [tilespmem:v14+s3+$0x0], $0xffff;
	v5 =	vmul.f32 v38, v13;
	v3 =	vadd.f32 v40, v3  }
0x2e4: {  	v42 =	vld.idx.msk [tilespmem:v14+s4+$0x0], $0xffff;
	v13 =	vor.u32 $0x9, v1  }
0x2e5: {  	v19 =	vld.idx.msk [tilespmem:v16+s3+$0x0], $0xffff;
	v43 =	vmul.f32 v39, v15;
	v3 =	vadd.f32 v5, v3  }
0x2e6: {  	v44 =	vld.idx.msk [tilespmem:v16+s4+$0x0], $0xffff  }
0x2e7: {  	v15 =	vor.u32 $0xA, v1;
	v45 =	vmul.f32 v41, v17;
	v20 =	vld.idx.msk [tilespmem:v11+s3+$0x0], $0xffff;
	v3 =	vadd.f32 v43, v3  }
0x2e8: {  	v46 =	vld.idx.msk [tilespmem:v11+s4+$0x0], $0xffff  }
0x2e9: {  	v17 =	vor.u32 $0xB, v1;
	v47 =	vmul.f32 v42, v18;
	v21 =	vld.idx.msk [tilespmem:v13+s3+$0x0], $0xffff;
	v3 =	vadd.f32 v45, v3  }
0x2ea: {  	v48 =	vld.idx.msk [tilespmem:v13+s4+$0x0], $0xffff  }
0x2eb: {  	v49 =	vor.u32 $0xC, v1;
	v51 =	vld.idx.msk [tilespmem:v1+s5+$0x0], $0xffff;
	v50 =	vmul.f32 v44, v19;
	v3 =	vadd.f32 v47, v3  }
0x2ec: {  	v22 =	vld.idx.msk [tilespmem:v15+s3+$0x0], $0xffff  }
0x2ed: {  	v52 =	vor.u32 $0xD, v1;
	v54 =	vld.idx.msk [tilespmem:v2+s5+$0x0], $0xffff;
	v53 =	vmul.f32 v46, v20;
	v3 =	vadd.f32 v50, v3  }
0x2ee: {  	v23 =	vld.idx.msk [tilespmem:v17+s3+$0x0], $0xffff  }
0x2ef: {  	v55 =	vor.u32 $0xE, v1;
	v57 =	vld.idx.msk [tilespmem:v4+s5+$0x0], $0xffff;
	v56 =	vmul.f32 v48, v21;
	v3 =	vadd.f32 v53, v3  }
0x2f0: {  	v18 =	vld.idx.msk [tilespmem:v49+s3+$0x0], $0xffff  }
0x2f1: {  	v58 =	vor.u32 $0xF, v1;
	v60 =	vld.idx.msk [tilespmem:v6+s5+$0x0], $0xffff;
	v59 =	vmul.f32 v51, v22;
	v3 =	vadd.f32 v56, v3  }
0x2f2: {  	v19 =	vld.idx.msk [tilespmem:v52+s3+$0x0], $0xffff  }
0x2f3: {  	v61 =	vor.u32 $0x10, v1;
	v63 =	vld.idx.msk [tilespmem:v9+s5+$0x0], $0xffff;
	v62 =	vmul.f32 v54, v23;
	v3 =	vadd.f32 v59, v3  }
0x2f4: {  	v20 =	vld.idx.msk [tilespmem:v55+s3+$0x0], $0xffff  }
0x2f5: {  	v24 =	vor.u32 $0x11, v1;
	v26 =	vld.idx.msk [tilespmem:v12+s5+$0x0], $0xffff;
	v25 =	vmul.f32 v57, v18;
	v3 =	vadd.f32 v62, v3  }
0x2f6: {  	v27 =	vor.u32 $0x12, v1;
	v21 =	vld.idx.msk [tilespmem:v58+s3+$0x0], $0xffff  }
0x2f7: {  	v29 =	vld.idx.msk [tilespmem:v14+s5+$0x0], $0xffff;
	v28 =	vmul.f32 v60, v19;
	v3 =	vadd.f32 v25, v3  }
0x2f8: {  	v30 =	vor.u32 $0x13, v1;
	v22 =	vld.idx.msk [tilespmem:v61+s3+$0x0], $0xffff  }
0x2f9: {  	v32 =	vld.idx.msk [tilespmem:v16+s5+$0x0], $0xffff;
	v31 =	vmul.f32 v63, v20;
	v3 =	vadd.f32 v28, v3  }
0x2fa: {  	v23 =	vld.idx.msk [tilespmem:v24+s3+$0x0], $0xffff  }
0x2fb: {  	v33 =	vor.u32 $0x14, v1;
	v18 =	vld.idx.msk [tilespmem:v27+s3+$0x0], $0xffff;
	v34 =	vmul.f32 v26, v21;
	v3 =	vadd.f32 v31, v3  }
0x2fc: {  	v35 =	vld.idx.msk [tilespmem:v11+s5+$0x0], $0xffff  }
0x2fd: {  	v36 =	vor.u32 $0x15, v1;
	v19 =	vld.idx.msk [tilespmem:v30+s3+$0x0], $0xffff;
	v37 =	vmul.f32 v29, v22;
	v3 =	vadd.f32 v34, v3  }
0x2fe: {  	v38 =	vld.idx.msk [tilespmem:v13+s5+$0x0], $0xffff  }
0x2ff: {  	v39 =	vor.u32 $0x16, v1;
	v41 =	vld.idx.msk [tilespmem:v1+s6+$0x0], $0xffff;
	v40 =	vmul.f32 v32, v23;
	v3 =	vadd.f32 v37, v3  }
0x300: {  	v20 =	vld.idx.msk [tilespmem:v33+s3+$0x0], $0xffff  }
0x301: {  	v2 =	vld.idx.msk [tilespmem:v2+s6+$0x0], $0xffff;
	v42 =	vor.u32 $0x17, v1;
	v43 =	vmul.f32 v35, v18;
	v3 =	vadd.f32 v40, v3  }
0x302: {  	v44 =	vor.u32 $0x18, v1;
	v21 =	vld.idx.msk [tilespmem:v36+s3+$0x0], $0xffff  }
0x303: {  	v4 =	vld.idx.msk [tilespmem:v4+s6+$0x0], $0xffff;
	v46 =	vmul.f32 v38, v19;
	v3 =	vadd.f32 v43, v3  }
0x304: {  	v45 =	vld.idx.msk [tilespmem:v39+s3+$0x0], $0xffff  }
0x305: {  	v6 =	vld.idx.msk [tilespmem:v6+s6+$0x0], $0xffff;
	v47 =	vor.u32 $0x19, v1;
	v49 =	vmul.f32 v41, v20;
	v3 =	vadd.f32 v46, v3  }
0x306: {  	v48 =	vld.idx.msk [tilespmem:v42+s3+$0x0], $0xffff  }
0x307: {  	v7 =	vld.idx.msk [tilespmem:v44+s3+$0x0], $0xffff;
	v50 =	vor.u32 $0x1A, v1;
	v2 =	vmul.f32 v2, v21;
	v3 =	vadd.f32 v49, v3  }
0x308: {  	v51 =	vld.idx.msk [tilespmem:v9+s6+$0x0], $0xffff  }
0x309: {  	v52 =	vor.u32 $0x1B, v1;
	v53 =	vld.idx.msk [tilespmem:v12+s6+$0x0], $0xffff;
	v2 =	vadd.f32 v2, v3;
	v3 =	vmul.f32 v4, v45  }
0x30a: {  	v54 =	vor.u32 $0x1C, v1;
	v8 =	vld.idx.msk [tilespmem:v47+s3+$0x0], $0xffff  }
0x30b: {  	v55 =	vld.idx.msk [tilespmem:v14+s6+$0x0], $0xffff;
	v2 =	vadd.f32 v3, v2;
	v3 =	vmul.f32 v6, v48  }
0x30c: {  	v10 =	vld.idx.msk [tilespmem:v50+s3+$0x0], $0xffff  }
0x30d: {  	v57 =	vld.idx.msk [tilespmem:v16+s6+$0x0], $0xffff;
	v56 =	vor.u32 $0x1D, v1;
	v2 =	vadd.f32 v3, v2;
	v3 =	vmul.f32 v51, v7  }
0x30e: {  	v9 =	vld.idx.msk [tilespmem:v52+s3+$0x0], $0xffff  }
0x30f: {  	v58 =	vor.u32 $0x1E, v1;
	v12 =	vld.idx.msk [tilespmem:v54+s3+$0x0], $0xffff;
	v2 =	vadd.f32 v3, v2;
	v3 =	vmul.f32 v53, v8  }
0x310: {  	v59 =	vld.idx.msk [tilespmem:v11+s6+$0x0], $0xffff  }
0x311: {  	v61 =	vld.idx.msk [tilespmem:v13+s6+$0x0], $0xffff;
	v1 =	vor.u32 $0x1F, v1;
	v2 =	vadd.f32 v3, v2;
	v3 =	vmul.f32 v55, v10  }
0x312: {  	v60 =	vld.idx.msk [tilespmem:v56+s3+$0x0], $0xffff  }
0x313: {  	v62 =	vld.idx.msk [tilespmem:v15+s6+$0x0], $0xffff;
	v2 =	vadd.f32 v3, v2;
	v3 =	vmul.f32 v57, v9  }
0x314: {  	v7 =	vld.idx.msk [tilespmem:v58+s3+$0x0], $0xffff  }
0x315: {  	v63 =	vld.idx.msk [tilespmem:v17+s6+$0x0], $0xffff;
	v2 =	vadd.f32 v3, v2;
	v3 =	vmul.f32 v59, v12  }
0x316: {  	v1 =	vld.idx.msk [tilespmem:v1+s3+$0x0], $0xffff  }
0x317: {  	v2 =	vadd.f32 v3, v2;
	v3 =	vmul.f32 v61, v60;
	_ =	sdelay $0x1  }
0x318: {  	v2 =	vadd.f32 v3, v2;
	v3 =	vmul.f32 v62, v7;
	_ =	sdelay $0x1  }
0x319: {  	v1 =	vmul.f32 v63, v1;
	v2 =	vadd.f32 v3, v2;
	_ =	sdelay $0x1  }
0x31a: {  	v1 =	vadd.f32 v1, v2;
	_ =	sdelay $0x1  }
0x31b: {  	v1 =	vsub.f32 $0.0e+00, v1;
	_ =	sdelay $0x1  }
0x31c: {  	v1 =	vmul.f32 $1.442695020e+00, v1;
	_ =	sdelay $0x1  }
0x31d: {  	(erf) = vpow2.f32 v1;
	_ =	sdelay $0x8  }
0x31e: {  	v1 =	vpop (erf)  }
0x31f: {  	v1 =	vadd.f32 $1.000000000e+00, v1;
	_ =	sdelay $0x1  }
0x320: {  	(erf) = vrcp.f32 v1  }
0x321: {  	s2 =	sld [smem:$0x7F1];
	_ =	sdelay $0x2  }
0x322: {  	s21 =	sld [smem:$0x7F5];
	s2 =	sadd.s32 $0x1, s2  }
0x323: {  	s25 =	sld [smem:$0x7F4];
	p0 =	sne.s32 s2, $0x4  }
.Ltmp2:
0x324: {  	s24 =	sld [smem:$0x7F3];
	(pc) =	sbr.rel @p0 .LBB2_2-.Ltmp2, $3  }
0x325: {  	s29 =	sld [smem:$0x7F6];
	_ =	sdelay $0x1  }
0x326: {  	s7 =	sadd.s32 $0x80, s7;
	s21 =	sadd.s32 $0x80, s21;
	s0 =	sadd.s32 $0x10, s0;
	v1 =	vpop (erf)  }
0x327: {  	s25 =	sadd.s32 $0x80, s25;
	s24 =	sadd.s32 $0x80, s24;
	s29 =	sadd.s32 $0x80, s29;
	[tilespmem:s0+$0x0] =	vst v1  }
0x328: {  	s0 =	sld [smem:$0x7FC];
	_ =	sdelay $0x1  }
0x329: {  	s2 =	simm.s32 $0x10800  }
0x32a: {  	[hbm4b:s0+s1] =	stream.linear.scatter [tilespmem:s2], [sflag:$0x5], $0x200, $0x38;
	[tilespmem:$0x10A00] =	vst v63  }
0x32b: {  	s2 =	simm.s32 $0x5  }
0x32c: {  	_ =	swait.ge [sflag:s2], $0x200  }
0x32d: {  	s3 =	sld [smem:$0x7F7]  }
0x32e: {  	s31 =	sld [smem:$0x7FD];
	_ =	sdelay $0x1  }
0x32f: {  	s3 =	sadd.s32 $0x1, s3  }
0x330: {  	p0 =	sne.s32 s3, s31  }
.Ltmp3:
0x331: {  	_ = 	snop;
	(pc) =	sbr.rel @p0 .LBB2_1-.Ltmp3, $3  }
0x332: {  	_ =	sdelay $0x1  }
0x333: {  	[sflag:s2] =	ssyncset.done $0x0  }
0x334: {  	[sflag:s2] =	ssyncadd.s32 $0xFFFFFE00  }
0x335: {  	_ =	sfence.sel $0x180000  }
0x336: {  	[bflag:$0x0] =	sbarrier.arrive $0xFFFF  }
0x337: {  	_ =	strace $0x90000047  }
0x338: {  	s0 =	stileid.u32;
	[bflag:$0x2] =	sbarrier.arrive $0xFFFF  }
0x339: {  	p0 =	sne.s32 s0, $0x0;
	s0 =	rddreg [dreg:$0x6]  }
0x33a: {  	s0 =	sadd.s32 @!p0 $0x100000, s0  }
0x33b: {  	[sflag:s0] =	ssyncadd.tile.s32 @!p0 $0x1;
	_ =	shalt  }
.Lfunc_end2:
_tile_overlayer_lowered:
.L_overlay_start_2:
0x33c: {  	(tag) =	ssettag $0x2  }
0x33d: {  	s0 =	rddreg [dreg:$0x0];
	s2 =	stileid.u32  }
0x33e: {  	s1 =	rddreg [dreg:$0x1];
	p0 =	sne.s32 s2, $0x0  }
0x33f: {  	s3 =	rddreg [dreg:$0x2];
	[bflag:$0x3] =	sbarrier.arrive $0xFFFF;
	s2 =	simm.s32 @!p0 $0x1C05  }
0x340: {  	[timem:s3], [sflag:s2] =	dma.local @!p0 [hbm:s0], s1  }
0x341: {  	s0 =	simm.s32 @!p0 $0x5  }
0x342: {  	_ =	swait.ge @!p0 [sflag:s0], s1  }
0x343: {  	s1 =	ssub.s32 @!p0 $0x0, s1;
	[sflag:s0] =	ssyncset.done @!p0 $0x0  }
0x344: {  	[sflag:s0] =	ssyncadd.s32 @!p0 s1  }
0x345: {  	[bflag:$0x3] =	sbarrier.arrive $0xFFFF  }
0x346: {  	_ =	shalt  }

</sc_bundles>
